<compile_context>
chip_gen: v7x
topology: tpu7x:2x2x1
jax: 0.10.2.dev20260603
libtpu: 0.0.44.dev20260713+nightly
codegen_flags: <defaults>
</compile_context>

<pallas_src>
import functools

import jax
import jax.numpy as jnp
from jax import lax
from jax.experimental import pallas as pl
from jax.experimental.pallas import tpu as pltpu
from jax.experimental.pallas import tpu_sc as plsc

H = 8
CMID = 8
ROW = 48
NB1 = 1000
NB3 = 400


def _k1_body(x_ref, p_ref, w0_ref, w1_ref, wn_ref, ws_ref, t_ref, s_ref):
    x = x_ref[...]
    p4 = p_ref[...]
    sq = x * x
    sn = jnp.sqrt(jnp.mean(sq[:, 0:1, :], axis=(1, 2), keepdims=True) + 1e-5)
    vn = jnp.sqrt(jnp.mean(sq[:, 1:4, :], axis=(1, 2), keepdims=True) + 1e-5)
    w0 = w0_ref[...][None]
    w1 = w1_ref[...][None]
    xs = x[:, 0:1, :] / sn * w0
    xv = x[:, 1:4, :] / vn * w1
    xn = jnp.concatenate([xs, xv], axis=1)
    xf = xn.reshape(NB1 * 4, 128)
    a = (xf @ wn_ref[...]).reshape(NB1, 4, CMID)
    b = (xf @ ws_ref[...]).reshape(NB1, 4, CMID)
    pb = jnp.broadcast_to(p4[:, None, :], (NB1, 4, 4))
    t_ref[:, :, 0:CMID] = a
    t_ref[:, :, CMID:12] = pb
    s_ref[:, :, 0:CMID] = b
    s_ref[:, :, CMID:12] = pb


def _k2_body(table_hbm, idx_hbm, out_hbm, idx_v, rows_v, sem0, sem1,
             *, epw, chunk):
    c = lax.axis_index("c")
    s = lax.axis_index("s")
    wid = s * 2 + c
    base = wid * epw
    nchunks = epw // chunk
    sems = (sem0, sem1)
    pltpu.sync_copy(idx_hbm.at[pl.ds(wid * nchunks, nchunks)], idx_v)
    copies = [None, None]
    for k in range(nchunks):
        b = k % 2
        copies[b] = pltpu.async_copy(table_hbm.at[idx_v.at[k]],
                                     rows_v.at[b], sems[b])
        if k > 0:
            copies[1 - b].wait()
            pltpu.sync_copy(rows_v.at[1 - b],
                            out_hbm.at[pl.ds(base + (k - 1) * chunk, chunk)])
    copies[(nchunks - 1) % 2].wait()
    pltpu.sync_copy(rows_v.at[(nchunks - 1) % 2],
                    out_hbm.at[pl.ds(base + (nchunks - 1) * chunk, chunk)])


def _k3_body(g_ref, s_ref, wl0_ref, wm0_ref, wa_ref, wb_ref, wout_ref, o_ref):
    g = g_ref[...]
    sf = s_ref[...]
    wl0 = wl0_ref[...]
    wa3 = wa_ref[...][None]
    wb3 = wb_ref[...][None]
    wm3 = wm0_ref[...][None]

    m_s = g[:, :, 0:8] + sf[:, None, 0:8]
    m_x = g[:, :, 12:20] + sf[:, None, 12:20]
    m_y = g[:, :, 24:32] + sf[:, None, 24:32]
    m_z = g[:, :, 36:44] + sf[:, None, 36:44]

    dx = g[:, :, 8:9] - sf[:, None, 8:9]
    dy = g[:, :, 9:10] - sf[:, None, 9:10]
    dz = g[:, :, 10:11] - sf[:, None, 10:11]
    length = jnp.sqrt(dx * dx + dy * dy + dz * dz)
    inv = 1.0 / (length + 1e-8)
    ux = dx * inv
    uy = dy * inv
    uz = dz * inv

    f = 1.0 / (1.0 + uz + 1e-8)
    r00 = 1.0 - f * ux * ux
    r01 = -f * ux * uy
    r02 = -ux
    r11 = 1.0 - f * uy * uy
    r22 = 1.0 - f * (ux * ux + uy * uy)

    vrx = r00 * m_x + r01 * m_y + r02 * m_z
    vry = r01 * m_x + r11 * m_y - uy * m_z
    vrz = ux * m_x + uy * m_y + r22 * m_z
    x2 = wa3 * vrx - wb3 * vry
    y2 = wb3 * vrx + wa3 * vry
    z2 = wm3 * vrz
    vbx = r00 * x2 + r01 * y2 + ux * z2
    vby = r01 * x2 + r11 * y2 + uy * z2
    vbz = r02 * x2 - uy * y2 + r22 * z2

    s0 = jnp.sum(m_s, axis=1) * wl0
    sx = jnp.sum(vbx, axis=1)
    sy = jnp.sum(vby, axis=1)
    sz = jnp.sum(vbz, axis=1)

    wout = wout_ref[...]
    o_ref[:, 0, :] = s0 @ wout
    o_ref[:, 1, :] = sx @ wout
    o_ref[:, 2, :] = sy @ wout
    o_ref[:, 3, :] = sz @ wout


def kernel(s_feats, s_points, neighbor_indices, ln_w0, ln_w1, W_in, W_out,
           w_l0, w_m0, w_a, w_b):
    N, L, C = s_feats.shape
    f32 = jnp.float32

    p4 = jnp.concatenate([s_points, jnp.zeros((N, 1), f32)], axis=1)
    grid1 = N // NB1
    t_tab, s_tab = pl.pallas_call(
        _k1_body,
        grid=(grid1,),
        in_specs=[
            pl.BlockSpec((NB1, 4, C), lambda i: (i, 0, 0)),
            pl.BlockSpec((NB1, 4), lambda i: (i, 0)),
            pl.BlockSpec((1, C), lambda i: (0, 0)),
            pl.BlockSpec((1, C), lambda i: (0, 0)),
            pl.BlockSpec((C, CMID), lambda i: (0, 0)),
            pl.BlockSpec((C, CMID), lambda i: (0, 0)),
        ],
        out_specs=[
            pl.BlockSpec((NB1, 4, 12), lambda i: (i, 0, 0)),
            pl.BlockSpec((NB1, 4, 12), lambda i: (i, 0, 0)),
        ],
        out_shape=[
            jax.ShapeDtypeStruct((N, 4, 12), f32),
            jax.ShapeDtypeStruct((N, 4, 12), f32),
        ],
    )(s_feats, p4, ln_w0.reshape(1, C), ln_w1.reshape(1, C),
      W_in[:C, :], W_in[C:, :])

    table = t_tab.reshape(N, ROW)
    selfr = s_tab.reshape(N, ROW)

    ne = N * H
    nw = 32
    chunk = 128
    ne_pad = ((ne + nw * chunk - 1) // (nw * chunk)) * (nw * chunk)
    epw = ne_pad // nw
    nchunks = epw // chunk
    ni = neighbor_indices[:, 1:1 + H].astype(jnp.int32).reshape(ne)
    ni = jnp.concatenate([ni, jnp.zeros((ne_pad - ne,), jnp.int32)])
    ni = ni.reshape(ne_pad // chunk, chunk)

    mesh = plsc.VectorSubcoreMesh(core_axis_name="c", subcore_axis_name="s")
    gathered = pl.kernel(
        functools.partial(_k2_body, epw=epw, chunk=chunk),
        out_type=jax.ShapeDtypeStruct((ne_pad, ROW), f32),
        mesh=mesh,
        scratch_types=[
            pltpu.VMEM((nchunks, chunk), jnp.int32),
            pltpu.VMEM((2, chunk, ROW), f32),
            pltpu.SemaphoreType.DMA,
            pltpu.SemaphoreType.DMA,
        ],
        compiler_params=pltpu.CompilerParams(use_tc_tiling_on_sc=False),
    )(table, ni)

    g3 = gathered.reshape(ne_pad // H, H, ROW)
    grid3 = N // NB3
    out = pl.pallas_call(
        _k3_body,
        grid=(grid3,),
        in_specs=[
            pl.BlockSpec((NB3, H, ROW), lambda i: (i, 0, 0)),
            pl.BlockSpec((NB3, ROW), lambda i: (i, 0)),
            pl.BlockSpec((1, CMID), lambda i: (0, 0)),
            pl.BlockSpec((1, CMID), lambda i: (0, 0)),
            pl.BlockSpec((1, CMID), lambda i: (0, 0)),
            pl.BlockSpec((1, CMID), lambda i: (0, 0)),
            pl.BlockSpec((CMID, 128), lambda i: (0, 0)),
        ],
        out_specs=pl.BlockSpec((NB3, 4, 128), lambda i: (i, 0, 0)),
        out_shape=jax.ShapeDtypeStruct((N, 4, 128), f32),
    )(g3, selfr, w_l0.reshape(1, CMID), w_m0.reshape(1, CMID),
      w_a.reshape(1, CMID), w_b.reshape(1, CMID), W_out)
    return out

# --- scband reference (transcript-rebuilt; emitter-appended) ---
"""Pipeline reference for scband-cgconv-42090679501118 (READ-ONLY COPY).

The authoritative reference and input builder live on the scoring server;
editing this copy changes nothing except your own understanding.
"""

import jax, jax.numpy as jnp
import numpy as np

INF = 1000000.0
NEIGHBOR_CG = 8

def eq_layer_norm(x, w0, w1, eps=1e-5):
    # x: (N, 4, C); degree-0 block = component 0, degree-1 block = components 1:4
    s = x[:, 0:1, :]
    v = x[:, 1:4, :]
    s_n = jnp.sqrt(jnp.mean(s * s, axis=(1, 2), keepdims=True) + eps)
    v_n = jnp.sqrt(jnp.mean(v * v, axis=(1, 2), keepdims=True) + eps)
    return jnp.concatenate([s / s_n * w0[None, None, :], v / v_n * w1[None, None, :]], axis=1)

def rot_to_z(u, eps=1e-8):
    # rotation R with R @ u ~= e_z (Rodrigues), u: (..., 3) unit vectors
    ux, uy, uz = u[..., 0], u[..., 1], u[..., 2]
    vx, vy = uy, -ux  # cross(u, e_z)
    zero = jnp.zeros_like(ux)
    K = jnp.stack([
        jnp.stack([zero, zero, vy], axis=-1),
        jnp.stack([zero, zero, -vx], axis=-1),
        jnp.stack([-vy, vx, zero], axis=-1)], axis=-2)
    K2 = jnp.einsum('...ij,...jk->...ik', K, K)
    f = (1.0 / (1.0 + uz + eps))[..., None, None]
    return jnp.eye(3, dtype=u.dtype) + K + K2 * f

def tp_forward(s_points_pad, neighbor_points, s_feats_pad, neighbor_feats, W_in, W_out, w_l0, w_m0, w_a, w_b):
    # eSCN-style tensor product: rotate edge frame to z, SO(2) channel mixing, rotate back
    Np1 = s_feats_pad.shape[0]
    N, H, L, C = neighbor_feats.shape
    vec_n = neighbor_points - s_points_pad[:-1][:, None, :]
    s_rep = jnp.broadcast_to(s_feats_pad[:, None, :, :], (Np1, H, L, C))[:-1]
    message = jnp.concatenate([neighbor_feats, s_rep], axis=-1)  # (N,H,L,2C)
    message = message @ W_in  # (N,H,L,c_mid)
    length = jnp.linalg.norm(vec_n, axis=-1)
    u = vec_n / (length[..., None] + 1e-8)
    R = rot_to_z(u)  # (N,H,3,3)
    scalar = message[:, :, 0, :]
    vec = message[:, :, 1:4, :]
    vec_rot = jnp.einsum('nhij,nhjc->nhic', R, vec)
    scalar2 = scalar * w_l0[None, None, :]
    x_c = vec_rot[:, :, 0, :]
    y_c = vec_rot[:, :, 1, :]
    z_c = vec_rot[:, :, 2, :]
    x2 = w_a * x_c - w_b * y_c
    y2 = w_b * x_c + w_a * y_c
    z2 = w_m0 * z_c
    vec2 = jnp.stack([x2, y2, z2], axis=2)
    vec_back = jnp.einsum('nhji,nhjc->nhic', R, vec2)  # R^T rotate back
    message = jnp.concatenate([scalar2[:, :, None, :], vec_back], axis=2)  # (N,H,4,c_mid)
    message = message.sum(axis=1)  # (N,4,c_mid)
    return message @ W_out  # (N,4,C_out)

def reference(s_feats, s_points, neighbor_indices, ln_w0, ln_w1, W_in, W_out, w_l0, w_m0, w_a, w_b):
    N, L, C = s_feats.shape
    s_points_pad = jnp.concatenate([s_points, jnp.zeros_like(s_points[:1]) + INF], axis=0)
    s_feats_n = eq_layer_norm(s_feats, ln_w0, ln_w1)
    s_feats_pad = jnp.concatenate([s_feats_n, jnp.zeros_like(s_feats_n[:1])], axis=0)
    ni = neighbor_indices[:, 1:]
    neighbor_points = jnp.take(s_points_pad, ni, axis=0)  # (N,H,3) gather
    neighbor_feats = jnp.take(s_feats_pad, ni, axis=0)  # (N,H,4,C) gather
    mask = (ni < N).astype(s_feats.dtype)[..., None]
    neighbor_points = (neighbor_points * mask)[:, :NEIGHBOR_CG, :]
    neighbor_feats = (neighbor_feats * mask[..., None])[:, :NEIGHBOR_CG, :, :]
    return tp_forward(s_points_pad, neighbor_points, s_feats_pad, neighbor_feats, W_in, W_out, w_l0, w_m0, w_a, w_b)

def setup_inputs(seed: int = 0):
    key = jax.random.key(seed)
    ks = [jax.random.fold_in(key, i) for i in range(9)]
    N, C, Cmid, Cout, H0 = 10000, 128, 8, 128, 9
    s_feats = jax.random.normal(ks[0], (N, 4, C), dtype=jnp.float32)
    s_points = jax.random.normal(ks[1], (N, 3), dtype=jnp.float32)
    neighbor_indices = jax.random.randint(ks[2], (N, H0), 0, N)
    ln_w0 = jnp.ones((C,), jnp.float32)
    ln_w1 = jnp.ones((C,), jnp.float32)
    W_in = jax.random.normal(ks[3], (2 * C, Cmid), dtype=jnp.float32) / np.sqrt(2 * C)
    W_out = jax.random.normal(ks[4], (Cmid, Cout), dtype=jnp.float32) / np.sqrt(Cmid)
    w_l0 = jax.random.normal(ks[5], (Cmid,), dtype=jnp.float32) * 0.5
    w_m0 = jax.random.normal(ks[6], (Cmid,), dtype=jnp.float32) * 0.5
    w_a = jax.random.normal(ks[7], (Cmid,), dtype=jnp.float32) * 0.5
    w_b = jax.random.normal(ks[8], (Cmid,), dtype=jnp.float32) * 0.5
    return {'s_feats': s_feats, 's_points': s_points, 'neighbor_indices': neighbor_indices,
            'ln_w0': ln_w0, 'ln_w1': ln_w1, 'W_in': W_in, 'W_out': W_out,
            'w_l0': w_l0, 'w_m0': w_m0, 'w_a': w_a, 'w_b': w_b}

if __name__ == "__main__":
    import jax
    _d = setup_inputs()
    print(jax.jit(kernel)(*tuple(_d.values())))

</pallas_src>

<mosaic_0001>
#map = affine_map<(d0, d1) -> (0, 0)>
module attributes {stable_mosaic.version = 14 : i64} {
  func.func @_k2_body(%arg0: i32, %arg1: i32, %arg2: memref<10000x48xf32, #tpu.memory_space<hbm>>, %arg3: memref<640x128xi32, #tpu.memory_space<hbm>>, %arg4: memref<81920x48xf32, #tpu.memory_space<hbm>>, %arg5: memref<20x128xi32, #tpu.memory_space<vmem>>, %arg6: memref<2x128x48xf32, #tpu.memory_space<vmem>>, %arg7: memref<!tpu.dma_semaphore, #tpu.memory_space<semaphore_mem>>, %arg8: memref<!tpu.dma_semaphore, #tpu.memory_space<semaphore_mem>>) attributes {dimension_semantics = [#tpu.dimension_semantics<core_parallel>, #tpu.dimension_semantics<subcore_parallel>], iteration_bounds = array<i64: 2, 16>, scalar_prefetch = 0 : i64, scratch_operands = 4 : i64, tpu.core_type = #tpu.core_type<sc_vector_subcore>, window_params = [{transform_indices = #map}, {transform_indices = #map}, {transform_indices = #map}]} {
    %mul3A = arith.constant 2 : i32
    %mul3A_0 = arith.muli %arg1, %mul3A : i32
    %add3A = arith.addi %mul3A_0, %arg0 : i32
    %mul3A_1 = arith.constant 2560 : i32
    %mul3A_2 = arith.muli %add3A, %mul3A_1 : i32
    %mul3A_3 = arith.constant 20 : i32
    %mul3A_4 = arith.muli %add3A, %mul3A_3 : i32
    "tpu.region"() ({
      %run_scoped3A_542 = tpu.sem_alloc : memref<!tpu.dma_semaphore, #tpu.memory_space<semaphore_mem>>
      %dma_start3A_543 = arith.constant 0 : i32
      %dma_start3A_544 = tpu.memref_slice %arg3[%mul3A_4, %dma_start3A_543] : memref<640x128xi32, #tpu.memory_space<hbm>> -> memref<20x128xi32, #tpu.memory_space<hbm>>
      %dma_start3A_545 = arith.constant 0 : i32
      %dma_start3A_546 = tpu.memref_slice %arg3[%mul3A_4, %dma_start3A_545] : memref<640x128xi32, #tpu.memory_space<hbm>> -> memref<20x128xi32, #tpu.memory_space<hbm>>
      tpu.enqueue_dma source(%dma_start3A_546 : memref<20x128xi32, #tpu.memory_space<hbm>>) target(%arg5 : memref<20x128xi32, #tpu.memory_space<vmem>>) target_semaphore(%run_scoped3A_542 : memref<!tpu.dma_semaphore, #tpu.memory_space<semaphore_mem>>)
      %dma_wait3A_547 = arith.constant 0 : i32
      %dma_wait3A_548 = tpu.memref_slice %arg3[%mul3A_4, %dma_wait3A_547] : memref<640x128xi32, #tpu.memory_space<hbm>> -> memref<20x128xi32, #tpu.memory_space<hbm>>
      %dma_wait3A_549 = arith.constant 0 : i32
      %dma_wait3A_550 = tpu.memref_slice %arg3[%mul3A_4, %dma_wait3A_549] : memref<640x128xi32, #tpu.memory_space<hbm>> -> memref<20x128xi32, #tpu.memory_space<hbm>>
      tpu.wait_dma2 semaphore(%run_scoped3A_542 : memref<!tpu.dma_semaphore, #tpu.memory_space<semaphore_mem>>) src(%dma_wait3A_550 : memref<20x128xi32, #tpu.memory_space<hbm>>) dst(%arg5 : memref<20x128xi32, #tpu.memory_space<vmem>>)
      tpu.yield
    }) : () -> ()
    %dma_start3A = arith.constant 0 : i32
    %dma_start3A_5 = arith.constant 0 : i32
    %dma_start3A_6 = arith.constant 0 : i32
    %dma_start3A_7 = arith.constant 0 : i32
    %dma_start3A_8 = tpu.memref_slice %arg6[%dma_start3A_5, %dma_start3A_6, %dma_start3A_7] : memref<2x128x48xf32, #tpu.memory_space<vmem>> -> memref<1x128x48xf32, #tpu.memory_space<vmem>>
    %dma_start3A_9 = tpu.memref_squeeze %dma_start3A_8 : memref<1x128x48xf32, #tpu.memory_space<vmem>> -> memref<128x48xf32, #tpu.memory_space<vmem>>
    %dma_start3A_10 = arith.constant 0 : i32
    %dma_start3A_11 = tpu.memref_slice %arg5[%dma_start3A, %dma_start3A_10] : memref<20x128xi32, #tpu.memory_space<vmem>> -> memref<1x128xi32, #tpu.memory_space<vmem>>
    %dma_start3A_12 = tpu.memref_squeeze %dma_start3A_11 : memref<1x128xi32, #tpu.memory_space<vmem>> -> memref<128xi32, #tpu.memory_space<vmem>>
    %dma_start3A_13 = arith.constant 0 : i32
    %dma_start3A_14 = arith.constant 0 : i32
    %dma_start3A_15 = tpu.memref_slice %arg2[%dma_start3A_13, %dma_start3A_14] : memref<10000x48xf32, #tpu.memory_space<hbm>> -> memref<10000x48xf32, #tpu.memory_space<hbm>>
    tpu.enqueue_indirect_dma source(%dma_start3A_15 : memref<10000x48xf32, #tpu.memory_space<hbm>>) target(%dma_start3A_9 : memref<128x48xf32, #tpu.memory_space<vmem>>) offsets(%dma_start3A_12 : memref<128xi32, #tpu.memory_space<vmem>>) semaphore(%arg7 : memref<!tpu.dma_semaphore, #tpu.memory_space<semaphore_mem>>)
    %dma_start3A_16 = arith.constant 1 : i32
    %dma_start3A_17 = arith.constant 1 : i32
    %dma_start3A_18 = arith.constant 0 : i32
    %dma_start3A_19 = arith.constant 0 : i32
    %dma_start3A_20 = tpu.memref_slice %arg6[%dma_start3A_17, %dma_start3A_18, %dma_start3A_19] : memref<2x128x48xf32, #tpu.memory_space<vmem>> -> memref<1x128x48xf32, #tpu.memory_space<vmem>>
    %dma_start3A_21 = tpu.memref_squeeze %dma_start3A_20 : memref<1x128x48xf32, #tpu.memory_space<vmem>> -> memref<128x48xf32, #tpu.memory_space<vmem>>
    %dma_start3A_22 = arith.constant 0 : i32
    %dma_start3A_23 = tpu.memref_slice %arg5[%dma_start3A_16, %dma_start3A_22] : memref<20x128xi32, #tpu.memory_space<vmem>> -> memref<1x128xi32, #tpu.memory_space<vmem>>
    %dma_start3A_24 = tpu.memref_squeeze %dma_start3A_23 : memref<1x128xi32, #tpu.memory_space<vmem>> -> memref<128xi32, #tpu.memory_space<vmem>>
    %dma_start3A_25 = arith.constant 0 : i32
    %dma_start3A_26 = arith.constant 0 : i32
    %dma_start3A_27 = tpu.memref_slice %arg2[%dma_start3A_25, %dma_start3A_26] : memref<10000x48xf32, #tpu.memory_space<hbm>> -> memref<10000x48xf32, #tpu.memory_space<hbm>>
    tpu.enqueue_indirect_dma source(%dma_start3A_27 : memref<10000x48xf32, #tpu.memory_space<hbm>>) target(%dma_start3A_21 : memref<128x48xf32, #tpu.memory_space<vmem>>) offsets(%dma_start3A_24 : memref<128xi32, #tpu.memory_space<vmem>>) semaphore(%arg8 : memref<!tpu.dma_semaphore, #tpu.memory_space<semaphore_mem>>)
    %dma_wait3A = arith.constant 0 : i32
    %dma_wait3A_28 = arith.constant 0 : i32
    %dma_wait3A_29 = arith.constant 0 : i32
    %dma_wait3A_30 = arith.constant 0 : i32
    %dma_wait3A_31 = tpu.memref_slice %arg6[%dma_wait3A_28, %dma_wait3A_29, %dma_wait3A_30] : memref<2x128x48xf32, #tpu.memory_space<vmem>> -> memref<1x128x48xf32, #tpu.memory_space<vmem>>
    %dma_wait3A_32 = tpu.memref_squeeze %dma_wait3A_31 : memref<1x128x48xf32, #tpu.memory_space<vmem>> -> memref<128x48xf32, #tpu.memory_space<vmem>>
    %dma_wait3A_33 = arith.constant 0 : i32
    %dma_wait3A_34 = tpu.memref_slice %arg5[%dma_wait3A, %dma_wait3A_33] : memref<20x128xi32, #tpu.memory_space<vmem>> -> memref<1x128xi32, #tpu.memory_space<vmem>>
    %dma_wait3A_35 = tpu.memref_squeeze %dma_wait3A_34 : memref<1x128xi32, #tpu.memory_space<vmem>> -> memref<128xi32, #tpu.memory_space<vmem>>
    %dma_wait3A_36 = arith.constant 0 : i32
    %dma_wait3A_37 = arith.constant 0 : i32
    %dma_wait3A_38 = tpu.memref_slice %arg2[%dma_wait3A_36, %dma_wait3A_37] : memref<10000x48xf32, #tpu.memory_space<hbm>> -> memref<10000x48xf32, #tpu.memory_space<hbm>>
    tpu.wait_indirect_dma semaphore(%arg7 : memref<!tpu.dma_semaphore, #tpu.memory_space<semaphore_mem>>) src(%dma_wait3A_38 : memref<10000x48xf32, #tpu.memory_space<hbm>>) dst(%dma_wait3A_32 : memref<128x48xf32, #tpu.memory_space<vmem>>)
    %add3A_39 = arith.constant 0 : i32
    %add3A_40 = arith.addi %mul3A_2, %add3A_39 : i32
    %run_scoped3A = arith.constant 0 : i32
    "tpu.region"() ({
      %run_scoped3A_542 = tpu.sem_alloc : memref<!tpu.dma_semaphore, #tpu.memory_space<semaphore_mem>>
      %dma_start3A_543 = arith.constant 0 : i32
      %dma_start3A_544 = arith.constant 0 : i32
      %dma_start3A_545 = tpu.memref_slice %arg6[%run_scoped3A, %dma_start3A_543, %dma_start3A_544] : memref<2x128x48xf32, #tpu.memory_space<vmem>> -> memref<1x128x48xf32, #tpu.memory_space<vmem>>
      %dma_start3A_546 = tpu.memref_squeeze %dma_start3A_545 : memref<1x128x48xf32, #tpu.memory_space<vmem>> -> memref<128x48xf32, #tpu.memory_space<vmem>>
      %dma_start3A_547 = arith.constant 0 : i32
      %dma_start3A_548 = tpu.memref_slice %arg4[%add3A_40, %dma_start3A_547] : memref<81920x48xf32, #tpu.memory_space<hbm>> -> memref<128x48xf32, #tpu.memory_space<hbm>>
      %dma_start3A_549 = arith.constant 0 : i32
      %dma_start3A_550 = tpu.memref_slice %arg4[%add3A_40, %dma_start3A_549] : memref<81920x48xf32, #tpu.memory_space<hbm>> -> memref<128x48xf32, #tpu.memory_space<hbm>>
      %dma_start3A_551 = arith.constant 0 : i32
      %dma_start3A_552 = arith.constant 0 : i32
      %dma_start3A_553 = tpu.memref_slice %arg6[%run_scoped3A, %dma_start3A_551, %dma_start3A_552] : memref<2x128x48xf32, #tpu.memory_space<vmem>> -> memref<1x128x48xf32, #tpu.memory_space<vmem>>
      %dma_start3A_554 = tpu.memref_squeeze %dma_start3A_553 : memref<1x128x48xf32, #tpu.memory_space<vmem>> -> memref<128x48xf32, #tpu.memory_space<vmem>>
      tpu.enqueue_dma source(%dma_start3A_554 : memref<128x48xf32, #tpu.memory_space<vmem>>) target(%dma_start3A_550 : memref<128x48xf32, #tpu.memory_space<hbm>>) target_semaphore(%run_scoped3A_542 : memref<!tpu.dma_semaphore, #tpu.memory_space<semaphore_mem>>)
      %dma_wait3A_555 = arith.constant 0 : i32
      %dma_wait3A_556 = arith.constant 0 : i32
      %dma_wait3A_557 = tpu.memref_slice %arg6[%run_scoped3A, %dma_wait3A_555, %dma_wait3A_556] : memref<2x128x48xf32, #tpu.memory_space<vmem>> -> memref<1x128x48xf32, #tpu.memory_space<vmem>>
      %dma_wait3A_558 = tpu.memref_squeeze %dma_wait3A_557 : memref<1x128x48xf32, #tpu.memory_space<vmem>> -> memref<128x48xf32, #tpu.memory_space<vmem>>
      %dma_wait3A_559 = arith.constant 0 : i32
      %dma_wait3A_560 = tpu.memref_slice %arg4[%add3A_40, %dma_wait3A_559] : memref<81920x48xf32, #tpu.memory_space<hbm>> -> memref<128x48xf32, #tpu.memory_space<hbm>>
      %dma_wait3A_561 = arith.constant 0 : i32
      %dma_wait3A_562 = tpu.memref_slice %arg4[%add3A_40, %dma_wait3A_561] : memref<81920x48xf32, #tpu.memory_space<hbm>> -> memref<128x48xf32, #tpu.memory_space<hbm>>
      %dma_wait3A_563 = arith.constant 0 : i32
      %dma_wait3A_564 = arith.constant 0 : i32
      %dma_wait3A_565 = tpu.memref_slice %arg6[%run_scoped3A, %dma_wait3A_563, %dma_wait3A_564] : memref<2x128x48xf32, #tpu.memory_space<vmem>> -> memref<1x128x48xf32, #tpu.memory_space<vmem>>
      %dma_wait3A_566 = tpu.memref_squeeze %dma_wait3A_565 : memref<1x128x48xf32, #tpu.memory_space<vmem>> -> memref<128x48xf32, #tpu.memory_space<vmem>>
      tpu.wait_dma2 semaphore(%run_scoped3A_542 : memref<!tpu.dma_semaphore, #tpu.memory_space<semaphore_mem>>) src(%dma_wait3A_566 : memref<128x48xf32, #tpu.memory_space<vmem>>) dst(%dma_wait3A_562 : memref<128x48xf32, #tpu.memory_space<hbm>>)
      tpu.yield
    }) : () -> ()
    %dma_start3A_41 = arith.constant 2 : i32
    %dma_start3A_42 = arith.constant 0 : i32
    %dma_start3A_43 = arith.constant 0 : i32
    %dma_start3A_44 = arith.constant 0 : i32
    %dma_start3A_45 = tpu.memref_slice %arg6[%dma_start3A_42, %dma_start3A_43, %dma_start3A_44] : memref<2x128x48xf32, #tpu.memory_space<vmem>> -> memref<1x128x48xf32, #tpu.memory_space<vmem>>
    %dma_start3A_46 = tpu.memref_squeeze %dma_start3A_45 : memref<1x128x48xf32, #tpu.memory_space<vmem>> -> memref<128x48xf32, #tpu.memory_space<vmem>>
    %dma_start3A_47 = arith.constant 0 : i32
    %dma_start3A_48 = tpu.memref_slice %arg5[%dma_start3A_41, %dma_start3A_47] : memref<20x128xi32, #tpu.memory_space<vmem>> -> memref<1x128xi32, #tpu.memory_space<vmem>>
    %dma_start3A_49 = tpu.memref_squeeze %dma_start3A_48 : memref<1x128xi32, #tpu.memory_space<vmem>> -> memref<128xi32, #tpu.memory_space<vmem>>
    %dma_start3A_50 = arith.constant 0 : i32
    %dma_start3A_51 = arith.constant 0 : i32
    %dma_start3A_52 = tpu.memref_slice %arg2[%dma_start3A_50, %dma_start3A_51] : memref<10000x48xf32, #tpu.memory_space<hbm>> -> memref<10000x48xf32, #tpu.memory_space<hbm>>
    tpu.enqueue_indirect_dma source(%dma_start3A_52 : memref<10000x48xf32, #tpu.memory_space<hbm>>) target(%dma_start3A_46 : memref<128x48xf32, #tpu.memory_space<vmem>>) offsets(%dma_start3A_49 : memref<128xi32, #tpu.memory_space<vmem>>) semaphore(%arg7 : memref<!tpu.dma_semaphore, #tpu.memory_space<semaphore_mem>>)
    %dma_wait3A_53 = arith.constant 1 : i32
    %dma_wait3A_54 = arith.constant 1 : i32
    %dma_wait3A_55 = arith.constant 0 : i32
    %dma_wait3A_56 = arith.constant 0 : i32
    %dma_wait3A_57 = tpu.memref_slice %arg6[%dma_wait3A_54, %dma_wait3A_55, %dma_wait3A_56] : memref<2x128x48xf32, #tpu.memory_space<vmem>> -> memref<1x128x48xf32, #tpu.memory_space<vmem>>
    %dma_wait3A_58 = tpu.memref_squeeze %dma_wait3A_57 : memref<1x128x48xf32, #tpu.memory_space<vmem>> -> memref<128x48xf32, #tpu.memory_space<vmem>>
    %dma_wait3A_59 = arith.constant 0 : i32
    %dma_wait3A_60 = tpu.memref_slice %arg5[%dma_wait3A_53, %dma_wait3A_59] : memref<20x128xi32, #tpu.memory_space<vmem>> -> memref<1x128xi32, #tpu.memory_space<vmem>>
    %dma_wait3A_61 = tpu.memref_squeeze %dma_wait3A_60 : memref<1x128xi32, #tpu.memory_space<vmem>> -> memref<128xi32, #tpu.memory_space<vmem>>
    %dma_wait3A_62 = arith.constant 0 : i32
    %dma_wait3A_63 = arith.constant 0 : i32
    %dma_wait3A_64 = tpu.memref_slice %arg2[%dma_wait3A_62, %dma_wait3A_63] : memref<10000x48xf32, #tpu.memory_space<hbm>> -> memref<10000x48xf32, #tpu.memory_space<hbm>>
    tpu.wait_indirect_dma semaphore(%arg8 : memref<!tpu.dma_semaphore, #tpu.memory_space<semaphore_mem>>) src(%dma_wait3A_64 : memref<10000x48xf32, #tpu.memory_space<hbm>>) dst(%dma_wait3A_58 : memref<128x48xf32, #tpu.memory_space<vmem>>)
    %add3A_65 = arith.constant 128 : i32
    %add3A_66 = arith.addi %mul3A_2, %add3A_65 : i32
    %run_scoped3A_67 = arith.constant 1 : i32
    "tpu.region"() ({
      %run_scoped3A_542 = tpu.sem_alloc : memref<!tpu.dma_semaphore, #tpu.memory_space<semaphore_mem>>
      %dma_start3A_543 = arith.constant 0 : i32
      %dma_start3A_544 = arith.constant 0 : i32
      %dma_start3A_545 = tpu.memref_slice %arg6[%run_scoped3A_67, %dma_start3A_543, %dma_start3A_544] : memref<2x128x48xf32, #tpu.memory_space<vmem>> -> memref<1x128x48xf32, #tpu.memory_space<vmem>>
      %dma_start3A_546 = tpu.memref_squeeze %dma_start3A_545 : memref<1x128x48xf32, #tpu.memory_space<vmem>> -> memref<128x48xf32, #tpu.memory_space<vmem>>
      %dma_start3A_547 = arith.constant 0 : i32
      %dma_start3A_548 = tpu.memref_slice %arg4[%add3A_66, %dma_start3A_547] : memref<81920x48xf32, #tpu.memory_space<hbm>> -> memref<128x48xf32, #tpu.memory_space<hbm>>
      %dma_start3A_549 = arith.constant 0 : i32
      %dma_start3A_550 = tpu.memref_slice %arg4[%add3A_66, %dma_start3A_549] : memref<81920x48xf32, #tpu.memory_space<hbm>> -> memref<128x48xf32, #tpu.memory_space<hbm>>
      %dma_start3A_551 = arith.constant 0 : i32
      %dma_start3A_552 = arith.constant 0 : i32
      %dma_start3A_553 = tpu.memref_slice %arg6[%run_scoped3A_67, %dma_start3A_551, %dma_start3A_552] : memref<2x128x48xf32, #tpu.memory_space<vmem>> -> memref<1x128x48xf32, #tpu.memory_space<vmem>>
      %dma_start3A_554 = tpu.memref_squeeze %dma_start3A_553 : memref<1x128x48xf32, #tpu.memory_space<vmem>> -> memref<128x48xf32, #tpu.memory_space<vmem>>
      tpu.enqueue_dma source(%dma_start3A_554 : memref<128x48xf32, #tpu.memory_space<vmem>>) target(%dma_start3A_550 : memref<128x48xf32, #tpu.memory_space<hbm>>) target_semaphore(%run_scoped3A_542 : memref<!tpu.dma_semaphore, #tpu.memory_space<semaphore_mem>>)
      %dma_wait3A_555 = arith.constant 0 : i32
      %dma_wait3A_556 = arith.constant 0 : i32
      %dma_wait3A_557 = tpu.memref_slice %arg6[%run_scoped3A_67, %dma_wait3A_555, %dma_wait3A_556] : memref<2x128x48xf32, #tpu.memory_space<vmem>> -> memref<1x128x48xf32, #tpu.memory_space<vmem>>
      %dma_wait3A_558 = tpu.memref_squeeze %dma_wait3A_557 : memref<1x128x48xf32, #tpu.memory_space<vmem>> -> memref<128x48xf32, #tpu.memory_space<vmem>>
      %dma_wait3A_559 = arith.constant 0 : i32
      %dma_wait3A_560 = tpu.memref_slice %arg4[%add3A_66, %dma_wait3A_559] : memref<81920x48xf32, #tpu.memory_space<hbm>> -> memref<128x48xf32, #tpu.memory_space<hbm>>
      %dma_wait3A_561 = arith.constant 0 : i32
      %dma_wait3A_562 = tpu.memref_slice %arg4[%add3A_66, %dma_wait3A_561] : memref<81920x48xf32, #tpu.memory_space<hbm>> -> memref<128x48xf32, #tpu.memory_space<hbm>>
      %dma_wait3A_563 = arith.constant 0 : i32
      %dma_wait3A_564 = arith.constant 0 : i32
      %dma_wait3A_565 = tpu.memref_slice %arg6[%run_scoped3A_67, %dma_wait3A_563, %dma_wait3A_564] : memref<2x128x48xf32, #tpu.memory_space<vmem>> -> memref<1x128x48xf32, #tpu.memory_space<vmem>>
      %dma_wait3A_566 = tpu.memref_squeeze %dma_wait3A_565 : memref<1x128x48xf32, #tpu.memory_space<vmem>> -> memref<128x48xf32, #tpu.memory_space<vmem>>
      tpu.wait_dma2 semaphore(%run_scoped3A_542 : memref<!tpu.dma_semaphore, #tpu.memory_space<semaphore_mem>>) src(%dma_wait3A_566 : memref<128x48xf32, #tpu.memory_space<vmem>>) dst(%dma_wait3A_562 : memref<128x48xf32, #tpu.memory_space<hbm>>)
      tpu.yield
    }) : () -> ()
    %dma_start3A_68 = arith.constant 3 : i32
    %dma_start3A_69 = arith.constant 1 : i32
    %dma_start3A_70 = arith.constant 0 : i32
    %dma_start3A_71 = arith.constant 0 : i32
    %dma_start3A_72 = tpu.memref_slice %arg6[%dma_start3A_69, %dma_start3A_70, %dma_start3A_71] : memref<2x128x48xf32, #tpu.memory_space<vmem>> -> memref<1x128x48xf32, #tpu.memory_space<vmem>>
    %dma_start3A_73 = tpu.memref_squeeze %dma_start3A_72 : memref<1x128x48xf32, #tpu.memory_space<vmem>> -> memref<128x48xf32, #tpu.memory_space<vmem>>
    %dma_start3A_74 = arith.constant 0 : i32
    %dma_start3A_75 = tpu.memref_slice %arg5[%dma_start3A_68, %dma_start3A_74] : memref<20x128xi32, #tpu.memory_space<vmem>> -> memref<1x128xi32, #tpu.memory_space<vmem>>
    %dma_start3A_76 = tpu.memref_squeeze %dma_start3A_75 : memref<1x128xi32, #tpu.memory_space<vmem>> -> memref<128xi32, #tpu.memory_space<vmem>>
    %dma_start3A_77 = arith.constant 0 : i32
    %dma_start3A_78 = arith.constant 0 : i32
    %dma_start3A_79 = tpu.memref_slice %arg2[%dma_start3A_77, %dma_start3A_78] : memref<10000x48xf32, #tpu.memory_space<hbm>> -> memref<10000x48xf32, #tpu.memory_space<hbm>>
    tpu.enqueue_indirect_dma source(%dma_start3A_79 : memref<10000x48xf32, #tpu.memory_space<hbm>>) target(%dma_start3A_73 : memref<128x48xf32, #tpu.memory_space<vmem>>) offsets(%dma_start3A_76 : memref<128xi32, #tpu.memory_space<vmem>>) semaphore(%arg8 : memref<!tpu.dma_semaphore, #tpu.memory_space<semaphore_mem>>)
    %dma_wait3A_80 = arith.constant 2 : i32
    %dma_wait3A_81 = arith.constant 0 : i32
    %dma_wait3A_82 = arith.constant 0 : i32
    %dma_wait3A_83 = arith.constant 0 : i32
    %dma_wait3A_84 = tpu.memref_slice %arg6[%dma_wait3A_81, %dma_wait3A_82, %dma_wait3A_83] : memref<2x128x48xf32, #tpu.memory_space<vmem>> -> memref<1x128x48xf32, #tpu.memory_space<vmem>>
    %dma_wait3A_85 = tpu.memref_squeeze %dma_wait3A_84 : memref<1x128x48xf32, #tpu.memory_space<vmem>> -> memref<128x48xf32, #tpu.memory_space<vmem>>
    %dma_wait3A_86 = arith.constant 0 : i32
    %dma_wait3A_87 = tpu.memref_slice %arg5[%dma_wait3A_80, %dma_wait3A_86] : memref<20x128xi32, #tpu.memory_space<vmem>> -> memref<1x128xi32, #tpu.memory_space<vmem>>
    %dma_wait3A_88 = tpu.memref_squeeze %dma_wait3A_87 : memref<1x128xi32, #tpu.memory_space<vmem>> -> memref<128xi32, #tpu.memory_space<vmem>>
    %dma_wait3A_89 = arith.constant 0 : i32
    %dma_wait3A_90 = arith.constant 0 : i32
    %dma_wait3A_91 = tpu.memref_slice %arg2[%dma_wait3A_89, %dma_wait3A_90] : memref<10000x48xf32, #tpu.memory_space<hbm>> -> memref<10000x48xf32, #tpu.memory_space<hbm>>
    tpu.wait_indirect_dma semaphore(%arg7 : memref<!tpu.dma_semaphore, #tpu.memory_space<semaphore_mem>>) src(%dma_wait3A_91 : memref<10000x48xf32, #tpu.memory_space<hbm>>) dst(%dma_wait3A_85 : memref<128x48xf32, #tpu.memory_space<vmem>>)
    %add3A_92 = arith.constant 256 : i32
    %add3A_93 = arith.addi %mul3A_2, %add3A_92 : i32
    %run_scoped3A_94 = arith.constant 0 : i32
    "tpu.region"() ({
      %run_scoped3A_542 = tpu.sem_alloc : memref<!tpu.dma_semaphore, #tpu.memory_space<semaphore_mem>>
      %dma_start3A_543 = arith.constant 0 : i32
      %dma_start3A_544 = arith.constant 0 : i32
      %dma_start3A_545 = tpu.memref_slice %arg6[%run_scoped3A_94, %dma_start3A_543, %dma_start3A_544] : memref<2x128x48xf32, #tpu.memory_space<vmem>> -> memref<1x128x48xf32, #tpu.memory_space<vmem>>
      %dma_start3A_546 = tpu.memref_squeeze %dma_start3A_545 : memref<1x128x48xf32, #tpu.memory_space<vmem>> -> memref<128x48xf32, #tpu.memory_space<vmem>>
      %dma_start3A_547 = arith.constant 0 : i32
      %dma_start3A_548 = tpu.memref_slice %arg4[%add3A_93, %dma_start3A_547] : memref<81920x48xf32, #tpu.memory_space<hbm>> -> memref<128x48xf32, #tpu.memory_space<hbm>>
      %dma_start3A_549 = arith.constant 0 : i32
      %dma_start3A_550 = tpu.memref_slice %arg4[%add3A_93, %dma_start3A_549] : memref<81920x48xf32, #tpu.memory_space<hbm>> -> memref<128x48xf32, #tpu.memory_space<hbm>>
      %dma_start3A_551 = arith.constant 0 : i32
      %dma_start3A_552 = arith.constant 0 : i32
      %dma_start3A_553 = tpu.memref_slice %arg6[%run_scoped3A_94, %dma_start3A_551, %dma_start3A_552] : memref<2x128x48xf32, #tpu.memory_space<vmem>> -> memref<1x128x48xf32, #tpu.memory_space<vmem>>
      %dma_start3A_554 = tpu.memref_squeeze %dma_start3A_553 : memref<1x128x48xf32, #tpu.memory_space<vmem>> -> memref<128x48xf32, #tpu.memory_space<vmem>>
      tpu.enqueue_dma source(%dma_start3A_554 : memref<128x48xf32, #tpu.memory_space<vmem>>) target(%dma_start3A_550 : memref<128x48xf32, #tpu.memory_space<hbm>>) target_semaphore(%run_scoped3A_542 : memref<!tpu.dma_semaphore, #tpu.memory_space<semaphore_mem>>)
      %dma_wait3A_555 = arith.constant 0 : i32
      %dma_wait3A_556 = arith.constant 0 : i32
      %dma_wait3A_557 = tpu.memref_slice %arg6[%run_scoped3A_94, %dma_wait3A_555, %dma_wait3A_556] : memref<2x128x48xf32, #tpu.memory_space<vmem>> -> memref<1x128x48xf32, #tpu.memory_space<vmem>>
      %dma_wait3A_558 = tpu.memref_squeeze %dma_wait3A_557 : memref<1x128x48xf32, #tpu.memory_space<vmem>> -> memref<128x48xf32, #tpu.memory_space<vmem>>
      %dma_wait3A_559 = arith.constant 0 : i32
      %dma_wait3A_560 = tpu.memref_slice %arg4[%add3A_93, %dma_wait3A_559] : memref<81920x48xf32, #tpu.memory_space<hbm>> -> memref<128x48xf32, #tpu.memory_space<hbm>>
      %dma_wait3A_561 = arith.constant 0 : i32
      %dma_wait3A_562 = tpu.memref_slice %arg4[%add3A_93, %dma_wait3A_561] : memref<81920x48xf32, #tpu.memory_space<hbm>> -> memref<128x48xf32, #tpu.memory_space<hbm>>
      %dma_wait3A_563 = arith.constant 0 : i32
      %dma_wait3A_564 = arith.constant 0 : i32
      %dma_wait3A_565 = tpu.memref_slice %arg6[%run_scoped3A_94, %dma_wait3A_563, %dma_wait3A_564] : memref<2x128x48xf32, #tpu.memory_space<vmem>> -> memref<1x128x48xf32, #tpu.memory_space<vmem>>
      %dma_wait3A_566 = tpu.memref_squeeze %dma_wait3A_565 : memref<1x128x48xf32, #tpu.memory_space<vmem>> -> memref<128x48xf32, #tpu.memory_space<vmem>>
      tpu.wait_dma2 semaphore(%run_scoped3A_542 : memref<!tpu.dma_semaphore, #tpu.memory_space<semaphore_mem>>) src(%dma_wait3A_566 : memref<128x48xf32, #tpu.memory_space<vmem>>) dst(%dma_wait3A_562 : memref<128x48xf32, #tpu.memory_space<hbm>>)
      tpu.yield
    }) : () -> ()
    %dma_start3A_95 = arith.constant 4 : i32
    %dma_start3A_96 = arith.constant 0 : i32
    %dma_start3A_97 = arith.constant 0 : i32
    %dma_start3A_98 = arith.constant 0 : i32
    %dma_start3A_99 = tpu.memref_slice %arg6[%dma_start3A_96, %dma_start3A_97, %dma_start3A_98] : memref<2x128x48xf32, #tpu.memory_space<vmem>> -> memref<1x128x48xf32, #tpu.memory_space<vmem>>
    %dma_start3A_100 = tpu.memref_squeeze %dma_start3A_99 : memref<1x128x48xf32, #tpu.memory_space<vmem>> -> memref<128x48xf32, #tpu.memory_space<vmem>>
    %dma_start3A_101 = arith.constant 0 : i32
    %dma_start3A_102 = tpu.memref_slice %arg5[%dma_start3A_95, %dma_start3A_101] : memref<20x128xi32, #tpu.memory_space<vmem>> -> memref<1x128xi32, #tpu.memory_space<vmem>>
    %dma_start3A_103 = tpu.memref_squeeze %dma_start3A_102 : memref<1x128xi32, #tpu.memory_space<vmem>> -> memref<128xi32, #tpu.memory_space<vmem>>
    %dma_start3A_104 = arith.constant 0 : i32
    %dma_start3A_105 = arith.constant 0 : i32
    %dma_start3A_106 = tpu.memref_slice %arg2[%dma_start3A_104, %dma_start3A_105] : memref<10000x48xf32, #tpu.memory_space<hbm>> -> memref<10000x48xf32, #tpu.memory_space<hbm>>
    tpu.enqueue_indirect_dma source(%dma_start3A_106 : memref<10000x48xf32, #tpu.memory_space<hbm>>) target(%dma_start3A_100 : memref<128x48xf32, #tpu.memory_space<vmem>>) offsets(%dma_start3A_103 : memref<128xi32, #tpu.memory_space<vmem>>) semaphore(%arg7 : memref<!tpu.dma_semaphore, #tpu.memory_space<semaphore_mem>>)
    %dma_wait3A_107 = arith.constant 3 : i32
    %dma_wait3A_108 = arith.constant 1 : i32
    %dma_wait3A_109 = arith.constant 0 : i32
    %dma_wait3A_110 = arith.constant 0 : i32
    %dma_wait3A_111 = tpu.memref_slice %arg6[%dma_wait3A_108, %dma_wait3A_109, %dma_wait3A_110] : memref<2x128x48xf32, #tpu.memory_space<vmem>> -> memref<1x128x48xf32, #tpu.memory_space<vmem>>
    %dma_wait3A_112 = tpu.memref_squeeze %dma_wait3A_111 : memref<1x128x48xf32, #tpu.memory_space<vmem>> -> memref<128x48xf32, #tpu.memory_space<vmem>>
    %dma_wait3A_113 = arith.constant 0 : i32
    %dma_wait3A_114 = tpu.memref_slice %arg5[%dma_wait3A_107, %dma_wait3A_113] : memref<20x128xi32, #tpu.memory_space<vmem>> -> memref<1x128xi32, #tpu.memory_space<vmem>>
    %dma_wait3A_115 = tpu.memref_squeeze %dma_wait3A_114 : memref<1x128xi32, #tpu.memory_space<vmem>> -> memref<128xi32, #tpu.memory_space<vmem>>
    %dma_wait3A_116 = arith.constant 0 : i32
    %dma_wait3A_117 = arith.constant 0 : i32
    %dma_wait3A_118 = tpu.memref_slice %arg2[%dma_wait3A_116, %dma_wait3A_117] : memref<10000x48xf32, #tpu.memory_space<hbm>> -> memref<10000x48xf32, #tpu.memory_space<hbm>>
    tpu.wait_indirect_dma semaphore(%arg8 : memref<!tpu.dma_semaphore, #tpu.memory_space<semaphore_mem>>) src(%dma_wait3A_118 : memref<10000x48xf32, #tpu.memory_space<hbm>>) dst(%dma_wait3A_112 : memref<128x48xf32, #tpu.memory_space<vmem>>)
    %add3A_119 = arith.constant 384 : i32
    %add3A_120 = arith.addi %mul3A_2, %add3A_119 : i32
    %run_scoped3A_121 = arith.constant 1 : i32
    "tpu.region"() ({
      %run_scoped3A_542 = tpu.sem_alloc : memref<!tpu.dma_semaphore, #tpu.memory_space<semaphore_mem>>
      %dma_start3A_543 = arith.constant 0 : i32
      %dma_start3A_544 = arith.constant 0 : i32
      %dma_start3A_545 = tpu.memref_slice %arg6[%run_scoped3A_121, %dma_start3A_543, %dma_start3A_544] : memref<2x128x48xf32, #tpu.memory_space<vmem>> -> memref<1x128x48xf32, #tpu.memory_space<vmem>>
      %dma_start3A_546 = tpu.memref_squeeze %dma_start3A_545 : memref<1x128x48xf32, #tpu.memory_space<vmem>> -> memref<128x48xf32, #tpu.memory_space<vmem>>
      %dma_start3A_547 = arith.constant 0 : i32
      %dma_start3A_548 = tpu.memref_slice %arg4[%add3A_120, %dma_start3A_547] : memref<81920x48xf32, #tpu.memory_space<hbm>> -> memref<128x48xf32, #tpu.memory_space<hbm>>
      %dma_start3A_549 = arith.constant 0 : i32
      %dma_start3A_550 = tpu.memref_slice %arg4[%add3A_120, %dma_start3A_549] : memref<81920x48xf32, #tpu.memory_space<hbm>> -> memref<128x48xf32, #tpu.memory_space<hbm>>
      %dma_start3A_551 = arith.constant 0 : i32
      %dma_start3A_552 = arith.constant 0 : i32
      %dma_start3A_553 = tpu.memref_slice %arg6[%run_scoped3A_121, %dma_start3A_551, %dma_start3A_552] : memref<2x128x48xf32, #tpu.memory_space<vmem>> -> memref<1x128x48xf32, #tpu.memory_space<vmem>>
      %dma_start3A_554 = tpu.memref_squeeze %dma_start3A_553 : memref<1x128x48xf32, #tpu.memory_space<vmem>> -> memref<128x48xf32, #tpu.memory_space<vmem>>
      tpu.enqueue_dma source(%dma_start3A_554 : memref<128x48xf32, #tpu.memory_space<vmem>>) target(%dma_start3A_550 : memref<128x48xf32, #tpu.memory_space<hbm>>) target_semaphore(%run_scoped3A_542 : memref<!tpu.dma_semaphore, #tpu.memory_space<semaphore_mem>>)
      %dma_wait3A_555 = arith.constant 0 : i32
      %dma_wait3A_556 = arith.constant 0 : i32
      %dma_wait3A_557 = tpu.memref_slice %arg6[%run_scoped3A_121, %dma_wait3A_555, %dma_wait3A_556] : memref<2x128x48xf32, #tpu.memory_space<vmem>> -> memref<1x128x48xf32, #tpu.memory_space<vmem>>
      %dma_wait3A_558 = tpu.memref_squeeze %dma_wait3A_557 : memref<1x128x48xf32, #tpu.memory_space<vmem>> -> memref<128x48xf32, #tpu.memory_space<vmem>>
      %dma_wait3A_559 = arith.constant 0 : i32
      %dma_wait3A_560 = tpu.memref_slice %arg4[%add3A_120, %dma_wait3A_559] : memref<81920x48xf32, #tpu.memory_space<hbm>> -> memref<128x48xf32, #tpu.memory_space<hbm>>
      %dma_wait3A_561 = arith.constant 0 : i32
      %dma_wait3A_562 = tpu.memref_slice %arg4[%add3A_120, %dma_wait3A_561] : memref<81920x48xf32, #tpu.memory_space<hbm>> -> memref<128x48xf32, #tpu.memory_space<hbm>>
      %dma_wait3A_563 = arith.constant 0 : i32
      %dma_wait3A_564 = arith.constant 0 : i32
      %dma_wait3A_565 = tpu.memref_slice %arg6[%run_scoped3A_121, %dma_wait3A_563, %dma_wait3A_564] : memref<2x128x48xf32, #tpu.memory_space<vmem>> -> memref<1x128x48xf32, #tpu.memory_space<vmem>>
      %dma_wait3A_566 = tpu.memref_squeeze %dma_wait3A_565 : memref<1x128x48xf32, #tpu.memory_space<vmem>> -> memref<128x48xf32, #tpu.memory_space<vmem>>
      tpu.wait_dma2 semaphore(%run_scoped3A_542 : memref<!tpu.dma_semaphore, #tpu.memory_space<semaphore_mem>>) src(%dma_wait3A_566 : memref<128x48xf32, #tpu.memory_space<vmem>>) dst(%dma_wait3A_562 : memref<128x48xf32, #tpu.memory_space<hbm>>)
      tpu.yield
    }) : () -> ()
    %dma_start3A_122 = arith.constant 5 : i32
    %dma_start3A_123 = arith.constant 1 : i32
    %dma_start3A_124 = arith.constant 0 : i32
    %dma_start3A_125 = arith.constant 0 : i32
    %dma_start3A_126 = tpu.memref_slice %arg6[%dma_start3A_123, %dma_start3A_124, %dma_start3A_125] : memref<2x128x48xf32, #tpu.memory_space<vmem>> -> memref<1x128x48xf32, #tpu.memory_space<vmem>>
    %dma_start3A_127 = tpu.memref_squeeze %dma_start3A_126 : memref<1x128x48xf32, #tpu.memory_space<vmem>> -> memref<128x48xf32, #tpu.memory_space<vmem>>
    %dma_start3A_128 = arith.constant 0 : i32
    %dma_start3A_129 = tpu.memref_slice %arg5[%dma_start3A_122, %dma_start3A_128] : memref<20x128xi32, #tpu.memory_space<vmem>> -> memref<1x128xi32, #tpu.memory_space<vmem>>
    %dma_start3A_130 = tpu.memref_squeeze %dma_start3A_129 : memref<1x128xi32, #tpu.memory_space<vmem>> -> memref<128xi32, #tpu.memory_space<vmem>>
    %dma_start3A_131 = arith.constant 0 : i32
    %dma_start3A_132 = arith.constant 0 : i32
    %dma_start3A_133 = tpu.memref_slice %arg2[%dma_start3A_131, %dma_start3A_132] : memref<10000x48xf32, #tpu.memory_space<hbm>> -> memref<10000x48xf32, #tpu.memory_space<hbm>>
    tpu.enqueue_indirect_dma source(%dma_start3A_133 : memref<10000x48xf32, #tpu.memory_space<hbm>>) target(%dma_start3A_127 : memref<128x48xf32, #tpu.memory_space<vmem>>) offsets(%dma_start3A_130 : memref<128xi32, #tpu.memory_space<vmem>>) semaphore(%arg8 : memref<!tpu.dma_semaphore, #tpu.memory_space<semaphore_mem>>)
    %dma_wait3A_134 = arith.constant 4 : i32
    %dma_wait3A_135 = arith.constant 0 : i32
    %dma_wait3A_136 = arith.constant 0 : i32
    %dma_wait3A_137 = arith.constant 0 : i32
    %dma_wait3A_138 = tpu.memref_slice %arg6[%dma_wait3A_135, %dma_wait3A_136, %dma_wait3A_137] : memref<2x128x48xf32, #tpu.memory_space<vmem>> -> memref<1x128x48xf32, #tpu.memory_space<vmem>>
    %dma_wait3A_139 = tpu.memref_squeeze %dma_wait3A_138 : memref<1x128x48xf32, #tpu.memory_space<vmem>> -> memref<128x48xf32, #tpu.memory_space<vmem>>
    %dma_wait3A_140 = arith.constant 0 : i32
    %dma_wait3A_141 = tpu.memref_slice %arg5[%dma_wait3A_134, %dma_wait3A_140] : memref<20x128xi32, #tpu.memory_space<vmem>> -> memref<1x128xi32, #tpu.memory_space<vmem>>
    %dma_wait3A_142 = tpu.memref_squeeze %dma_wait3A_141 : memref<1x128xi32, #tpu.memory_space<vmem>> -> memref<128xi32, #tpu.memory_space<vmem>>
    %dma_wait3A_143 = arith.constant 0 : i32
    %dma_wait3A_144 = arith.constant 0 : i32
    %dma_wait3A_145 = tpu.memref_slice %arg2[%dma_wait3A_143, %dma_wait3A_144] : memref<10000x48xf32, #tpu.memory_space<hbm>> -> memref<10000x48xf32, #tpu.memory_space<hbm>>
    tpu.wait_indirect_dma semaphore(%arg7 : memref<!tpu.dma_semaphore, #tpu.memory_space<semaphore_mem>>) src(%dma_wait3A_145 : memref<10000x48xf32, #tpu.memory_space<hbm>>) dst(%dma_wait3A_139 : memref<128x48xf32, #tpu.memory_space<vmem>>)
    %add3A_146 = arith.constant 512 : i32
    %add3A_147 = arith.addi %mul3A_2, %add3A_146 : i32
    %run_scoped3A_148 = arith.constant 0 : i32
    "tpu.region"() ({
      %run_scoped3A_542 = tpu.sem_alloc : memref<!tpu.dma_semaphore, #tpu.memory_space<semaphore_mem>>
      %dma_start3A_543 = arith.constant 0 : i32
      %dma_start3A_544 = arith.constant 0 : i32
      %dma_start3A_545 = tpu.memref_slice %arg6[%run_scoped3A_148, %dma_start3A_543, %dma_start3A_544] : memref<2x128x48xf32, #tpu.memory_space<vmem>> -> memref<1x128x48xf32, #tpu.memory_space<vmem>>
      %dma_start3A_546 = tpu.memref_squeeze %dma_start3A_545 : memref<1x128x48xf32, #tpu.memory_space<vmem>> -> memref<128x48xf32, #tpu.memory_space<vmem>>
      %dma_start3A_547 = arith.constant 0 : i32
      %dma_start3A_548 = tpu.memref_slice %arg4[%add3A_147, %dma_start3A_547] : memref<81920x48xf32, #tpu.memory_space<hbm>> -> memref<128x48xf32, #tpu.memory_space<hbm>>
      %dma_start3A_549 = arith.constant 0 : i32
      %dma_start3A_550 = tpu.memref_slice %arg4[%add3A_147, %dma_start3A_549] : memref<81920x48xf32, #tpu.memory_space<hbm>> -> memref<128x48xf32, #tpu.memory_space<hbm>>
      %dma_start3A_551 = arith.constant 0 : i32
      %dma_start3A_552 = arith.constant 0 : i32
      %dma_start3A_553 = tpu.memref_slice %arg6[%run_scoped3A_148, %dma_start3A_551, %dma_start3A_552] : memref<2x128x48xf32, #tpu.memory_space<vmem>> -> memref<1x128x48xf32, #tpu.memory_space<vmem>>
      %dma_start3A_554 = tpu.memref_squeeze %dma_start3A_553 : memref<1x128x48xf32, #tpu.memory_space<vmem>> -> memref<128x48xf32, #tpu.memory_space<vmem>>
      tpu.enqueue_dma source(%dma_start3A_554 : memref<128x48xf32, #tpu.memory_space<vmem>>) target(%dma_start3A_550 : memref<128x48xf32, #tpu.memory_space<hbm>>) target_semaphore(%run_scoped3A_542 : memref<!tpu.dma_semaphore, #tpu.memory_space<semaphore_mem>>)
      %dma_wait3A_555 = arith.constant 0 : i32
      %dma_wait3A_556 = arith.constant 0 : i32
      %dma_wait3A_557 = tpu.memref_slice %arg6[%run_scoped3A_148, %dma_wait3A_555, %dma_wait3A_556] : memref<2x128x48xf32, #tpu.memory_space<vmem>> -> memref<1x128x48xf32, #tpu.memory_space<vmem>>
      %dma_wait3A_558 = tpu.memref_squeeze %dma_wait3A_557 : memref<1x128x48xf32, #tpu.memory_space<vmem>> -> memref<128x48xf32, #tpu.memory_space<vmem>>
      %dma_wait3A_559 = arith.constant 0 : i32
      %dma_wait3A_560 = tpu.memref_slice %arg4[%add3A_147, %dma_wait3A_559] : memref<81920x48xf32, #tpu.memory_space<hbm>> -> memref<128x48xf32, #tpu.memory_space<hbm>>
      %dma_wait3A_561 = arith.constant 0 : i32
      %dma_wait3A_562 = tpu.memref_slice %arg4[%add3A_147, %dma_wait3A_561] : memref<81920x48xf32, #tpu.memory_space<hbm>> -> memref<128x48xf32, #tpu.memory_space<hbm>>
      %dma_wait3A_563 = arith.constant 0 : i32
      %dma_wait3A_564 = arith.constant 0 : i32
      %dma_wait3A_565 = tpu.memref_slice %arg6[%run_scoped3A_148, %dma_wait3A_563, %dma_wait3A_564] : memref<2x128x48xf32, #tpu.memory_space<vmem>> -> memref<1x128x48xf32, #tpu.memory_space<vmem>>
      %dma_wait3A_566 = tpu.memref_squeeze %dma_wait3A_565 : memref<1x128x48xf32, #tpu.memory_space<vmem>> -> memref<128x48xf32, #tpu.memory_space<vmem>>
      tpu.wait_dma2 semaphore(%run_scoped3A_542 : memref<!tpu.dma_semaphore, #tpu.memory_space<semaphore_mem>>) src(%dma_wait3A_566 : memref<128x48xf32, #tpu.memory_space<vmem>>) dst(%dma_wait3A_562 : memref<128x48xf32, #tpu.memory_space<hbm>>)
      tpu.yield
    }) : () -> ()
    %dma_start3A_149 = arith.constant 6 : i32
    %dma_start3A_150 = arith.constant 0 : i32
    %dma_start3A_151 = arith.constant 0 : i32
    %dma_start3A_152 = arith.constant 0 : i32
    %dma_start3A_153 = tpu.memref_slice %arg6[%dma_start3A_150, %dma_start3A_151, %dma_start3A_152] : memref<2x128x48xf32, #tpu.memory_space<vmem>> -> memref<1x128x48xf32, #tpu.memory_space<vmem>>
    %dma_start3A_154 = tpu.memref_squeeze %dma_start3A_153 : memref<1x128x48xf32, #tpu.memory_space<vmem>> -> memref<128x48xf32, #tpu.memory_space<vmem>>
    %dma_start3A_155 = arith.constant 0 : i32
    %dma_start3A_156 = tpu.memref_slice %arg5[%dma_start3A_149, %dma_start3A_155] : memref<20x128xi32, #tpu.memory_space<vmem>> -> memref<1x128xi32, #tpu.memory_space<vmem>>
    %dma_start3A_157 = tpu.memref_squeeze %dma_start3A_156 : memref<1x128xi32, #tpu.memory_space<vmem>> -> memref<128xi32, #tpu.memory_space<vmem>>
    %dma_start3A_158 = arith.constant 0 : i32
    %dma_start3A_159 = arith.constant 0 : i32
    %dma_start3A_160 = tpu.memref_slice %arg2[%dma_start3A_158, %dma_start3A_159] : memref<10000x48xf32, #tpu.memory_space<hbm>> -> memref<10000x48xf32, #tpu.memory_space<hbm>>
    tpu.enqueue_indirect_dma source(%dma_start3A_160 : memref<10000x48xf32, #tpu.memory_space<hbm>>) target(%dma_start3A_154 : memref<128x48xf32, #tpu.memory_space<vmem>>) offsets(%dma_start3A_157 : memref<128xi32, #tpu.memory_space<vmem>>) semaphore(%arg7 : memref<!tpu.dma_semaphore, #tpu.memory_space<semaphore_mem>>)
    %dma_wait3A_161 = arith.constant 5 : i32
    %dma_wait3A_162 = arith.constant 1 : i32
    %dma_wait3A_163 = arith.constant 0 : i32
    %dma_wait3A_164 = arith.constant 0 : i32
    %dma_wait3A_165 = tpu.memref_slice %arg6[%dma_wait3A_162, %dma_wait3A_163, %dma_wait3A_164] : memref<2x128x48xf32, #tpu.memory_space<vmem>> -> memref<1x128x48xf32, #tpu.memory_space<vmem>>
    %dma_wait3A_166 = tpu.memref_squeeze %dma_wait3A_165 : memref<1x128x48xf32, #tpu.memory_space<vmem>> -> memref<128x48xf32, #tpu.memory_space<vmem>>
    %dma_wait3A_167 = arith.constant 0 : i32
    %dma_wait3A_168 = tpu.memref_slice %arg5[%dma_wait3A_161, %dma_wait3A_167] : memref<20x128xi32, #tpu.memory_space<vmem>> -> memref<1x128xi32, #tpu.memory_space<vmem>>
    %dma_wait3A_169 = tpu.memref_squeeze %dma_wait3A_168 : memref<1x128xi32, #tpu.memory_space<vmem>> -> memref<128xi32, #tpu.memory_space<vmem>>
    %dma_wait3A_170 = arith.constant 0 : i32
    %dma_wait3A_171 = arith.constant 0 : i32
    %dma_wait3A_172 = tpu.memref_slice %arg2[%dma_wait3A_170, %dma_wait3A_171] : memref<10000x48xf32, #tpu.memory_space<hbm>> -> memref<10000x48xf32, #tpu.memory_space<hbm>>
    tpu.wait_indirect_dma semaphore(%arg8 : memref<!tpu.dma_semaphore, #tpu.memory_space<semaphore_mem>>) src(%dma_wait3A_172 : memref<10000x48xf32, #tpu.memory_space<hbm>>) dst(%dma_wait3A_166 : memref<128x48xf32, #tpu.memory_space<vmem>>)
    %add3A_173 = arith.constant 640 : i32
    %add3A_174 = arith.addi %mul3A_2, %add3A_173 : i32
    %run_scoped3A_175 = arith.constant 1 : i32
    "tpu.region"() ({
      %run_scoped3A_542 = tpu.sem_alloc : memref<!tpu.dma_semaphore, #tpu.memory_space<semaphore_mem>>
      %dma_start3A_543 = arith.constant 0 : i32
      %dma_start3A_544 = arith.constant 0 : i32
      %dma_start3A_545 = tpu.memref_slice %arg6[%run_scoped3A_175, %dma_start3A_543, %dma_start3A_544] : memref<2x128x48xf32, #tpu.memory_space<vmem>> -> memref<1x128x48xf32, #tpu.memory_space<vmem>>
      %dma_start3A_546 = tpu.memref_squeeze %dma_start3A_545 : memref<1x128x48xf32, #tpu.memory_space<vmem>> -> memref<128x48xf32, #tpu.memory_space<vmem>>
      %dma_start3A_547 = arith.constant 0 : i32
      %dma_start3A_548 = tpu.memref_slice %arg4[%add3A_174, %dma_start3A_547] : memref<81920x48xf32, #tpu.memory_space<hbm>> -> memref<128x48xf32, #tpu.memory_space<hbm>>
      %dma_start3A_549 = arith.constant 0 : i32
      %dma_start3A_550 = tpu.memref_slice %arg4[%add3A_174, %dma_start3A_549] : memref<81920x48xf32, #tpu.memory_space<hbm>> -> memref<128x48xf32, #tpu.memory_space<hbm>>
      %dma_start3A_551 = arith.constant 0 : i32
      %dma_start3A_552 = arith.constant 0 : i32
      %dma_start3A_553 = tpu.memref_slice %arg6[%run_scoped3A_175, %dma_start3A_551, %dma_start3A_552] : memref<2x128x48xf32, #tpu.memory_space<vmem>> -> memref<1x128x48xf32, #tpu.memory_space<vmem>>
      %dma_start3A_554 = tpu.memref_squeeze %dma_start3A_553 : memref<1x128x48xf32, #tpu.memory_space<vmem>> -> memref<128x48xf32, #tpu.memory_space<vmem>>
      tpu.enqueue_dma source(%dma_start3A_554 : memref<128x48xf32, #tpu.memory_space<vmem>>) target(%dma_start3A_550 : memref<128x48xf32, #tpu.memory_space<hbm>>) target_semaphore(%run_scoped3A_542 : memref<!tpu.dma_semaphore, #tpu.memory_space<semaphore_mem>>)
      %dma_wait3A_555 = arith.constant 0 : i32
      %dma_wait3A_556 = arith.constant 0 : i32
      %dma_wait3A_557 = tpu.memref_slice %arg6[%run_scoped3A_175, %dma_wait3A_555, %dma_wait3A_556] : memref<2x128x48xf32, #tpu.memory_space<vmem>> -> memref<1x128x48xf32, #tpu.memory_space<vmem>>
      %dma_wait3A_558 = tpu.memref_squeeze %dma_wait3A_557 : memref<1x128x48xf32, #tpu.memory_space<vmem>> -> memref<128x48xf32, #tpu.memory_space<vmem>>
      %dma_wait3A_559 = arith.constant 0 : i32
      %dma_wait3A_560 = tpu.memref_slice %arg4[%add3A_174, %dma_wait3A_559] : memref<81920x48xf32, #tpu.memory_space<hbm>> -> memref<128x48xf32, #tpu.memory_space<hbm>>
      %dma_wait3A_561 = arith.constant 0 : i32
      %dma_wait3A_562 = tpu.memref_slice %arg4[%add3A_174, %dma_wait3A_561] : memref<81920x48xf32, #tpu.memory_space<hbm>> -> memref<128x48xf32, #tpu.memory_space<hbm>>
      %dma_wait3A_563 = arith.constant 0 : i32
      %dma_wait3A_564 = arith.constant 0 : i32
      %dma_wait3A_565 = tpu.memref_slice %arg6[%run_scoped3A_175, %dma_wait3A_563, %dma_wait3A_564] : memref<2x128x48xf32, #tpu.memory_space<vmem>> -> memref<1x128x48xf32, #tpu.memory_space<vmem>>
      %dma_wait3A_566 = tpu.memref_squeeze %dma_wait3A_565 : memref<1x128x48xf32, #tpu.memory_space<vmem>> -> memref<128x48xf32, #tpu.memory_space<vmem>>
      tpu.wait_dma2 semaphore(%run_scoped3A_542 : memref<!tpu.dma_semaphore, #tpu.memory_space<semaphore_mem>>) src(%dma_wait3A_566 : memref<128x48xf32, #tpu.memory_space<vmem>>) dst(%dma_wait3A_562 : memref<128x48xf32, #tpu.memory_space<hbm>>)
      tpu.yield
    }) : () -> ()
    %dma_start3A_176 = arith.constant 7 : i32
    %dma_start3A_177 = arith.constant 1 : i32
    %dma_start3A_178 = arith.constant 0 : i32
    %dma_start3A_179 = arith.constant 0 : i32
    %dma_start3A_180 = tpu.memref_slice %arg6[%dma_start3A_177, %dma_start3A_178, %dma_start3A_179] : memref<2x128x48xf32, #tpu.memory_space<vmem>> -> memref<1x128x48xf32, #tpu.memory_space<vmem>>
    %dma_start3A_181 = tpu.memref_squeeze %dma_start3A_180 : memref<1x128x48xf32, #tpu.memory_space<vmem>> -> memref<128x48xf32, #tpu.memory_space<vmem>>
    %dma_start3A_182 = arith.constant 0 : i32
    %dma_start3A_183 = tpu.memref_slice %arg5[%dma_start3A_176, %dma_start3A_182] : memref<20x128xi32, #tpu.memory_space<vmem>> -> memref<1x128xi32, #tpu.memory_space<vmem>>
    %dma_start3A_184 = tpu.memref_squeeze %dma_start3A_183 : memref<1x128xi32, #tpu.memory_space<vmem>> -> memref<128xi32, #tpu.memory_space<vmem>>
    %dma_start3A_185 = arith.constant 0 : i32
    %dma_start3A_186 = arith.constant 0 : i32
    %dma_start3A_187 = tpu.memref_slice %arg2[%dma_start3A_185, %dma_start3A_186] : memref<10000x48xf32, #tpu.memory_space<hbm>> -> memref<10000x48xf32, #tpu.memory_space<hbm>>
    tpu.enqueue_indirect_dma source(%dma_start3A_187 : memref<10000x48xf32, #tpu.memory_space<hbm>>) target(%dma_start3A_181 : memref<128x48xf32, #tpu.memory_space<vmem>>) offsets(%dma_start3A_184 : memref<128xi32, #tpu.memory_space<vmem>>) semaphore(%arg8 : memref<!tpu.dma_semaphore, #tpu.memory_space<semaphore_mem>>)
    %dma_wait3A_188 = arith.constant 6 : i32
    %dma_wait3A_189 = arith.constant 0 : i32
    %dma_wait3A_190 = arith.constant 0 : i32
    %dma_wait3A_191 = arith.constant 0 : i32
    %dma_wait3A_192 = tpu.memref_slice %arg6[%dma_wait3A_189, %dma_wait3A_190, %dma_wait3A_191] : memref<2x128x48xf32, #tpu.memory_space<vmem>> -> memref<1x128x48xf32, #tpu.memory_space<vmem>>
    %dma_wait3A_193 = tpu.memref_squeeze %dma_wait3A_192 : memref<1x128x48xf32, #tpu.memory_space<vmem>> -> memref<128x48xf32, #tpu.memory_space<vmem>>
    %dma_wait3A_194 = arith.constant 0 : i32
    %dma_wait3A_195 = tpu.memref_slice %arg5[%dma_wait3A_188, %dma_wait3A_194] : memref<20x128xi32, #tpu.memory_space<vmem>> -> memref<1x128xi32, #tpu.memory_space<vmem>>
    %dma_wait3A_196 = tpu.memref_squeeze %dma_wait3A_195 : memref<1x128xi32, #tpu.memory_space<vmem>> -> memref<128xi32, #tpu.memory_space<vmem>>
    %dma_wait3A_197 = arith.constant 0 : i32
    %dma_wait3A_198 = arith.constant 0 : i32
    %dma_wait3A_199 = tpu.memref_slice %arg2[%dma_wait3A_197, %dma_wait3A_198] : memref<10000x48xf32, #tpu.memory_space<hbm>> -> memref<10000x48xf32, #tpu.memory_space<hbm>>
    tpu.wait_indirect_dma semaphore(%arg7 : memref<!tpu.dma_semaphore, #tpu.memory_space<semaphore_mem>>) src(%dma_wait3A_199 : memref<10000x48xf32, #tpu.memory_space<hbm>>) dst(%dma_wait3A_193 : memref<128x48xf32, #tpu.memory_space<vmem>>)
    %add3A_200 = arith.constant 768 : i32
    %add3A_201 = arith.addi %mul3A_2, %add3A_200 : i32
    %run_scoped3A_202 = arith.constant 0 : i32
    "tpu.region"() ({
      %run_scoped3A_542 = tpu.sem_alloc : memref<!tpu.dma_semaphore, #tpu.memory_space<semaphore_mem>>
      %dma_start3A_543 = arith.constant 0 : i32
      %dma_start3A_544 = arith.constant 0 : i32
      %dma_start3A_545 = tpu.memref_slice %arg6[%run_scoped3A_202, %dma_start3A_543, %dma_start3A_544] : memref<2x128x48xf32, #tpu.memory_space<vmem>> -> memref<1x128x48xf32, #tpu.memory_space<vmem>>
      %dma_start3A_546 = tpu.memref_squeeze %dma_start3A_545 : memref<1x128x48xf32, #tpu.memory_space<vmem>> -> memref<128x48xf32, #tpu.memory_space<vmem>>
      %dma_start3A_547 = arith.constant 0 : i32
      %dma_start3A_548 = tpu.memref_slice %arg4[%add3A_201, %dma_start3A_547] : memref<81920x48xf32, #tpu.memory_space<hbm>> -> memref<128x48xf32, #tpu.memory_space<hbm>>
      %dma_start3A_549 = arith.constant 0 : i32
      %dma_start3A_550 = tpu.memref_slice %arg4[%add3A_201, %dma_start3A_549] : memref<81920x48xf32, #tpu.memory_space<hbm>> -> memref<128x48xf32, #tpu.memory_space<hbm>>
      %dma_start3A_551 = arith.constant 0 : i32
      %dma_start3A_552 = arith.constant 0 : i32
      %dma_start3A_553 = tpu.memref_slice %arg6[%run_scoped3A_202, %dma_start3A_551, %dma_start3A_552] : memref<2x128x48xf32, #tpu.memory_space<vmem>> -> memref<1x128x48xf32, #tpu.memory_space<vmem>>
      %dma_start3A_554 = tpu.memref_squeeze %dma_start3A_553 : memref<1x128x48xf32, #tpu.memory_space<vmem>> -> memref<128x48xf32, #tpu.memory_space<vmem>>
      tpu.enqueue_dma source(%dma_start3A_554 : memref<128x48xf32, #tpu.memory_space<vmem>>) target(%dma_start3A_550 : memref<128x48xf32, #tpu.memory_space<hbm>>) target_semaphore(%run_scoped3A_542 : memref<!tpu.dma_semaphore, #tpu.memory_space<semaphore_mem>>)
      %dma_wait3A_555 = arith.constant 0 : i32
      %dma_wait3A_556 = arith.constant 0 : i32
      %dma_wait3A_557 = tpu.memref_slice %arg6[%run_scoped3A_202, %dma_wait3A_555, %dma_wait3A_556] : memref<2x128x48xf32, #tpu.memory_space<vmem>> -> memref<1x128x48xf32, #tpu.memory_space<vmem>>
      %dma_wait3A_558 = tpu.memref_squeeze %dma_wait3A_557 : memref<1x128x48xf32, #tpu.memory_space<vmem>> -> memref<128x48xf32, #tpu.memory_space<vmem>>
      %dma_wait3A_559 = arith.constant 0 : i32
      %dma_wait3A_560 = tpu.memref_slice %arg4[%add3A_201, %dma_wait3A_559] : memref<81920x48xf32, #tpu.memory_space<hbm>> -> memref<128x48xf32, #tpu.memory_space<hbm>>
      %dma_wait3A_561 = arith.constant 0 : i32
      %dma_wait3A_562 = tpu.memref_slice %arg4[%add3A_201, %dma_wait3A_561] : memref<81920x48xf32, #tpu.memory_space<hbm>> -> memref<128x48xf32, #tpu.memory_space<hbm>>
      %dma_wait3A_563 = arith.constant 0 : i32
      %dma_wait3A_564 = arith.constant 0 : i32
      %dma_wait3A_565 = tpu.memref_slice %arg6[%run_scoped3A_202, %dma_wait3A_563, %dma_wait3A_564] : memref<2x128x48xf32, #tpu.memory_space<vmem>> -> memref<1x128x48xf32, #tpu.memory_space<vmem>>
      %dma_wait3A_566 = tpu.memref_squeeze %dma_wait3A_565 : memref<1x128x48xf32, #tpu.memory_space<vmem>> -> memref<128x48xf32, #tpu.memory_space<vmem>>
      tpu.wait_dma2 semaphore(%run_scoped3A_542 : memref<!tpu.dma_semaphore, #tpu.memory_space<semaphore_mem>>) src(%dma_wait3A_566 : memref<128x48xf32, #tpu.memory_space<vmem>>) dst(%dma_wait3A_562 : memref<128x48xf32, #tpu.memory_space<hbm>>)
      tpu.yield
    }) : () -> ()
    %dma_start3A_203 = arith.constant 8 : i32
    %dma_start3A_204 = arith.constant 0 : i32
    %dma_start3A_205 = arith.constant 0 : i32
    %dma_start3A_206 = arith.constant 0 : i32
    %dma_start3A_207 = tpu.memref_slice %arg6[%dma_start3A_204, %dma_start3A_205, %dma_start3A_206] : memref<2x128x48xf32, #tpu.memory_space<vmem>> -> memref<1x128x48xf32, #tpu.memory_space<vmem>>
    %dma_start3A_208 = tpu.memref_squeeze %dma_start3A_207 : memref<1x128x48xf32, #tpu.memory_space<vmem>> -> memref<128x48xf32, #tpu.memory_space<vmem>>
    %dma_start3A_209 = arith.constant 0 : i32
    %dma_start3A_210 = tpu.memref_slice %arg5[%dma_start3A_203, %dma_start3A_209] : memref<20x128xi32, #tpu.memory_space<vmem>> -> memref<1x128xi32, #tpu.memory_space<vmem>>
    %dma_start3A_211 = tpu.memref_squeeze %dma_start3A_210 : memref<1x128xi32, #tpu.memory_space<vmem>> -> memref<128xi32, #tpu.memory_space<vmem>>
    %dma_start3A_212 = arith.constant 0 : i32
    %dma_start3A_213 = arith.constant 0 : i32
    %dma_start3A_214 = tpu.memref_slice %arg2[%dma_start3A_212, %dma_start3A_213] : memref<10000x48xf32, #tpu.memory_space<hbm>> -> memref<10000x48xf32, #tpu.memory_space<hbm>>
    tpu.enqueue_indirect_dma source(%dma_start3A_214 : memref<10000x48xf32, #tpu.memory_space<hbm>>) target(%dma_start3A_208 : memref<128x48xf32, #tpu.memory_space<vmem>>) offsets(%dma_start3A_211 : memref<128xi32, #tpu.memory_space<vmem>>) semaphore(%arg7 : memref<!tpu.dma_semaphore, #tpu.memory_space<semaphore_mem>>)
    %dma_wait3A_215 = arith.constant 7 : i32
    %dma_wait3A_216 = arith.constant 1 : i32
    %dma_wait3A_217 = arith.constant 0 : i32
    %dma_wait3A_218 = arith.constant 0 : i32
    %dma_wait3A_219 = tpu.memref_slice %arg6[%dma_wait3A_216, %dma_wait3A_217, %dma_wait3A_218] : memref<2x128x48xf32, #tpu.memory_space<vmem>> -> memref<1x128x48xf32, #tpu.memory_space<vmem>>
    %dma_wait3A_220 = tpu.memref_squeeze %dma_wait3A_219 : memref<1x128x48xf32, #tpu.memory_space<vmem>> -> memref<128x48xf32, #tpu.memory_space<vmem>>
    %dma_wait3A_221 = arith.constant 0 : i32
    %dma_wait3A_222 = tpu.memref_slice %arg5[%dma_wait3A_215, %dma_wait3A_221] : memref<20x128xi32, #tpu.memory_space<vmem>> -> memref<1x128xi32, #tpu.memory_space<vmem>>
    %dma_wait3A_223 = tpu.memref_squeeze %dma_wait3A_222 : memref<1x128xi32, #tpu.memory_space<vmem>> -> memref<128xi32, #tpu.memory_space<vmem>>
    %dma_wait3A_224 = arith.constant 0 : i32
    %dma_wait3A_225 = arith.constant 0 : i32
    %dma_wait3A_226 = tpu.memref_slice %arg2[%dma_wait3A_224, %dma_wait3A_225] : memref<10000x48xf32, #tpu.memory_space<hbm>> -> memref<10000x48xf32, #tpu.memory_space<hbm>>
    tpu.wait_indirect_dma semaphore(%arg8 : memref<!tpu.dma_semaphore, #tpu.memory_space<semaphore_mem>>) src(%dma_wait3A_226 : memref<10000x48xf32, #tpu.memory_space<hbm>>) dst(%dma_wait3A_220 : memref<128x48xf32, #tpu.memory_space<vmem>>)
    %add3A_227 = arith.constant 896 : i32
    %add3A_228 = arith.addi %mul3A_2, %add3A_227 : i32
    %run_scoped3A_229 = arith.constant 1 : i32
    "tpu.region"() ({
      %run_scoped3A_542 = tpu.sem_alloc : memref<!tpu.dma_semaphore, #tpu.memory_space<semaphore_mem>>
      %dma_start3A_543 = arith.constant 0 : i32
      %dma_start3A_544 = arith.constant 0 : i32
      %dma_start3A_545 = tpu.memref_slice %arg6[%run_scoped3A_229, %dma_start3A_543, %dma_start3A_544] : memref<2x128x48xf32, #tpu.memory_space<vmem>> -> memref<1x128x48xf32, #tpu.memory_space<vmem>>
      %dma_start3A_546 = tpu.memref_squeeze %dma_start3A_545 : memref<1x128x48xf32, #tpu.memory_space<vmem>> -> memref<128x48xf32, #tpu.memory_space<vmem>>
      %dma_start3A_547 = arith.constant 0 : i32
      %dma_start3A_548 = tpu.memref_slice %arg4[%add3A_228, %dma_start3A_547] : memref<81920x48xf32, #tpu.memory_space<hbm>> -> memref<128x48xf32, #tpu.memory_space<hbm>>
      %dma_start3A_549 = arith.constant 0 : i32
      %dma_start3A_550 = tpu.memref_slice %arg4[%add3A_228, %dma_start3A_549] : memref<81920x48xf32, #tpu.memory_space<hbm>> -> memref<128x48xf32, #tpu.memory_space<hbm>>
      %dma_start3A_551 = arith.constant 0 : i32
      %dma_start3A_552 = arith.constant 0 : i32
      %dma_start3A_553 = tpu.memref_slice %arg6[%run_scoped3A_229, %dma_start3A_551, %dma_start3A_552] : memref<2x128x48xf32, #tpu.memory_space<vmem>> -> memref<1x128x48xf32, #tpu.memory_space<vmem>>
      %dma_start3A_554 = tpu.memref_squeeze %dma_start3A_553 : memref<1x128x48xf32, #tpu.memory_space<vmem>> -> memref<128x48xf32, #tpu.memory_space<vmem>>
      tpu.enqueue_dma source(%dma_start3A_554 : memref<128x48xf32, #tpu.memory_space<vmem>>) target(%dma_start3A_550 : memref<128x48xf32, #tpu.memory_space<hbm>>) target_semaphore(%run_scoped3A_542 : memref<!tpu.dma_semaphore, #tpu.memory_space<semaphore_mem>>)
      %dma_wait3A_555 = arith.constant 0 : i32
      %dma_wait3A_556 = arith.constant 0 : i32
      %dma_wait3A_557 = tpu.memref_slice %arg6[%run_scoped3A_229, %dma_wait3A_555, %dma_wait3A_556] : memref<2x128x48xf32, #tpu.memory_space<vmem>> -> memref<1x128x48xf32, #tpu.memory_space<vmem>>
      %dma_wait3A_558 = tpu.memref_squeeze %dma_wait3A_557 : memref<1x128x48xf32, #tpu.memory_space<vmem>> -> memref<128x48xf32, #tpu.memory_space<vmem>>
      %dma_wait3A_559 = arith.constant 0 : i32
      %dma_wait3A_560 = tpu.memref_slice %arg4[%add3A_228, %dma_wait3A_559] : memref<81920x48xf32, #tpu.memory_space<hbm>> -> memref<128x48xf32, #tpu.memory_space<hbm>>
      %dma_wait3A_561 = arith.constant 0 : i32
      %dma_wait3A_562 = tpu.memref_slice %arg4[%add3A_228, %dma_wait3A_561] : memref<81920x48xf32, #tpu.memory_space<hbm>> -> memref<128x48xf32, #tpu.memory_space<hbm>>
      %dma_wait3A_563 = arith.constant 0 : i32
      %dma_wait3A_564 = arith.constant 0 : i32
      %dma_wait3A_565 = tpu.memref_slice %arg6[%run_scoped3A_229, %dma_wait3A_563, %dma_wait3A_564] : memref<2x128x48xf32, #tpu.memory_space<vmem>> -> memref<1x128x48xf32, #tpu.memory_space<vmem>>
      %dma_wait3A_566 = tpu.memref_squeeze %dma_wait3A_565 : memref<1x128x48xf32, #tpu.memory_space<vmem>> -> memref<128x48xf32, #tpu.memory_space<vmem>>
      tpu.wait_dma2 semaphore(%run_scoped3A_542 : memref<!tpu.dma_semaphore, #tpu.memory_space<semaphore_mem>>) src(%dma_wait3A_566 : memref<128x48xf32, #tpu.memory_space<vmem>>) dst(%dma_wait3A_562 : memref<128x48xf32, #tpu.memory_space<hbm>>)
      tpu.yield
    }) : () -> ()
    %dma_start3A_230 = arith.constant 9 : i32
    %dma_start3A_231 = arith.constant 1 : i32
    %dma_start3A_232 = arith.constant 0 : i32
    %dma_start3A_233 = arith.constant 0 : i32
    %dma_start3A_234 = tpu.memref_slice %arg6[%dma_start3A_231, %dma_start3A_232, %dma_start3A_233] : memref<2x128x48xf32, #tpu.memory_space<vmem>> -> memref<1x128x48xf32, #tpu.memory_space<vmem>>
    %dma_start3A_235 = tpu.memref_squeeze %dma_start3A_234 : memref<1x128x48xf32, #tpu.memory_space<vmem>> -> memref<128x48xf32, #tpu.memory_space<vmem>>
    %dma_start3A_236 = arith.constant 0 : i32
    %dma_start3A_237 = tpu.memref_slice %arg5[%dma_start3A_230, %dma_start3A_236] : memref<20x128xi32, #tpu.memory_space<vmem>> -> memref<1x128xi32, #tpu.memory_space<vmem>>
    %dma_start3A_238 = tpu.memref_squeeze %dma_start3A_237 : memref<1x128xi32, #tpu.memory_space<vmem>> -> memref<128xi32, #tpu.memory_space<vmem>>
    %dma_start3A_239 = arith.constant 0 : i32
    %dma_start3A_240 = arith.constant 0 : i32
    %dma_start3A_241 = tpu.memref_slice %arg2[%dma_start3A_239, %dma_start3A_240] : memref<10000x48xf32, #tpu.memory_space<hbm>> -> memref<10000x48xf32, #tpu.memory_space<hbm>>
    tpu.enqueue_indirect_dma source(%dma_start3A_241 : memref<10000x48xf32, #tpu.memory_space<hbm>>) target(%dma_start3A_235 : memref<128x48xf32, #tpu.memory_space<vmem>>) offsets(%dma_start3A_238 : memref<128xi32, #tpu.memory_space<vmem>>) semaphore(%arg8 : memref<!tpu.dma_semaphore, #tpu.memory_space<semaphore_mem>>)
    %dma_wait3A_242 = arith.constant 8 : i32
    %dma_wait3A_243 = arith.constant 0 : i32
    %dma_wait3A_244 = arith.constant 0 : i32
    %dma_wait3A_245 = arith.constant 0 : i32
    %dma_wait3A_246 = tpu.memref_slice %arg6[%dma_wait3A_243, %dma_wait3A_244, %dma_wait3A_245] : memref<2x128x48xf32, #tpu.memory_space<vmem>> -> memref<1x128x48xf32, #tpu.memory_space<vmem>>
    %dma_wait3A_247 = tpu.memref_squeeze %dma_wait3A_246 : memref<1x128x48xf32, #tpu.memory_space<vmem>> -> memref<128x48xf32, #tpu.memory_space<vmem>>
    %dma_wait3A_248 = arith.constant 0 : i32
    %dma_wait3A_249 = tpu.memref_slice %arg5[%dma_wait3A_242, %dma_wait3A_248] : memref<20x128xi32, #tpu.memory_space<vmem>> -> memref<1x128xi32, #tpu.memory_space<vmem>>
    %dma_wait3A_250 = tpu.memref_squeeze %dma_wait3A_249 : memref<1x128xi32, #tpu.memory_space<vmem>> -> memref<128xi32, #tpu.memory_space<vmem>>
    %dma_wait3A_251 = arith.constant 0 : i32
    %dma_wait3A_252 = arith.constant 0 : i32
    %dma_wait3A_253 = tpu.memref_slice %arg2[%dma_wait3A_251, %dma_wait3A_252] : memref<10000x48xf32, #tpu.memory_space<hbm>> -> memref<10000x48xf32, #tpu.memory_space<hbm>>
    tpu.wait_indirect_dma semaphore(%arg7 : memref<!tpu.dma_semaphore, #tpu.memory_space<semaphore_mem>>) src(%dma_wait3A_253 : memref<10000x48xf32, #tpu.memory_space<hbm>>) dst(%dma_wait3A_247 : memref<128x48xf32, #tpu.memory_space<vmem>>)
    %add3A_254 = arith.constant 1024 : i32
    %add3A_255 = arith.addi %mul3A_2, %add3A_254 : i32
    %run_scoped3A_256 = arith.constant 0 : i32
    "tpu.region"() ({
      %run_scoped3A_542 = tpu.sem_alloc : memref<!tpu.dma_semaphore, #tpu.memory_space<semaphore_mem>>
      %dma_start3A_543 = arith.constant 0 : i32
      %dma_start3A_544 = arith.constant 0 : i32
      %dma_start3A_545 = tpu.memref_slice %arg6[%run_scoped3A_256, %dma_start3A_543, %dma_start3A_544] : memref<2x128x48xf32, #tpu.memory_space<vmem>> -> memref<1x128x48xf32, #tpu.memory_space<vmem>>
      %dma_start3A_546 = tpu.memref_squeeze %dma_start3A_545 : memref<1x128x48xf32, #tpu.memory_space<vmem>> -> memref<128x48xf32, #tpu.memory_space<vmem>>
      %dma_start3A_547 = arith.constant 0 : i32
      %dma_start3A_548 = tpu.memref_slice %arg4[%add3A_255, %dma_start3A_547] : memref<81920x48xf32, #tpu.memory_space<hbm>> -> memref<128x48xf32, #tpu.memory_space<hbm>>
      %dma_start3A_549 = arith.constant 0 : i32
      %dma_start3A_550 = tpu.memref_slice %arg4[%add3A_255, %dma_start3A_549] : memref<81920x48xf32, #tpu.memory_space<hbm>> -> memref<128x48xf32, #tpu.memory_space<hbm>>
      %dma_start3A_551 = arith.constant 0 : i32
      %dma_start3A_552 = arith.constant 0 : i32
      %dma_start3A_553 = tpu.memref_slice %arg6[%run_scoped3A_256, %dma_start3A_551, %dma_start3A_552] : memref<2x128x48xf32, #tpu.memory_space<vmem>> -> memref<1x128x48xf32, #tpu.memory_space<vmem>>
      %dma_start3A_554 = tpu.memref_squeeze %dma_start3A_553 : memref<1x128x48xf32, #tpu.memory_space<vmem>> -> memref<128x48xf32, #tpu.memory_space<vmem>>
      tpu.enqueue_dma source(%dma_start3A_554 : memref<128x48xf32, #tpu.memory_space<vmem>>) target(%dma_start3A_550 : memref<128x48xf32, #tpu.memory_space<hbm>>) target_semaphore(%run_scoped3A_542 : memref<!tpu.dma_semaphore, #tpu.memory_space<semaphore_mem>>)
      %dma_wait3A_555 = arith.constant 0 : i32
      %dma_wait3A_556 = arith.constant 0 : i32
      %dma_wait3A_557 = tpu.memref_slice %arg6[%run_scoped3A_256, %dma_wait3A_555, %dma_wait3A_556] : memref<2x128x48xf32, #tpu.memory_space<vmem>> -> memref<1x128x48xf32, #tpu.memory_space<vmem>>
      %dma_wait3A_558 = tpu.memref_squeeze %dma_wait3A_557 : memref<1x128x48xf32, #tpu.memory_space<vmem>> -> memref<128x48xf32, #tpu.memory_space<vmem>>
      %dma_wait3A_559 = arith.constant 0 : i32
      %dma_wait3A_560 = tpu.memref_slice %arg4[%add3A_255, %dma_wait3A_559] : memref<81920x48xf32, #tpu.memory_space<hbm>> -> memref<128x48xf32, #tpu.memory_space<hbm>>
      %dma_wait3A_561 = arith.constant 0 : i32
      %dma_wait3A_562 = tpu.memref_slice %arg4[%add3A_255, %dma_wait3A_561] : memref<81920x48xf32, #tpu.memory_space<hbm>> -> memref<128x48xf32, #tpu.memory_space<hbm>>
      %dma_wait3A_563 = arith.constant 0 : i32
      %dma_wait3A_564 = arith.constant 0 : i32
      %dma_wait3A_565 = tpu.memref_slice %arg6[%run_scoped3A_256, %dma_wait3A_563, %dma_wait3A_564] : memref<2x128x48xf32, #tpu.memory_space<vmem>> -> memref<1x128x48xf32, #tpu.memory_space<vmem>>
      %dma_wait3A_566 = tpu.memref_squeeze %dma_wait3A_565 : memref<1x128x48xf32, #tpu.memory_space<vmem>> -> memref<128x48xf32, #tpu.memory_space<vmem>>
      tpu.wait_dma2 semaphore(%run_scoped3A_542 : memref<!tpu.dma_semaphore, #tpu.memory_space<semaphore_mem>>) src(%dma_wait3A_566 : memref<128x48xf32, #tpu.memory_space<vmem>>) dst(%dma_wait3A_562 : memref<128x48xf32, #tpu.memory_space<hbm>>)
      tpu.yield
    }) : () -> ()
    %dma_start3A_257 = arith.constant 10 : i32
    %dma_start3A_258 = arith.constant 0 : i32
    %dma_start3A_259 = arith.constant 0 : i32
    %dma_start3A_260 = arith.constant 0 : i32
    %dma_start3A_261 = tpu.memref_slice %arg6[%dma_start3A_258, %dma_start3A_259, %dma_start3A_260] : memref<2x128x48xf32, #tpu.memory_space<vmem>> -> memref<1x128x48xf32, #tpu.memory_space<vmem>>
    %dma_start3A_262 = tpu.memref_squeeze %dma_start3A_261 : memref<1x128x48xf32, #tpu.memory_space<vmem>> -> memref<128x48xf32, #tpu.memory_space<vmem>>
    %dma_start3A_263 = arith.constant 0 : i32
    %dma_start3A_264 = tpu.memref_slice %arg5[%dma_start3A_257, %dma_start3A_263] : memref<20x128xi32, #tpu.memory_space<vmem>> -> memref<1x128xi32, #tpu.memory_space<vmem>>
    %dma_start3A_265 = tpu.memref_squeeze %dma_start3A_264 : memref<1x128xi32, #tpu.memory_space<vmem>> -> memref<128xi32, #tpu.memory_space<vmem>>
    %dma_start3A_266 = arith.constant 0 : i32
    %dma_start3A_267 = arith.constant 0 : i32
    %dma_start3A_268 = tpu.memref_slice %arg2[%dma_start3A_266, %dma_start3A_267] : memref<10000x48xf32, #tpu.memory_space<hbm>> -> memref<10000x48xf32, #tpu.memory_space<hbm>>
    tpu.enqueue_indirect_dma source(%dma_start3A_268 : memref<10000x48xf32, #tpu.memory_space<hbm>>) target(%dma_start3A_262 : memref<128x48xf32, #tpu.memory_space<vmem>>) offsets(%dma_start3A_265 : memref<128xi32, #tpu.memory_space<vmem>>) semaphore(%arg7 : memref<!tpu.dma_semaphore, #tpu.memory_space<semaphore_mem>>)
    %dma_wait3A_269 = arith.constant 9 : i32
    %dma_wait3A_270 = arith.constant 1 : i32
    %dma_wait3A_271 = arith.constant 0 : i32
    %dma_wait3A_272 = arith.constant 0 : i32
    %dma_wait3A_273 = tpu.memref_slice %arg6[%dma_wait3A_270, %dma_wait3A_271, %dma_wait3A_272] : memref<2x128x48xf32, #tpu.memory_space<vmem>> -> memref<1x128x48xf32, #tpu.memory_space<vmem>>
    %dma_wait3A_274 = tpu.memref_squeeze %dma_wait3A_273 : memref<1x128x48xf32, #tpu.memory_space<vmem>> -> memref<128x48xf32, #tpu.memory_space<vmem>>
    %dma_wait3A_275 = arith.constant 0 : i32
    %dma_wait3A_276 = tpu.memref_slice %arg5[%dma_wait3A_269, %dma_wait3A_275] : memref<20x128xi32, #tpu.memory_space<vmem>> -> memref<1x128xi32, #tpu.memory_space<vmem>>
    %dma_wait3A_277 = tpu.memref_squeeze %dma_wait3A_276 : memref<1x128xi32, #tpu.memory_space<vmem>> -> memref<128xi32, #tpu.memory_space<vmem>>
    %dma_wait3A_278 = arith.constant 0 : i32
    %dma_wait3A_279 = arith.constant 0 : i32
    %dma_wait3A_280 = tpu.memref_slice %arg2[%dma_wait3A_278, %dma_wait3A_279] : memref<10000x48xf32, #tpu.memory_space<hbm>> -> memref<10000x48xf32, #tpu.memory_space<hbm>>
    tpu.wait_indirect_dma semaphore(%arg8 : memref<!tpu.dma_semaphore, #tpu.memory_space<semaphore_mem>>) src(%dma_wait3A_280 : memref<10000x48xf32, #tpu.memory_space<hbm>>) dst(%dma_wait3A_274 : memref<128x48xf32, #tpu.memory_space<vmem>>)
    %add3A_281 = arith.constant 1152 : i32
    %add3A_282 = arith.addi %mul3A_2, %add3A_281 : i32
    %run_scoped3A_283 = arith.constant 1 : i32
    "tpu.region"() ({
      %run_scoped3A_542 = tpu.sem_alloc : memref<!tpu.dma_semaphore, #tpu.memory_space<semaphore_mem>>
      %dma_start3A_543 = arith.constant 0 : i32
      %dma_start3A_544 = arith.constant 0 : i32
      %dma_start3A_545 = tpu.memref_slice %arg6[%run_scoped3A_283, %dma_start3A_543, %dma_start3A_544] : memref<2x128x48xf32, #tpu.memory_space<vmem>> -> memref<1x128x48xf32, #tpu.memory_space<vmem>>
      %dma_start3A_546 = tpu.memref_squeeze %dma_start3A_545 : memref<1x128x48xf32, #tpu.memory_space<vmem>> -> memref<128x48xf32, #tpu.memory_space<vmem>>
      %dma_start3A_547 = arith.constant 0 : i32
      %dma_start3A_548 = tpu.memref_slice %arg4[%add3A_282, %dma_start3A_547] : memref<81920x48xf32, #tpu.memory_space<hbm>> -> memref<128x48xf32, #tpu.memory_space<hbm>>
      %dma_start3A_549 = arith.constant 0 : i32
      %dma_start3A_550 = tpu.memref_slice %arg4[%add3A_282, %dma_start3A_549] : memref<81920x48xf32, #tpu.memory_space<hbm>> -> memref<128x48xf32, #tpu.memory_space<hbm>>
      %dma_start3A_551 = arith.constant 0 : i32
      %dma_start3A_552 = arith.constant 0 : i32
      %dma_start3A_553 = tpu.memref_slice %arg6[%run_scoped3A_283, %dma_start3A_551, %dma_start3A_552] : memref<2x128x48xf32, #tpu.memory_space<vmem>> -> memref<1x128x48xf32, #tpu.memory_space<vmem>>
      %dma_start3A_554 = tpu.memref_squeeze %dma_start3A_553 : memref<1x128x48xf32, #tpu.memory_space<vmem>> -> memref<128x48xf32, #tpu.memory_space<vmem>>
      tpu.enqueue_dma source(%dma_start3A_554 : memref<128x48xf32, #tpu.memory_space<vmem>>) target(%dma_start3A_550 : memref<128x48xf32, #tpu.memory_space<hbm>>) target_semaphore(%run_scoped3A_542 : memref<!tpu.dma_semaphore, #tpu.memory_space<semaphore_mem>>)
      %dma_wait3A_555 = arith.constant 0 : i32
      %dma_wait3A_556 = arith.constant 0 : i32
      %dma_wait3A_557 = tpu.memref_slice %arg6[%run_scoped3A_283, %dma_wait3A_555, %dma_wait3A_556] : memref<2x128x48xf32, #tpu.memory_space<vmem>> -> memref<1x128x48xf32, #tpu.memory_space<vmem>>
      %dma_wait3A_558 = tpu.memref_squeeze %dma_wait3A_557 : memref<1x128x48xf32, #tpu.memory_space<vmem>> -> memref<128x48xf32, #tpu.memory_space<vmem>>
      %dma_wait3A_559 = arith.constant 0 : i32
      %dma_wait3A_560 = tpu.memref_slice %arg4[%add3A_282, %dma_wait3A_559] : memref<81920x48xf32, #tpu.memory_space<hbm>> -> memref<128x48xf32, #tpu.memory_space<hbm>>
      %dma_wait3A_561 = arith.constant 0 : i32
      %dma_wait3A_562 = tpu.memref_slice %arg4[%add3A_282, %dma_wait3A_561] : memref<81920x48xf32, #tpu.memory_space<hbm>> -> memref<128x48xf32, #tpu.memory_space<hbm>>
      %dma_wait3A_563 = arith.constant 0 : i32
      %dma_wait3A_564 = arith.constant 0 : i32
      %dma_wait3A_565 = tpu.memref_slice %arg6[%run_scoped3A_283, %dma_wait3A_563, %dma_wait3A_564] : memref<2x128x48xf32, #tpu.memory_space<vmem>> -> memref<1x128x48xf32, #tpu.memory_space<vmem>>
      %dma_wait3A_566 = tpu.memref_squeeze %dma_wait3A_565 : memref<1x128x48xf32, #tpu.memory_space<vmem>> -> memref<128x48xf32, #tpu.memory_space<vmem>>
      tpu.wait_dma2 semaphore(%run_scoped3A_542 : memref<!tpu.dma_semaphore, #tpu.memory_space<semaphore_mem>>) src(%dma_wait3A_566 : memref<128x48xf32, #tpu.memory_space<vmem>>) dst(%dma_wait3A_562 : memref<128x48xf32, #tpu.memory_space<hbm>>)
      tpu.yield
    }) : () -> ()
    %dma_start3A_284 = arith.constant 11 : i32
    %dma_start3A_285 = arith.constant 1 : i32
    %dma_start3A_286 = arith.constant 0 : i32
    %dma_start3A_287 = arith.constant 0 : i32
    %dma_start3A_288 = tpu.memref_slice %arg6[%dma_start3A_285, %dma_start3A_286, %dma_start3A_287] : memref<2x128x48xf32, #tpu.memory_space<vmem>> -> memref<1x128x48xf32, #tpu.memory_space<vmem>>
    %dma_start3A_289 = tpu.memref_squeeze %dma_start3A_288 : memref<1x128x48xf32, #tpu.memory_space<vmem>> -> memref<128x48xf32, #tpu.memory_space<vmem>>
    %dma_start3A_290 = arith.constant 0 : i32
    %dma_start3A_291 = tpu.memref_slice %arg5[%dma_start3A_284, %dma_start3A_290] : memref<20x128xi32, #tpu.memory_space<vmem>> -> memref<1x128xi32, #tpu.memory_space<vmem>>
    %dma_start3A_292 = tpu.memref_squeeze %dma_start3A_291 : memref<1x128xi32, #tpu.memory_space<vmem>> -> memref<128xi32, #tpu.memory_space<vmem>>
    %dma_start3A_293 = arith.constant 0 : i32
    %dma_start3A_294 = arith.constant 0 : i32
    %dma_start3A_295 = tpu.memref_slice %arg2[%dma_start3A_293, %dma_start3A_294] : memref<10000x48xf32, #tpu.memory_space<hbm>> -> memref<10000x48xf32, #tpu.memory_space<hbm>>
    tpu.enqueue_indirect_dma source(%dma_start3A_295 : memref<10000x48xf32, #tpu.memory_space<hbm>>) target(%dma_start3A_289 : memref<128x48xf32, #tpu.memory_space<vmem>>) offsets(%dma_start3A_292 : memref<128xi32, #tpu.memory_space<vmem>>) semaphore(%arg8 : memref<!tpu.dma_semaphore, #tpu.memory_space<semaphore_mem>>)
    %dma_wait3A_296 = arith.constant 10 : i32
    %dma_wait3A_297 = arith.constant 0 : i32
    %dma_wait3A_298 = arith.constant 0 : i32
    %dma_wait3A_299 = arith.constant 0 : i32
    %dma_wait3A_300 = tpu.memref_slice %arg6[%dma_wait3A_297, %dma_wait3A_298, %dma_wait3A_299] : memref<2x128x48xf32, #tpu.memory_space<vmem>> -> memref<1x128x48xf32, #tpu.memory_space<vmem>>
    %dma_wait3A_301 = tpu.memref_squeeze %dma_wait3A_300 : memref<1x128x48xf32, #tpu.memory_space<vmem>> -> memref<128x48xf32, #tpu.memory_space<vmem>>
    %dma_wait3A_302 = arith.constant 0 : i32
    %dma_wait3A_303 = tpu.memref_slice %arg5[%dma_wait3A_296, %dma_wait3A_302] : memref<20x128xi32, #tpu.memory_space<vmem>> -> memref<1x128xi32, #tpu.memory_space<vmem>>
    %dma_wait3A_304 = tpu.memref_squeeze %dma_wait3A_303 : memref<1x128xi32, #tpu.memory_space<vmem>> -> memref<128xi32, #tpu.memory_space<vmem>>
    %dma_wait3A_305 = arith.constant 0 : i32
    %dma_wait3A_306 = arith.constant 0 : i32
    %dma_wait3A_307 = tpu.memref_slice %arg2[%dma_wait3A_305, %dma_wait3A_306] : memref<10000x48xf32, #tpu.memory_space<hbm>> -> memref<10000x48xf32, #tpu.memory_space<hbm>>
    tpu.wait_indirect_dma semaphore(%arg7 : memref<!tpu.dma_semaphore, #tpu.memory_space<semaphore_mem>>) src(%dma_wait3A_307 : memref<10000x48xf32, #tpu.memory_space<hbm>>) dst(%dma_wait3A_301 : memref<128x48xf32, #tpu.memory_space<vmem>>)
    %add3A_308 = arith.constant 1280 : i32
    %add3A_309 = arith.addi %mul3A_2, %add3A_308 : i32
    %run_scoped3A_310 = arith.constant 0 : i32
    "tpu.region"() ({
      %run_scoped3A_542 = tpu.sem_alloc : memref<!tpu.dma_semaphore, #tpu.memory_space<semaphore_mem>>
      %dma_start3A_543 = arith.constant 0 : i32
      %dma_start3A_544 = arith.constant 0 : i32
      %dma_start3A_545 = tpu.memref_slice %arg6[%run_scoped3A_310, %dma_start3A_543, %dma_start3A_544] : memref<2x128x48xf32, #tpu.memory_space<vmem>> -> memref<1x128x48xf32, #tpu.memory_space<vmem>>
      %dma_start3A_546 = tpu.memref_squeeze %dma_start3A_545 : memref<1x128x48xf32, #tpu.memory_space<vmem>> -> memref<128x48xf32, #tpu.memory_space<vmem>>
      %dma_start3A_547 = arith.constant 0 : i32
      %dma_start3A_548 = tpu.memref_slice %arg4[%add3A_309, %dma_start3A_547] : memref<81920x48xf32, #tpu.memory_space<hbm>> -> memref<128x48xf32, #tpu.memory_space<hbm>>
      %dma_start3A_549 = arith.constant 0 : i32
      %dma_start3A_550 = tpu.memref_slice %arg4[%add3A_309, %dma_start3A_549] : memref<81920x48xf32, #tpu.memory_space<hbm>> -> memref<128x48xf32, #tpu.memory_space<hbm>>
      %dma_start3A_551 = arith.constant 0 : i32
      %dma_start3A_552 = arith.constant 0 : i32
      %dma_start3A_553 = tpu.memref_slice %arg6[%run_scoped3A_310, %dma_start3A_551, %dma_start3A_552] : memref<2x128x48xf32, #tpu.memory_space<vmem>> -> memref<1x128x48xf32, #tpu.memory_space<vmem>>
      %dma_start3A_554 = tpu.memref_squeeze %dma_start3A_553 : memref<1x128x48xf32, #tpu.memory_space<vmem>> -> memref<128x48xf32, #tpu.memory_space<vmem>>
      tpu.enqueue_dma source(%dma_start3A_554 : memref<128x48xf32, #tpu.memory_space<vmem>>) target(%dma_start3A_550 : memref<128x48xf32, #tpu.memory_space<hbm>>) target_semaphore(%run_scoped3A_542 : memref<!tpu.dma_semaphore, #tpu.memory_space<semaphore_mem>>)
      %dma_wait3A_555 = arith.constant 0 : i32
      %dma_wait3A_556 = arith.constant 0 : i32
      %dma_wait3A_557 = tpu.memref_slice %arg6[%run_scoped3A_310, %dma_wait3A_555, %dma_wait3A_556] : memref<2x128x48xf32, #tpu.memory_space<vmem>> -> memref<1x128x48xf32, #tpu.memory_space<vmem>>
      %dma_wait3A_558 = tpu.memref_squeeze %dma_wait3A_557 : memref<1x128x48xf32, #tpu.memory_space<vmem>> -> memref<128x48xf32, #tpu.memory_space<vmem>>
      %dma_wait3A_559 = arith.constant 0 : i32
      %dma_wait3A_560 = tpu.memref_slice %arg4[%add3A_309, %dma_wait3A_559] : memref<81920x48xf32, #tpu.memory_space<hbm>> -> memref<128x48xf32, #tpu.memory_space<hbm>>
      %dma_wait3A_561 = arith.constant 0 : i32
      %dma_wait3A_562 = tpu.memref_slice %arg4[%add3A_309, %dma_wait3A_561] : memref<81920x48xf32, #tpu.memory_space<hbm>> -> memref<128x48xf32, #tpu.memory_space<hbm>>
      %dma_wait3A_563 = arith.constant 0 : i32
      %dma_wait3A_564 = arith.constant 0 : i32
      %dma_wait3A_565 = tpu.memref_slice %arg6[%run_scoped3A_310, %dma_wait3A_563, %dma_wait3A_564] : memref<2x128x48xf32, #tpu.memory_space<vmem>> -> memref<1x128x48xf32, #tpu.memory_space<vmem>>
      %dma_wait3A_566 = tpu.memref_squeeze %dma_wait3A_565 : memref<1x128x48xf32, #tpu.memory_space<vmem>> -> memref<128x48xf32, #tpu.memory_space<vmem>>
      tpu.wait_dma2 semaphore(%run_scoped3A_542 : memref<!tpu.dma_semaphore, #tpu.memory_space<semaphore_mem>>) src(%dma_wait3A_566 : memref<128x48xf32, #tpu.memory_space<vmem>>) dst(%dma_wait3A_562 : memref<128x48xf32, #tpu.memory_space<hbm>>)
      tpu.yield
    }) : () -> ()
    %dma_start3A_311 = arith.constant 12 : i32
    %dma_start3A_312 = arith.constant 0 : i32
    %dma_start3A_313 = arith.constant 0 : i32
    %dma_start3A_314 = arith.constant 0 : i32
    %dma_start3A_315 = tpu.memref_slice %arg6[%dma_start3A_312, %dma_start3A_313, %dma_start3A_314] : memref<2x128x48xf32, #tpu.memory_space<vmem>> -> memref<1x128x48xf32, #tpu.memory_space<vmem>>
    %dma_start3A_316 = tpu.memref_squeeze %dma_start3A_315 : memref<1x128x48xf32, #tpu.memory_space<vmem>> -> memref<128x48xf32, #tpu.memory_space<vmem>>
    %dma_start3A_317 = arith.constant 0 : i32
    %dma_start3A_318 = tpu.memref_slice %arg5[%dma_start3A_311, %dma_start3A_317] : memref<20x128xi32, #tpu.memory_space<vmem>> -> memref<1x128xi32, #tpu.memory_space<vmem>>
    %dma_start3A_319 = tpu.memref_squeeze %dma_start3A_318 : memref<1x128xi32, #tpu.memory_space<vmem>> -> memref<128xi32, #tpu.memory_space<vmem>>
    %dma_start3A_320 = arith.constant 0 : i32
    %dma_start3A_321 = arith.constant 0 : i32
    %dma_start3A_322 = tpu.memref_slice %arg2[%dma_start3A_320, %dma_start3A_321] : memref<10000x48xf32, #tpu.memory_space<hbm>> -> memref<10000x48xf32, #tpu.memory_space<hbm>>
    tpu.enqueue_indirect_dma source(%dma_start3A_322 : memref<10000x48xf32, #tpu.memory_space<hbm>>) target(%dma_start3A_316 : memref<128x48xf32, #tpu.memory_space<vmem>>) offsets(%dma_start3A_319 : memref<128xi32, #tpu.memory_space<vmem>>) semaphore(%arg7 : memref<!tpu.dma_semaphore, #tpu.memory_space<semaphore_mem>>)
    %dma_wait3A_323 = arith.constant 11 : i32
    %dma_wait3A_324 = arith.constant 1 : i32
    %dma_wait3A_325 = arith.constant 0 : i32
    %dma_wait3A_326 = arith.constant 0 : i32
    %dma_wait3A_327 = tpu.memref_slice %arg6[%dma_wait3A_324, %dma_wait3A_325, %dma_wait3A_326] : memref<2x128x48xf32, #tpu.memory_space<vmem>> -> memref<1x128x48xf32, #tpu.memory_space<vmem>>
    %dma_wait3A_328 = tpu.memref_squeeze %dma_wait3A_327 : memref<1x128x48xf32, #tpu.memory_space<vmem>> -> memref<128x48xf32, #tpu.memory_space<vmem>>
    %dma_wait3A_329 = arith.constant 0 : i32
    %dma_wait3A_330 = tpu.memref_slice %arg5[%dma_wait3A_323, %dma_wait3A_329] : memref<20x128xi32, #tpu.memory_space<vmem>> -> memref<1x128xi32, #tpu.memory_space<vmem>>
    %dma_wait3A_331 = tpu.memref_squeeze %dma_wait3A_330 : memref<1x128xi32, #tpu.memory_space<vmem>> -> memref<128xi32, #tpu.memory_space<vmem>>
    %dma_wait3A_332 = arith.constant 0 : i32
    %dma_wait3A_333 = arith.constant 0 : i32
    %dma_wait3A_334 = tpu.memref_slice %arg2[%dma_wait3A_332, %dma_wait3A_333] : memref<10000x48xf32, #tpu.memory_space<hbm>> -> memref<10000x48xf32, #tpu.memory_space<hbm>>
    tpu.wait_indirect_dma semaphore(%arg8 : memref<!tpu.dma_semaphore, #tpu.memory_space<semaphore_mem>>) src(%dma_wait3A_334 : memref<10000x48xf32, #tpu.memory_space<hbm>>) dst(%dma_wait3A_328 : memref<128x48xf32, #tpu.memory_space<vmem>>)
    %add3A_335 = arith.constant 1408 : i32
    %add3A_336 = arith.addi %mul3A_2, %add3A_335 : i32
    %run_scoped3A_337 = arith.constant 1 : i32
    "tpu.region"() ({
      %run_scoped3A_542 = tpu.sem_alloc : memref<!tpu.dma_semaphore, #tpu.memory_space<semaphore_mem>>
      %dma_start3A_543 = arith.constant 0 : i32
      %dma_start3A_544 = arith.constant 0 : i32
      %dma_start3A_545 = tpu.memref_slice %arg6[%run_scoped3A_337, %dma_start3A_543, %dma_start3A_544] : memref<2x128x48xf32, #tpu.memory_space<vmem>> -> memref<1x128x48xf32, #tpu.memory_space<vmem>>
      %dma_start3A_546 = tpu.memref_squeeze %dma_start3A_545 : memref<1x128x48xf32, #tpu.memory_space<vmem>> -> memref<128x48xf32, #tpu.memory_space<vmem>>
      %dma_start3A_547 = arith.constant 0 : i32
      %dma_start3A_548 = tpu.memref_slice %arg4[%add3A_336, %dma_start3A_547] : memref<81920x48xf32, #tpu.memory_space<hbm>> -> memref<128x48xf32, #tpu.memory_space<hbm>>
      %dma_start3A_549 = arith.constant 0 : i32
      %dma_start3A_550 = tpu.memref_slice %arg4[%add3A_336, %dma_start3A_549] : memref<81920x48xf32, #tpu.memory_space<hbm>> -> memref<128x48xf32, #tpu.memory_space<hbm>>
      %dma_start3A_551 = arith.constant 0 : i32
      %dma_start3A_552 = arith.constant 0 : i32
      %dma_start3A_553 = tpu.memref_slice %arg6[%run_scoped3A_337, %dma_start3A_551, %dma_start3A_552] : memref<2x128x48xf32, #tpu.memory_space<vmem>> -> memref<1x128x48xf32, #tpu.memory_space<vmem>>
      %dma_start3A_554 = tpu.memref_squeeze %dma_start3A_553 : memref<1x128x48xf32, #tpu.memory_space<vmem>> -> memref<128x48xf32, #tpu.memory_space<vmem>>
      tpu.enqueue_dma source(%dma_start3A_554 : memref<128x48xf32, #tpu.memory_space<vmem>>) target(%dma_start3A_550 : memref<128x48xf32, #tpu.memory_space<hbm>>) target_semaphore(%run_scoped3A_542 : memref<!tpu.dma_semaphore, #tpu.memory_space<semaphore_mem>>)
      %dma_wait3A_555 = arith.constant 0 : i32
      %dma_wait3A_556 = arith.constant 0 : i32
      %dma_wait3A_557 = tpu.memref_slice %arg6[%run_scoped3A_337, %dma_wait3A_555, %dma_wait3A_556] : memref<2x128x48xf32, #tpu.memory_space<vmem>> -> memref<1x128x48xf32, #tpu.memory_space<vmem>>
      %dma_wait3A_558 = tpu.memref_squeeze %dma_wait3A_557 : memref<1x128x48xf32, #tpu.memory_space<vmem>> -> memref<128x48xf32, #tpu.memory_space<vmem>>
      %dma_wait3A_559 = arith.constant 0 : i32
      %dma_wait3A_560 = tpu.memref_slice %arg4[%add3A_336, %dma_wait3A_559] : memref<81920x48xf32, #tpu.memory_space<hbm>> -> memref<128x48xf32, #tpu.memory_space<hbm>>
      %dma_wait3A_561 = arith.constant 0 : i32
      %dma_wait3A_562 = tpu.memref_slice %arg4[%add3A_336, %dma_wait3A_561] : memref<81920x48xf32, #tpu.memory_space<hbm>> -> memref<128x48xf32, #tpu.memory_space<hbm>>
      %dma_wait3A_563 = arith.constant 0 : i32
      %dma_wait3A_564 = arith.constant 0 : i32
      %dma_wait3A_565 = tpu.memref_slice %arg6[%run_scoped3A_337, %dma_wait3A_563, %dma_wait3A_564] : memref<2x128x48xf32, #tpu.memory_space<vmem>> -> memref<1x128x48xf32, #tpu.memory_space<vmem>>
      %dma_wait3A_566 = tpu.memref_squeeze %dma_wait3A_565 : memref<1x128x48xf32, #tpu.memory_space<vmem>> -> memref<128x48xf32, #tpu.memory_space<vmem>>
      tpu.wait_dma2 semaphore(%run_scoped3A_542 : memref<!tpu.dma_semaphore, #tpu.memory_space<semaphore_mem>>) src(%dma_wait3A_566 : memref<128x48xf32, #tpu.memory_space<vmem>>) dst(%dma_wait3A_562 : memref<128x48xf32, #tpu.memory_space<hbm>>)
      tpu.yield
    }) : () -> ()
    %dma_start3A_338 = arith.constant 13 : i32
    %dma_start3A_339 = arith.constant 1 : i32
    %dma_start3A_340 = arith.constant 0 : i32
    %dma_start3A_341 = arith.constant 0 : i32
    %dma_start3A_342 = tpu.memref_slice %arg6[%dma_start3A_339, %dma_start3A_340, %dma_start3A_341] : memref<2x128x48xf32, #tpu.memory_space<vmem>> -> memref<1x128x48xf32, #tpu.memory_space<vmem>>
    %dma_start3A_343 = tpu.memref_squeeze %dma_start3A_342 : memref<1x128x48xf32, #tpu.memory_space<vmem>> -> memref<128x48xf32, #tpu.memory_space<vmem>>
    %dma_start3A_344 = arith.constant 0 : i32
    %dma_start3A_345 = tpu.memref_slice %arg5[%dma_start3A_338, %dma_start3A_344] : memref<20x128xi32, #tpu.memory_space<vmem>> -> memref<1x128xi32, #tpu.memory_space<vmem>>
    %dma_start3A_346 = tpu.memref_squeeze %dma_start3A_345 : memref<1x128xi32, #tpu.memory_space<vmem>> -> memref<128xi32, #tpu.memory_space<vmem>>
    %dma_start3A_347 = arith.constant 0 : i32
    %dma_start3A_348 = arith.constant 0 : i32
    %dma_start3A_349 = tpu.memref_slice %arg2[%dma_start3A_347, %dma_start3A_348] : memref<10000x48xf32, #tpu.memory_space<hbm>> -> memref<10000x48xf32, #tpu.memory_space<hbm>>
    tpu.enqueue_indirect_dma source(%dma_start3A_349 : memref<10000x48xf32, #tpu.memory_space<hbm>>) target(%dma_start3A_343 : memref<128x48xf32, #tpu.memory_space<vmem>>) offsets(%dma_start3A_346 : memref<128xi32, #tpu.memory_space<vmem>>) semaphore(%arg8 : memref<!tpu.dma_semaphore, #tpu.memory_space<semaphore_mem>>)
    %dma_wait3A_350 = arith.constant 12 : i32
    %dma_wait3A_351 = arith.constant 0 : i32
    %dma_wait3A_352 = arith.constant 0 : i32
    %dma_wait3A_353 = arith.constant 0 : i32
    %dma_wait3A_354 = tpu.memref_slice %arg6[%dma_wait3A_351, %dma_wait3A_352, %dma_wait3A_353] : memref<2x128x48xf32, #tpu.memory_space<vmem>> -> memref<1x128x48xf32, #tpu.memory_space<vmem>>
    %dma_wait3A_355 = tpu.memref_squeeze %dma_wait3A_354 : memref<1x128x48xf32, #tpu.memory_space<vmem>> -> memref<128x48xf32, #tpu.memory_space<vmem>>
    %dma_wait3A_356 = arith.constant 0 : i32
    %dma_wait3A_357 = tpu.memref_slice %arg5[%dma_wait3A_350, %dma_wait3A_356] : memref<20x128xi32, #tpu.memory_space<vmem>> -> memref<1x128xi32, #tpu.memory_space<vmem>>
    %dma_wait3A_358 = tpu.memref_squeeze %dma_wait3A_357 : memref<1x128xi32, #tpu.memory_space<vmem>> -> memref<128xi32, #tpu.memory_space<vmem>>
    %dma_wait3A_359 = arith.constant 0 : i32
    %dma_wait3A_360 = arith.constant 0 : i32
    %dma_wait3A_361 = tpu.memref_slice %arg2[%dma_wait3A_359, %dma_wait3A_360] : memref<10000x48xf32, #tpu.memory_space<hbm>> -> memref<10000x48xf32, #tpu.memory_space<hbm>>
    tpu.wait_indirect_dma semaphore(%arg7 : memref<!tpu.dma_semaphore, #tpu.memory_space<semaphore_mem>>) src(%dma_wait3A_361 : memref<10000x48xf32, #tpu.memory_space<hbm>>) dst(%dma_wait3A_355 : memref<128x48xf32, #tpu.memory_space<vmem>>)
    %add3A_362 = arith.constant 1536 : i32
    %add3A_363 = arith.addi %mul3A_2, %add3A_362 : i32
    %run_scoped3A_364 = arith.constant 0 : i32
    "tpu.region"() ({
      %run_scoped3A_542 = tpu.sem_alloc : memref<!tpu.dma_semaphore, #tpu.memory_space<semaphore_mem>>
      %dma_start3A_543 = arith.constant 0 : i32
      %dma_start3A_544 = arith.constant 0 : i32
      %dma_start3A_545 = tpu.memref_slice %arg6[%run_scoped3A_364, %dma_start3A_543, %dma_start3A_544] : memref<2x128x48xf32, #tpu.memory_space<vmem>> -> memref<1x128x48xf32, #tpu.memory_space<vmem>>
      %dma_start3A_546 = tpu.memref_squeeze %dma_start3A_545 : memref<1x128x48xf32, #tpu.memory_space<vmem>> -> memref<128x48xf32, #tpu.memory_space<vmem>>
      %dma_start3A_547 = arith.constant 0 : i32
      %dma_start3A_548 = tpu.memref_slice %arg4[%add3A_363, %dma_start3A_547] : memref<81920x48xf32, #tpu.memory_space<hbm>> -> memref<128x48xf32, #tpu.memory_space<hbm>>
      %dma_start3A_549 = arith.constant 0 : i32
      %dma_start3A_550 = tpu.memref_slice %arg4[%add3A_363, %dma_start3A_549] : memref<81920x48xf32, #tpu.memory_space<hbm>> -> memref<128x48xf32, #tpu.memory_space<hbm>>
      %dma_start3A_551 = arith.constant 0 : i32
      %dma_start3A_552 = arith.constant 0 : i32
      %dma_start3A_553 = tpu.memref_slice %arg6[%run_scoped3A_364, %dma_start3A_551, %dma_start3A_552] : memref<2x128x48xf32, #tpu.memory_space<vmem>> -> memref<1x128x48xf32, #tpu.memory_space<vmem>>
      %dma_start3A_554 = tpu.memref_squeeze %dma_start3A_553 : memref<1x128x48xf32, #tpu.memory_space<vmem>> -> memref<128x48xf32, #tpu.memory_space<vmem>>
      tpu.enqueue_dma source(%dma_start3A_554 : memref<128x48xf32, #tpu.memory_space<vmem>>) target(%dma_start3A_550 : memref<128x48xf32, #tpu.memory_space<hbm>>) target_semaphore(%run_scoped3A_542 : memref<!tpu.dma_semaphore, #tpu.memory_space<semaphore_mem>>)
      %dma_wait3A_555 = arith.constant 0 : i32
      %dma_wait3A_556 = arith.constant 0 : i32
      %dma_wait3A_557 = tpu.memref_slice %arg6[%run_scoped3A_364, %dma_wait3A_555, %dma_wait3A_556] : memref<2x128x48xf32, #tpu.memory_space<vmem>> -> memref<1x128x48xf32, #tpu.memory_space<vmem>>
      %dma_wait3A_558 = tpu.memref_squeeze %dma_wait3A_557 : memref<1x128x48xf32, #tpu.memory_space<vmem>> -> memref<128x48xf32, #tpu.memory_space<vmem>>
      %dma_wait3A_559 = arith.constant 0 : i32
      %dma_wait3A_560 = tpu.memref_slice %arg4[%add3A_363, %dma_wait3A_559] : memref<81920x48xf32, #tpu.memory_space<hbm>> -> memref<128x48xf32, #tpu.memory_space<hbm>>
      %dma_wait3A_561 = arith.constant 0 : i32
      %dma_wait3A_562 = tpu.memref_slice %arg4[%add3A_363, %dma_wait3A_561] : memref<81920x48xf32, #tpu.memory_space<hbm>> -> memref<128x48xf32, #tpu.memory_space<hbm>>
      %dma_wait3A_563 = arith.constant 0 : i32
      %dma_wait3A_564 = arith.constant 0 : i32
      %dma_wait3A_565 = tpu.memref_slice %arg6[%run_scoped3A_364, %dma_wait3A_563, %dma_wait3A_564] : memref<2x128x48xf32, #tpu.memory_space<vmem>> -> memref<1x128x48xf32, #tpu.memory_space<vmem>>
      %dma_wait3A_566 = tpu.memref_squeeze %dma_wait3A_565 : memref<1x128x48xf32, #tpu.memory_space<vmem>> -> memref<128x48xf32, #tpu.memory_space<vmem>>
      tpu.wait_dma2 semaphore(%run_scoped3A_542 : memref<!tpu.dma_semaphore, #tpu.memory_space<semaphore_mem>>) src(%dma_wait3A_566 : memref<128x48xf32, #tpu.memory_space<vmem>>) dst(%dma_wait3A_562 : memref<128x48xf32, #tpu.memory_space<hbm>>)
      tpu.yield
    }) : () -> ()
    %dma_start3A_365 = arith.constant 14 : i32
    %dma_start3A_366 = arith.constant 0 : i32
    %dma_start3A_367 = arith.constant 0 : i32
    %dma_start3A_368 = arith.constant 0 : i32
    %dma_start3A_369 = tpu.memref_slice %arg6[%dma_start3A_366, %dma_start3A_367, %dma_start3A_368] : memref<2x128x48xf32, #tpu.memory_space<vmem>> -> memref<1x128x48xf32, #tpu.memory_space<vmem>>
    %dma_start3A_370 = tpu.memref_squeeze %dma_start3A_369 : memref<1x128x48xf32, #tpu.memory_space<vmem>> -> memref<128x48xf32, #tpu.memory_space<vmem>>
    %dma_start3A_371 = arith.constant 0 : i32
    %dma_start3A_372 = tpu.memref_slice %arg5[%dma_start3A_365, %dma_start3A_371] : memref<20x128xi32, #tpu.memory_space<vmem>> -> memref<1x128xi32, #tpu.memory_space<vmem>>
    %dma_start3A_373 = tpu.memref_squeeze %dma_start3A_372 : memref<1x128xi32, #tpu.memory_space<vmem>> -> memref<128xi32, #tpu.memory_space<vmem>>
    %dma_start3A_374 = arith.constant 0 : i32
    %dma_start3A_375 = arith.constant 0 : i32
    %dma_start3A_376 = tpu.memref_slice %arg2[%dma_start3A_374, %dma_start3A_375] : memref<10000x48xf32, #tpu.memory_space<hbm>> -> memref<10000x48xf32, #tpu.memory_space<hbm>>
    tpu.enqueue_indirect_dma source(%dma_start3A_376 : memref<10000x48xf32, #tpu.memory_space<hbm>>) target(%dma_start3A_370 : memref<128x48xf32, #tpu.memory_space<vmem>>) offsets(%dma_start3A_373 : memref<128xi32, #tpu.memory_space<vmem>>) semaphore(%arg7 : memref<!tpu.dma_semaphore, #tpu.memory_space<semaphore_mem>>)
    %dma_wait3A_377 = arith.constant 13 : i32
    %dma_wait3A_378 = arith.constant 1 : i32
    %dma_wait3A_379 = arith.constant 0 : i32
    %dma_wait3A_380 = arith.constant 0 : i32
    %dma_wait3A_381 = tpu.memref_slice %arg6[%dma_wait3A_378, %dma_wait3A_379, %dma_wait3A_380] : memref<2x128x48xf32, #tpu.memory_space<vmem>> -> memref<1x128x48xf32, #tpu.memory_space<vmem>>
    %dma_wait3A_382 = tpu.memref_squeeze %dma_wait3A_381 : memref<1x128x48xf32, #tpu.memory_space<vmem>> -> memref<128x48xf32, #tpu.memory_space<vmem>>
    %dma_wait3A_383 = arith.constant 0 : i32
    %dma_wait3A_384 = tpu.memref_slice %arg5[%dma_wait3A_377, %dma_wait3A_383] : memref<20x128xi32, #tpu.memory_space<vmem>> -> memref<1x128xi32, #tpu.memory_space<vmem>>
    %dma_wait3A_385 = tpu.memref_squeeze %dma_wait3A_384 : memref<1x128xi32, #tpu.memory_space<vmem>> -> memref<128xi32, #tpu.memory_space<vmem>>
    %dma_wait3A_386 = arith.constant 0 : i32
    %dma_wait3A_387 = arith.constant 0 : i32
    %dma_wait3A_388 = tpu.memref_slice %arg2[%dma_wait3A_386, %dma_wait3A_387] : memref<10000x48xf32, #tpu.memory_space<hbm>> -> memref<10000x48xf32, #tpu.memory_space<hbm>>
    tpu.wait_indirect_dma semaphore(%arg8 : memref<!tpu.dma_semaphore, #tpu.memory_space<semaphore_mem>>) src(%dma_wait3A_388 : memref<10000x48xf32, #tpu.memory_space<hbm>>) dst(%dma_wait3A_382 : memref<128x48xf32, #tpu.memory_space<vmem>>)
    %add3A_389 = arith.constant 1664 : i32
    %add3A_390 = arith.addi %mul3A_2, %add3A_389 : i32
    %run_scoped3A_391 = arith.constant 1 : i32
    "tpu.region"() ({
      %run_scoped3A_542 = tpu.sem_alloc : memref<!tpu.dma_semaphore, #tpu.memory_space<semaphore_mem>>
      %dma_start3A_543 = arith.constant 0 : i32
      %dma_start3A_544 = arith.constant 0 : i32
      %dma_start3A_545 = tpu.memref_slice %arg6[%run_scoped3A_391, %dma_start3A_543, %dma_start3A_544] : memref<2x128x48xf32, #tpu.memory_space<vmem>> -> memref<1x128x48xf32, #tpu.memory_space<vmem>>
      %dma_start3A_546 = tpu.memref_squeeze %dma_start3A_545 : memref<1x128x48xf32, #tpu.memory_space<vmem>> -> memref<128x48xf32, #tpu.memory_space<vmem>>
      %dma_start3A_547 = arith.constant 0 : i32
      %dma_start3A_548 = tpu.memref_slice %arg4[%add3A_390, %dma_start3A_547] : memref<81920x48xf32, #tpu.memory_space<hbm>> -> memref<128x48xf32, #tpu.memory_space<hbm>>
      %dma_start3A_549 = arith.constant 0 : i32
      %dma_start3A_550 = tpu.memref_slice %arg4[%add3A_390, %dma_start3A_549] : memref<81920x48xf32, #tpu.memory_space<hbm>> -> memref<128x48xf32, #tpu.memory_space<hbm>>
      %dma_start3A_551 = arith.constant 0 : i32
      %dma_start3A_552 = arith.constant 0 : i32
      %dma_start3A_553 = tpu.memref_slice %arg6[%run_scoped3A_391, %dma_start3A_551, %dma_start3A_552] : memref<2x128x48xf32, #tpu.memory_space<vmem>> -> memref<1x128x48xf32, #tpu.memory_space<vmem>>
      %dma_start3A_554 = tpu.memref_squeeze %dma_start3A_553 : memref<1x128x48xf32, #tpu.memory_space<vmem>> -> memref<128x48xf32, #tpu.memory_space<vmem>>
      tpu.enqueue_dma source(%dma_start3A_554 : memref<128x48xf32, #tpu.memory_space<vmem>>) target(%dma_start3A_550 : memref<128x48xf32, #tpu.memory_space<hbm>>) target_semaphore(%run_scoped3A_542 : memref<!tpu.dma_semaphore, #tpu.memory_space<semaphore_mem>>)
      %dma_wait3A_555 = arith.constant 0 : i32
      %dma_wait3A_556 = arith.constant 0 : i32
      %dma_wait3A_557 = tpu.memref_slice %arg6[%run_scoped3A_391, %dma_wait3A_555, %dma_wait3A_556] : memref<2x128x48xf32, #tpu.memory_space<vmem>> -> memref<1x128x48xf32, #tpu.memory_space<vmem>>
      %dma_wait3A_558 = tpu.memref_squeeze %dma_wait3A_557 : memref<1x128x48xf32, #tpu.memory_space<vmem>> -> memref<128x48xf32, #tpu.memory_space<vmem>>
      %dma_wait3A_559 = arith.constant 0 : i32
      %dma_wait3A_560 = tpu.memref_slice %arg4[%add3A_390, %dma_wait3A_559] : memref<81920x48xf32, #tpu.memory_space<hbm>> -> memref<128x48xf32, #tpu.memory_space<hbm>>
      %dma_wait3A_561 = arith.constant 0 : i32
      %dma_wait3A_562 = tpu.memref_slice %arg4[%add3A_390, %dma_wait3A_561] : memref<81920x48xf32, #tpu.memory_space<hbm>> -> memref<128x48xf32, #tpu.memory_space<hbm>>
      %dma_wait3A_563 = arith.constant 0 : i32
      %dma_wait3A_564 = arith.constant 0 : i32
      %dma_wait3A_565 = tpu.memref_slice %arg6[%run_scoped3A_391, %dma_wait3A_563, %dma_wait3A_564] : memref<2x128x48xf32, #tpu.memory_space<vmem>> -> memref<1x128x48xf32, #tpu.memory_space<vmem>>
      %dma_wait3A_566 = tpu.memref_squeeze %dma_wait3A_565 : memref<1x128x48xf32, #tpu.memory_space<vmem>> -> memref<128x48xf32, #tpu.memory_space<vmem>>
      tpu.wait_dma2 semaphore(%run_scoped3A_542 : memref<!tpu.dma_semaphore, #tpu.memory_space<semaphore_mem>>) src(%dma_wait3A_566 : memref<128x48xf32, #tpu.memory_space<vmem>>) dst(%dma_wait3A_562 : memref<128x48xf32, #tpu.memory_space<hbm>>)
      tpu.yield
    }) : () -> ()
    %dma_start3A_392 = arith.constant 15 : i32
    %dma_start3A_393 = arith.constant 1 : i32
    %dma_start3A_394 = arith.constant 0 : i32
    %dma_start3A_395 = arith.constant 0 : i32
    %dma_start3A_396 = tpu.memref_slice %arg6[%dma_start3A_393, %dma_start3A_394, %dma_start3A_395] : memref<2x128x48xf32, #tpu.memory_space<vmem>> -> memref<1x128x48xf32, #tpu.memory_space<vmem>>
    %dma_start3A_397 = tpu.memref_squeeze %dma_start3A_396 : memref<1x128x48xf32, #tpu.memory_space<vmem>> -> memref<128x48xf32, #tpu.memory_space<vmem>>
    %dma_start3A_398 = arith.constant 0 : i32
    %dma_start3A_399 = tpu.memref_slice %arg5[%dma_start3A_392, %dma_start3A_398] : memref<20x128xi32, #tpu.memory_space<vmem>> -> memref<1x128xi32, #tpu.memory_space<vmem>>
    %dma_start3A_400 = tpu.memref_squeeze %dma_start3A_399 : memref<1x128xi32, #tpu.memory_space<vmem>> -> memref<128xi32, #tpu.memory_space<vmem>>
    %dma_start3A_401 = arith.constant 0 : i32
    %dma_start3A_402 = arith.constant 0 : i32
    %dma_start3A_403 = tpu.memref_slice %arg2[%dma_start3A_401, %dma_start3A_402] : memref<10000x48xf32, #tpu.memory_space<hbm>> -> memref<10000x48xf32, #tpu.memory_space<hbm>>
    tpu.enqueue_indirect_dma source(%dma_start3A_403 : memref<10000x48xf32, #tpu.memory_space<hbm>>) target(%dma_start3A_397 : memref<128x48xf32, #tpu.memory_space<vmem>>) offsets(%dma_start3A_400 : memref<128xi32, #tpu.memory_space<vmem>>) semaphore(%arg8 : memref<!tpu.dma_semaphore, #tpu.memory_space<semaphore_mem>>)
    %dma_wait3A_404 = arith.constant 14 : i32
    %dma_wait3A_405 = arith.constant 0 : i32
    %dma_wait3A_406 = arith.constant 0 : i32
    %dma_wait3A_407 = arith.constant 0 : i32
    %dma_wait3A_408 = tpu.memref_slice %arg6[%dma_wait3A_405, %dma_wait3A_406, %dma_wait3A_407] : memref<2x128x48xf32, #tpu.memory_space<vmem>> -> memref<1x128x48xf32, #tpu.memory_space<vmem>>
    %dma_wait3A_409 = tpu.memref_squeeze %dma_wait3A_408 : memref<1x128x48xf32, #tpu.memory_space<vmem>> -> memref<128x48xf32, #tpu.memory_space<vmem>>
    %dma_wait3A_410 = arith.constant 0 : i32
    %dma_wait3A_411 = tpu.memref_slice %arg5[%dma_wait3A_404, %dma_wait3A_410] : memref<20x128xi32, #tpu.memory_space<vmem>> -> memref<1x128xi32, #tpu.memory_space<vmem>>
    %dma_wait3A_412 = tpu.memref_squeeze %dma_wait3A_411 : memref<1x128xi32, #tpu.memory_space<vmem>> -> memref<128xi32, #tpu.memory_space<vmem>>
    %dma_wait3A_413 = arith.constant 0 : i32
    %dma_wait3A_414 = arith.constant 0 : i32
    %dma_wait3A_415 = tpu.memref_slice %arg2[%dma_wait3A_413, %dma_wait3A_414] : memref<10000x48xf32, #tpu.memory_space<hbm>> -> memref<10000x48xf32, #tpu.memory_space<hbm>>
    tpu.wait_indirect_dma semaphore(%arg7 : memref<!tpu.dma_semaphore, #tpu.memory_space<semaphore_mem>>) src(%dma_wait3A_415 : memref<10000x48xf32, #tpu.memory_space<hbm>>) dst(%dma_wait3A_409 : memref<128x48xf32, #tpu.memory_space<vmem>>)
    %add3A_416 = arith.constant 1792 : i32
    %add3A_417 = arith.addi %mul3A_2, %add3A_416 : i32
    %run_scoped3A_418 = arith.constant 0 : i32
    "tpu.region"() ({
      %run_scoped3A_542 = tpu.sem_alloc : memref<!tpu.dma_semaphore, #tpu.memory_space<semaphore_mem>>
      %dma_start3A_543 = arith.constant 0 : i32
      %dma_start3A_544 = arith.constant 0 : i32
      %dma_start3A_545 = tpu.memref_slice %arg6[%run_scoped3A_418, %dma_start3A_543, %dma_start3A_544] : memref<2x128x48xf32, #tpu.memory_space<vmem>> -> memref<1x128x48xf32, #tpu.memory_space<vmem>>
      %dma_start3A_546 = tpu.memref_squeeze %dma_start3A_545 : memref<1x128x48xf32, #tpu.memory_space<vmem>> -> memref<128x48xf32, #tpu.memory_space<vmem>>
      %dma_start3A_547 = arith.constant 0 : i32
      %dma_start3A_548 = tpu.memref_slice %arg4[%add3A_417, %dma_start3A_547] : memref<81920x48xf32, #tpu.memory_space<hbm>> -> memref<128x48xf32, #tpu.memory_space<hbm>>
      %dma_start3A_549 = arith.constant 0 : i32
      %dma_start3A_550 = tpu.memref_slice %arg4[%add3A_417, %dma_start3A_549] : memref<81920x48xf32, #tpu.memory_space<hbm>> -> memref<128x48xf32, #tpu.memory_space<hbm>>
      %dma_start3A_551 = arith.constant 0 : i32
      %dma_start3A_552 = arith.constant 0 : i32
      %dma_start3A_553 = tpu.memref_slice %arg6[%run_scoped3A_418, %dma_start3A_551, %dma_start3A_552] : memref<2x128x48xf32, #tpu.memory_space<vmem>> -> memref<1x128x48xf32, #tpu.memory_space<vmem>>
      %dma_start3A_554 = tpu.memref_squeeze %dma_start3A_553 : memref<1x128x48xf32, #tpu.memory_space<vmem>> -> memref<128x48xf32, #tpu.memory_space<vmem>>
      tpu.enqueue_dma source(%dma_start3A_554 : memref<128x48xf32, #tpu.memory_space<vmem>>) target(%dma_start3A_550 : memref<128x48xf32, #tpu.memory_space<hbm>>) target_semaphore(%run_scoped3A_542 : memref<!tpu.dma_semaphore, #tpu.memory_space<semaphore_mem>>)
      %dma_wait3A_555 = arith.constant 0 : i32
      %dma_wait3A_556 = arith.constant 0 : i32
      %dma_wait3A_557 = tpu.memref_slice %arg6[%run_scoped3A_418, %dma_wait3A_555, %dma_wait3A_556] : memref<2x128x48xf32, #tpu.memory_space<vmem>> -> memref<1x128x48xf32, #tpu.memory_space<vmem>>
      %dma_wait3A_558 = tpu.memref_squeeze %dma_wait3A_557 : memref<1x128x48xf32, #tpu.memory_space<vmem>> -> memref<128x48xf32, #tpu.memory_space<vmem>>
      %dma_wait3A_559 = arith.constant 0 : i32
      %dma_wait3A_560 = tpu.memref_slice %arg4[%add3A_417, %dma_wait3A_559] : memref<81920x48xf32, #tpu.memory_space<hbm>> -> memref<128x48xf32, #tpu.memory_space<hbm>>
      %dma_wait3A_561 = arith.constant 0 : i32
      %dma_wait3A_562 = tpu.memref_slice %arg4[%add3A_417, %dma_wait3A_561] : memref<81920x48xf32, #tpu.memory_space<hbm>> -> memref<128x48xf32, #tpu.memory_space<hbm>>
      %dma_wait3A_563 = arith.constant 0 : i32
      %dma_wait3A_564 = arith.constant 0 : i32
      %dma_wait3A_565 = tpu.memref_slice %arg6[%run_scoped3A_418, %dma_wait3A_563, %dma_wait3A_564] : memref<2x128x48xf32, #tpu.memory_space<vmem>> -> memref<1x128x48xf32, #tpu.memory_space<vmem>>
      %dma_wait3A_566 = tpu.memref_squeeze %dma_wait3A_565 : memref<1x128x48xf32, #tpu.memory_space<vmem>> -> memref<128x48xf32, #tpu.memory_space<vmem>>
      tpu.wait_dma2 semaphore(%run_scoped3A_542 : memref<!tpu.dma_semaphore, #tpu.memory_space<semaphore_mem>>) src(%dma_wait3A_566 : memref<128x48xf32, #tpu.memory_space<vmem>>) dst(%dma_wait3A_562 : memref<128x48xf32, #tpu.memory_space<hbm>>)
      tpu.yield
    }) : () -> ()
    %dma_start3A_419 = arith.constant 16 : i32
    %dma_start3A_420 = arith.constant 0 : i32
    %dma_start3A_421 = arith.constant 0 : i32
    %dma_start3A_422 = arith.constant 0 : i32
    %dma_start3A_423 = tpu.memref_slice %arg6[%dma_start3A_420, %dma_start3A_421, %dma_start3A_422] : memref<2x128x48xf32, #tpu.memory_space<vmem>> -> memref<1x128x48xf32, #tpu.memory_space<vmem>>
    %dma_start3A_424 = tpu.memref_squeeze %dma_start3A_423 : memref<1x128x48xf32, #tpu.memory_space<vmem>> -> memref<128x48xf32, #tpu.memory_space<vmem>>
    %dma_start3A_425 = arith.constant 0 : i32
    %dma_start3A_426 = tpu.memref_slice %arg5[%dma_start3A_419, %dma_start3A_425] : memref<20x128xi32, #tpu.memory_space<vmem>> -> memref<1x128xi32, #tpu.memory_space<vmem>>
    %dma_start3A_427 = tpu.memref_squeeze %dma_start3A_426 : memref<1x128xi32, #tpu.memory_space<vmem>> -> memref<128xi32, #tpu.memory_space<vmem>>
    %dma_start3A_428 = arith.constant 0 : i32
    %dma_start3A_429 = arith.constant 0 : i32
    %dma_start3A_430 = tpu.memref_slice %arg2[%dma_start3A_428, %dma_start3A_429] : memref<10000x48xf32, #tpu.memory_space<hbm>> -> memref<10000x48xf32, #tpu.memory_space<hbm>>
    tpu.enqueue_indirect_dma source(%dma_start3A_430 : memref<10000x48xf32, #tpu.memory_space<hbm>>) target(%dma_start3A_424 : memref<128x48xf32, #tpu.memory_space<vmem>>) offsets(%dma_start3A_427 : memref<128xi32, #tpu.memory_space<vmem>>) semaphore(%arg7 : memref<!tpu.dma_semaphore, #tpu.memory_space<semaphore_mem>>)
    %dma_wait3A_431 = arith.constant 15 : i32
    %dma_wait3A_432 = arith.constant 1 : i32
    %dma_wait3A_433 = arith.constant 0 : i32
    %dma_wait3A_434 = arith.constant 0 : i32
    %dma_wait3A_435 = tpu.memref_slice %arg6[%dma_wait3A_432, %dma_wait3A_433, %dma_wait3A_434] : memref<2x128x48xf32, #tpu.memory_space<vmem>> -> memref<1x128x48xf32, #tpu.memory_space<vmem>>
    %dma_wait3A_436 = tpu.memref_squeeze %dma_wait3A_435 : memref<1x128x48xf32, #tpu.memory_space<vmem>> -> memref<128x48xf32, #tpu.memory_space<vmem>>
    %dma_wait3A_437 = arith.constant 0 : i32
    %dma_wait3A_438 = tpu.memref_slice %arg5[%dma_wait3A_431, %dma_wait3A_437] : memref<20x128xi32, #tpu.memory_space<vmem>> -> memref<1x128xi32, #tpu.memory_space<vmem>>
    %dma_wait3A_439 = tpu.memref_squeeze %dma_wait3A_438 : memref<1x128xi32, #tpu.memory_space<vmem>> -> memref<128xi32, #tpu.memory_space<vmem>>
    %dma_wait3A_440 = arith.constant 0 : i32
    %dma_wait3A_441 = arith.constant 0 : i32
    %dma_wait3A_442 = tpu.memref_slice %arg2[%dma_wait3A_440, %dma_wait3A_441] : memref<10000x48xf32, #tpu.memory_space<hbm>> -> memref<10000x48xf32, #tpu.memory_space<hbm>>
    tpu.wait_indirect_dma semaphore(%arg8 : memref<!tpu.dma_semaphore, #tpu.memory_space<semaphore_mem>>) src(%dma_wait3A_442 : memref<10000x48xf32, #tpu.memory_space<hbm>>) dst(%dma_wait3A_436 : memref<128x48xf32, #tpu.memory_space<vmem>>)
    %add3A_443 = arith.constant 1920 : i32
    %add3A_444 = arith.addi %mul3A_2, %add3A_443 : i32
    %run_scoped3A_445 = arith.constant 1 : i32
    "tpu.region"() ({
      %run_scoped3A_542 = tpu.sem_alloc : memref<!tpu.dma_semaphore, #tpu.memory_space<semaphore_mem>>
      %dma_start3A_543 = arith.constant 0 : i32
      %dma_start3A_544 = arith.constant 0 : i32
      %dma_start3A_545 = tpu.memref_slice %arg6[%run_scoped3A_445, %dma_start3A_543, %dma_start3A_544] : memref<2x128x48xf32, #tpu.memory_space<vmem>> -> memref<1x128x48xf32, #tpu.memory_space<vmem>>
      %dma_start3A_546 = tpu.memref_squeeze %dma_start3A_545 : memref<1x128x48xf32, #tpu.memory_space<vmem>> -> memref<128x48xf32, #tpu.memory_space<vmem>>
      %dma_start3A_547 = arith.constant 0 : i32
      %dma_start3A_548 = tpu.memref_slice %arg4[%add3A_444, %dma_start3A_547] : memref<81920x48xf32, #tpu.memory_space<hbm>> -> memref<128x48xf32, #tpu.memory_space<hbm>>
      %dma_start3A_549 = arith.constant 0 : i32
      %dma_start3A_550 = tpu.memref_slice %arg4[%add3A_444, %dma_start3A_549] : memref<81920x48xf32, #tpu.memory_space<hbm>> -> memref<128x48xf32, #tpu.memory_space<hbm>>
      %dma_start3A_551 = arith.constant 0 : i32
      %dma_start3A_552 = arith.constant 0 : i32
      %dma_start3A_553 = tpu.memref_slice %arg6[%run_scoped3A_445, %dma_start3A_551, %dma_start3A_552] : memref<2x128x48xf32, #tpu.memory_space<vmem>> -> memref<1x128x48xf32, #tpu.memory_space<vmem>>
      %dma_start3A_554 = tpu.memref_squeeze %dma_start3A_553 : memref<1x128x48xf32, #tpu.memory_space<vmem>> -> memref<128x48xf32, #tpu.memory_space<vmem>>
      tpu.enqueue_dma source(%dma_start3A_554 : memref<128x48xf32, #tpu.memory_space<vmem>>) target(%dma_start3A_550 : memref<128x48xf32, #tpu.memory_space<hbm>>) target_semaphore(%run_scoped3A_542 : memref<!tpu.dma_semaphore, #tpu.memory_space<semaphore_mem>>)
      %dma_wait3A_555 = arith.constant 0 : i32
      %dma_wait3A_556 = arith.constant 0 : i32
      %dma_wait3A_557 = tpu.memref_slice %arg6[%run_scoped3A_445, %dma_wait3A_555, %dma_wait3A_556] : memref<2x128x48xf32, #tpu.memory_space<vmem>> -> memref<1x128x48xf32, #tpu.memory_space<vmem>>
      %dma_wait3A_558 = tpu.memref_squeeze %dma_wait3A_557 : memref<1x128x48xf32, #tpu.memory_space<vmem>> -> memref<128x48xf32, #tpu.memory_space<vmem>>
      %dma_wait3A_559 = arith.constant 0 : i32
      %dma_wait3A_560 = tpu.memref_slice %arg4[%add3A_444, %dma_wait3A_559] : memref<81920x48xf32, #tpu.memory_space<hbm>> -> memref<128x48xf32, #tpu.memory_space<hbm>>
      %dma_wait3A_561 = arith.constant 0 : i32
      %dma_wait3A_562 = tpu.memref_slice %arg4[%add3A_444, %dma_wait3A_561] : memref<81920x48xf32, #tpu.memory_space<hbm>> -> memref<128x48xf32, #tpu.memory_space<hbm>>
      %dma_wait3A_563 = arith.constant 0 : i32
      %dma_wait3A_564 = arith.constant 0 : i32
      %dma_wait3A_565 = tpu.memref_slice %arg6[%run_scoped3A_445, %dma_wait3A_563, %dma_wait3A_564] : memref<2x128x48xf32, #tpu.memory_space<vmem>> -> memref<1x128x48xf32, #tpu.memory_space<vmem>>
      %dma_wait3A_566 = tpu.memref_squeeze %dma_wait3A_565 : memref<1x128x48xf32, #tpu.memory_space<vmem>> -> memref<128x48xf32, #tpu.memory_space<vmem>>
      tpu.wait_dma2 semaphore(%run_scoped3A_542 : memref<!tpu.dma_semaphore, #tpu.memory_space<semaphore_mem>>) src(%dma_wait3A_566 : memref<128x48xf32, #tpu.memory_space<vmem>>) dst(%dma_wait3A_562 : memref<128x48xf32, #tpu.memory_space<hbm>>)
      tpu.yield
    }) : () -> ()
    %dma_start3A_446 = arith.constant 17 : i32
    %dma_start3A_447 = arith.constant 1 : i32
    %dma_start3A_448 = arith.constant 0 : i32
    %dma_start3A_449 = arith.constant 0 : i32
    %dma_start3A_450 = tpu.memref_slice %arg6[%dma_start3A_447, %dma_start3A_448, %dma_start3A_449] : memref<2x128x48xf32, #tpu.memory_space<vmem>> -> memref<1x128x48xf32, #tpu.memory_space<vmem>>
    %dma_start3A_451 = tpu.memref_squeeze %dma_start3A_450 : memref<1x128x48xf32, #tpu.memory_space<vmem>> -> memref<128x48xf32, #tpu.memory_space<vmem>>
    %dma_start3A_452 = arith.constant 0 : i32
    %dma_start3A_453 = tpu.memref_slice %arg5[%dma_start3A_446, %dma_start3A_452] : memref<20x128xi32, #tpu.memory_space<vmem>> -> memref<1x128xi32, #tpu.memory_space<vmem>>
    %dma_start3A_454 = tpu.memref_squeeze %dma_start3A_453 : memref<1x128xi32, #tpu.memory_space<vmem>> -> memref<128xi32, #tpu.memory_space<vmem>>
    %dma_start3A_455 = arith.constant 0 : i32
    %dma_start3A_456 = arith.constant 0 : i32
    %dma_start3A_457 = tpu.memref_slice %arg2[%dma_start3A_455, %dma_start3A_456] : memref<10000x48xf32, #tpu.memory_space<hbm>> -> memref<10000x48xf32, #tpu.memory_space<hbm>>
    tpu.enqueue_indirect_dma source(%dma_start3A_457 : memref<10000x48xf32, #tpu.memory_space<hbm>>) target(%dma_start3A_451 : memref<128x48xf32, #tpu.memory_space<vmem>>) offsets(%dma_start3A_454 : memref<128xi32, #tpu.memory_space<vmem>>) semaphore(%arg8 : memref<!tpu.dma_semaphore, #tpu.memory_space<semaphore_mem>>)
    %dma_wait3A_458 = arith.constant 16 : i32
    %dma_wait3A_459 = arith.constant 0 : i32
    %dma_wait3A_460 = arith.constant 0 : i32
    %dma_wait3A_461 = arith.constant 0 : i32
    %dma_wait3A_462 = tpu.memref_slice %arg6[%dma_wait3A_459, %dma_wait3A_460, %dma_wait3A_461] : memref<2x128x48xf32, #tpu.memory_space<vmem>> -> memref<1x128x48xf32, #tpu.memory_space<vmem>>
    %dma_wait3A_463 = tpu.memref_squeeze %dma_wait3A_462 : memref<1x128x48xf32, #tpu.memory_space<vmem>> -> memref<128x48xf32, #tpu.memory_space<vmem>>
    %dma_wait3A_464 = arith.constant 0 : i32
    %dma_wait3A_465 = tpu.memref_slice %arg5[%dma_wait3A_458, %dma_wait3A_464] : memref<20x128xi32, #tpu.memory_space<vmem>> -> memref<1x128xi32, #tpu.memory_space<vmem>>
    %dma_wait3A_466 = tpu.memref_squeeze %dma_wait3A_465 : memref<1x128xi32, #tpu.memory_space<vmem>> -> memref<128xi32, #tpu.memory_space<vmem>>
    %dma_wait3A_467 = arith.constant 0 : i32
    %dma_wait3A_468 = arith.constant 0 : i32
    %dma_wait3A_469 = tpu.memref_slice %arg2[%dma_wait3A_467, %dma_wait3A_468] : memref<10000x48xf32, #tpu.memory_space<hbm>> -> memref<10000x48xf32, #tpu.memory_space<hbm>>
    tpu.wait_indirect_dma semaphore(%arg7 : memref<!tpu.dma_semaphore, #tpu.memory_space<semaphore_mem>>) src(%dma_wait3A_469 : memref<10000x48xf32, #tpu.memory_space<hbm>>) dst(%dma_wait3A_463 : memref<128x48xf32, #tpu.memory_space<vmem>>)
    %add3A_470 = arith.constant 2048 : i32
    %add3A_471 = arith.addi %mul3A_2, %add3A_470 : i32
    %run_scoped3A_472 = arith.constant 0 : i32
    "tpu.region"() ({
      %run_scoped3A_542 = tpu.sem_alloc : memref<!tpu.dma_semaphore, #tpu.memory_space<semaphore_mem>>
      %dma_start3A_543 = arith.constant 0 : i32
      %dma_start3A_544 = arith.constant 0 : i32
      %dma_start3A_545 = tpu.memref_slice %arg6[%run_scoped3A_472, %dma_start3A_543, %dma_start3A_544] : memref<2x128x48xf32, #tpu.memory_space<vmem>> -> memref<1x128x48xf32, #tpu.memory_space<vmem>>
      %dma_start3A_546 = tpu.memref_squeeze %dma_start3A_545 : memref<1x128x48xf32, #tpu.memory_space<vmem>> -> memref<128x48xf32, #tpu.memory_space<vmem>>
      %dma_start3A_547 = arith.constant 0 : i32
      %dma_start3A_548 = tpu.memref_slice %arg4[%add3A_471, %dma_start3A_547] : memref<81920x48xf32, #tpu.memory_space<hbm>> -> memref<128x48xf32, #tpu.memory_space<hbm>>
      %dma_start3A_549 = arith.constant 0 : i32
      %dma_start3A_550 = tpu.memref_slice %arg4[%add3A_471, %dma_start3A_549] : memref<81920x48xf32, #tpu.memory_space<hbm>> -> memref<128x48xf32, #tpu.memory_space<hbm>>
      %dma_start3A_551 = arith.constant 0 : i32
      %dma_start3A_552 = arith.constant 0 : i32
      %dma_start3A_553 = tpu.memref_slice %arg6[%run_scoped3A_472, %dma_start3A_551, %dma_start3A_552] : memref<2x128x48xf32, #tpu.memory_space<vmem>> -> memref<1x128x48xf32, #tpu.memory_space<vmem>>
      %dma_start3A_554 = tpu.memref_squeeze %dma_start3A_553 : memref<1x128x48xf32, #tpu.memory_space<vmem>> -> memref<128x48xf32, #tpu.memory_space<vmem>>
      tpu.enqueue_dma source(%dma_start3A_554 : memref<128x48xf32, #tpu.memory_space<vmem>>) target(%dma_start3A_550 : memref<128x48xf32, #tpu.memory_space<hbm>>) target_semaphore(%run_scoped3A_542 : memref<!tpu.dma_semaphore, #tpu.memory_space<semaphore_mem>>)
      %dma_wait3A_555 = arith.constant 0 : i32
      %dma_wait3A_556 = arith.constant 0 : i32
      %dma_wait3A_557 = tpu.memref_slice %arg6[%run_scoped3A_472, %dma_wait3A_555, %dma_wait3A_556] : memref<2x128x48xf32, #tpu.memory_space<vmem>> -> memref<1x128x48xf32, #tpu.memory_space<vmem>>
      %dma_wait3A_558 = tpu.memref_squeeze %dma_wait3A_557 : memref<1x128x48xf32, #tpu.memory_space<vmem>> -> memref<128x48xf32, #tpu.memory_space<vmem>>
      %dma_wait3A_559 = arith.constant 0 : i32
      %dma_wait3A_560 = tpu.memref_slice %arg4[%add3A_471, %dma_wait3A_559] : memref<81920x48xf32, #tpu.memory_space<hbm>> -> memref<128x48xf32, #tpu.memory_space<hbm>>
      %dma_wait3A_561 = arith.constant 0 : i32
      %dma_wait3A_562 = tpu.memref_slice %arg4[%add3A_471, %dma_wait3A_561] : memref<81920x48xf32, #tpu.memory_space<hbm>> -> memref<128x48xf32, #tpu.memory_space<hbm>>
      %dma_wait3A_563 = arith.constant 0 : i32
      %dma_wait3A_564 = arith.constant 0 : i32
      %dma_wait3A_565 = tpu.memref_slice %arg6[%run_scoped3A_472, %dma_wait3A_563, %dma_wait3A_564] : memref<2x128x48xf32, #tpu.memory_space<vmem>> -> memref<1x128x48xf32, #tpu.memory_space<vmem>>
      %dma_wait3A_566 = tpu.memref_squeeze %dma_wait3A_565 : memref<1x128x48xf32, #tpu.memory_space<vmem>> -> memref<128x48xf32, #tpu.memory_space<vmem>>
      tpu.wait_dma2 semaphore(%run_scoped3A_542 : memref<!tpu.dma_semaphore, #tpu.memory_space<semaphore_mem>>) src(%dma_wait3A_566 : memref<128x48xf32, #tpu.memory_space<vmem>>) dst(%dma_wait3A_562 : memref<128x48xf32, #tpu.memory_space<hbm>>)
      tpu.yield
    }) : () -> ()
    %dma_start3A_473 = arith.constant 18 : i32
    %dma_start3A_474 = arith.constant 0 : i32
    %dma_start3A_475 = arith.constant 0 : i32
    %dma_start3A_476 = arith.constant 0 : i32
    %dma_start3A_477 = tpu.memref_slice %arg6[%dma_start3A_474, %dma_start3A_475, %dma_start3A_476] : memref<2x128x48xf32, #tpu.memory_space<vmem>> -> memref<1x128x48xf32, #tpu.memory_space<vmem>>
    %dma_start3A_478 = tpu.memref_squeeze %dma_start3A_477 : memref<1x128x48xf32, #tpu.memory_space<vmem>> -> memref<128x48xf32, #tpu.memory_space<vmem>>
    %dma_start3A_479 = arith.constant 0 : i32
    %dma_start3A_480 = tpu.memref_slice %arg5[%dma_start3A_473, %dma_start3A_479] : memref<20x128xi32, #tpu.memory_space<vmem>> -> memref<1x128xi32, #tpu.memory_space<vmem>>
    %dma_start3A_481 = tpu.memref_squeeze %dma_start3A_480 : memref<1x128xi32, #tpu.memory_space<vmem>> -> memref<128xi32, #tpu.memory_space<vmem>>
    %dma_start3A_482 = arith.constant 0 : i32
    %dma_start3A_483 = arith.constant 0 : i32
    %dma_start3A_484 = tpu.memref_slice %arg2[%dma_start3A_482, %dma_start3A_483] : memref<10000x48xf32, #tpu.memory_space<hbm>> -> memref<10000x48xf32, #tpu.memory_space<hbm>>
    tpu.enqueue_indirect_dma source(%dma_start3A_484 : memref<10000x48xf32, #tpu.memory_space<hbm>>) target(%dma_start3A_478 : memref<128x48xf32, #tpu.memory_space<vmem>>) offsets(%dma_start3A_481 : memref<128xi32, #tpu.memory_space<vmem>>) semaphore(%arg7 : memref<!tpu.dma_semaphore, #tpu.memory_space<semaphore_mem>>)
    %dma_wait3A_485 = arith.constant 17 : i32
    %dma_wait3A_486 = arith.constant 1 : i32
    %dma_wait3A_487 = arith.constant 0 : i32
    %dma_wait3A_488 = arith.constant 0 : i32
    %dma_wait3A_489 = tpu.memref_slice %arg6[%dma_wait3A_486, %dma_wait3A_487, %dma_wait3A_488] : memref<2x128x48xf32, #tpu.memory_space<vmem>> -> memref<1x128x48xf32, #tpu.memory_space<vmem>>
    %dma_wait3A_490 = tpu.memref_squeeze %dma_wait3A_489 : memref<1x128x48xf32, #tpu.memory_space<vmem>> -> memref<128x48xf32, #tpu.memory_space<vmem>>
    %dma_wait3A_491 = arith.constant 0 : i32
    %dma_wait3A_492 = tpu.memref_slice %arg5[%dma_wait3A_485, %dma_wait3A_491] : memref<20x128xi32, #tpu.memory_space<vmem>> -> memref<1x128xi32, #tpu.memory_space<vmem>>
    %dma_wait3A_493 = tpu.memref_squeeze %dma_wait3A_492 : memref<1x128xi32, #tpu.memory_space<vmem>> -> memref<128xi32, #tpu.memory_space<vmem>>
    %dma_wait3A_494 = arith.constant 0 : i32
    %dma_wait3A_495 = arith.constant 0 : i32
    %dma_wait3A_496 = tpu.memref_slice %arg2[%dma_wait3A_494, %dma_wait3A_495] : memref<10000x48xf32, #tpu.memory_space<hbm>> -> memref<10000x48xf32, #tpu.memory_space<hbm>>
    tpu.wait_indirect_dma semaphore(%arg8 : memref<!tpu.dma_semaphore, #tpu.memory_space<semaphore_mem>>) src(%dma_wait3A_496 : memref<10000x48xf32, #tpu.memory_space<hbm>>) dst(%dma_wait3A_490 : memref<128x48xf32, #tpu.memory_space<vmem>>)
    %add3A_497 = arith.constant 2176 : i32
    %add3A_498 = arith.addi %mul3A_2, %add3A_497 : i32
    %run_scoped3A_499 = arith.constant 1 : i32
    "tpu.region"() ({
      %run_scoped3A_542 = tpu.sem_alloc : memref<!tpu.dma_semaphore, #tpu.memory_space<semaphore_mem>>
      %dma_start3A_543 = arith.constant 0 : i32
      %dma_start3A_544 = arith.constant 0 : i32
      %dma_start3A_545 = tpu.memref_slice %arg6[%run_scoped3A_499, %dma_start3A_543, %dma_start3A_544] : memref<2x128x48xf32, #tpu.memory_space<vmem>> -> memref<1x128x48xf32, #tpu.memory_space<vmem>>
      %dma_start3A_546 = tpu.memref_squeeze %dma_start3A_545 : memref<1x128x48xf32, #tpu.memory_space<vmem>> -> memref<128x48xf32, #tpu.memory_space<vmem>>
      %dma_start3A_547 = arith.constant 0 : i32
      %dma_start3A_548 = tpu.memref_slice %arg4[%add3A_498, %dma_start3A_547] : memref<81920x48xf32, #tpu.memory_space<hbm>> -> memref<128x48xf32, #tpu.memory_space<hbm>>
      %dma_start3A_549 = arith.constant 0 : i32
      %dma_start3A_550 = tpu.memref_slice %arg4[%add3A_498, %dma_start3A_549] : memref<81920x48xf32, #tpu.memory_space<hbm>> -> memref<128x48xf32, #tpu.memory_space<hbm>>
      %dma_start3A_551 = arith.constant 0 : i32
      %dma_start3A_552 = arith.constant 0 : i32
      %dma_start3A_553 = tpu.memref_slice %arg6[%run_scoped3A_499, %dma_start3A_551, %dma_start3A_552] : memref<2x128x48xf32, #tpu.memory_space<vmem>> -> memref<1x128x48xf32, #tpu.memory_space<vmem>>
      %dma_start3A_554 = tpu.memref_squeeze %dma_start3A_553 : memref<1x128x48xf32, #tpu.memory_space<vmem>> -> memref<128x48xf32, #tpu.memory_space<vmem>>
      tpu.enqueue_dma source(%dma_start3A_554 : memref<128x48xf32, #tpu.memory_space<vmem>>) target(%dma_start3A_550 : memref<128x48xf32, #tpu.memory_space<hbm>>) target_semaphore(%run_scoped3A_542 : memref<!tpu.dma_semaphore, #tpu.memory_space<semaphore_mem>>)
      %dma_wait3A_555 = arith.constant 0 : i32
      %dma_wait3A_556 = arith.constant 0 : i32
      %dma_wait3A_557 = tpu.memref_slice %arg6[%run_scoped3A_499, %dma_wait3A_555, %dma_wait3A_556] : memref<2x128x48xf32, #tpu.memory_space<vmem>> -> memref<1x128x48xf32, #tpu.memory_space<vmem>>
      %dma_wait3A_558 = tpu.memref_squeeze %dma_wait3A_557 : memref<1x128x48xf32, #tpu.memory_space<vmem>> -> memref<128x48xf32, #tpu.memory_space<vmem>>
      %dma_wait3A_559 = arith.constant 0 : i32
      %dma_wait3A_560 = tpu.memref_slice %arg4[%add3A_498, %dma_wait3A_559] : memref<81920x48xf32, #tpu.memory_space<hbm>> -> memref<128x48xf32, #tpu.memory_space<hbm>>
      %dma_wait3A_561 = arith.constant 0 : i32
      %dma_wait3A_562 = tpu.memref_slice %arg4[%add3A_498, %dma_wait3A_561] : memref<81920x48xf32, #tpu.memory_space<hbm>> -> memref<128x48xf32, #tpu.memory_space<hbm>>
      %dma_wait3A_563 = arith.constant 0 : i32
      %dma_wait3A_564 = arith.constant 0 : i32
      %dma_wait3A_565 = tpu.memref_slice %arg6[%run_scoped3A_499, %dma_wait3A_563, %dma_wait3A_564] : memref<2x128x48xf32, #tpu.memory_space<vmem>> -> memref<1x128x48xf32, #tpu.memory_space<vmem>>
      %dma_wait3A_566 = tpu.memref_squeeze %dma_wait3A_565 : memref<1x128x48xf32, #tpu.memory_space<vmem>> -> memref<128x48xf32, #tpu.memory_space<vmem>>
      tpu.wait_dma2 semaphore(%run_scoped3A_542 : memref<!tpu.dma_semaphore, #tpu.memory_space<semaphore_mem>>) src(%dma_wait3A_566 : memref<128x48xf32, #tpu.memory_space<vmem>>) dst(%dma_wait3A_562 : memref<128x48xf32, #tpu.memory_space<hbm>>)
      tpu.yield
    }) : () -> ()
    %dma_start3A_500 = arith.constant 19 : i32
    %dma_start3A_501 = arith.constant 1 : i32
    %dma_start3A_502 = arith.constant 0 : i32
    %dma_start3A_503 = arith.constant 0 : i32
    %dma_start3A_504 = tpu.memref_slice %arg6[%dma_start3A_501, %dma_start3A_502, %dma_start3A_503] : memref<2x128x48xf32, #tpu.memory_space<vmem>> -> memref<1x128x48xf32, #tpu.memory_space<vmem>>
    %dma_start3A_505 = tpu.memref_squeeze %dma_start3A_504 : memref<1x128x48xf32, #tpu.memory_space<vmem>> -> memref<128x48xf32, #tpu.memory_space<vmem>>
    %dma_start3A_506 = arith.constant 0 : i32
    %dma_start3A_507 = tpu.memref_slice %arg5[%dma_start3A_500, %dma_start3A_506] : memref<20x128xi32, #tpu.memory_space<vmem>> -> memref<1x128xi32, #tpu.memory_space<vmem>>
    %dma_start3A_508 = tpu.memref_squeeze %dma_start3A_507 : memref<1x128xi32, #tpu.memory_space<vmem>> -> memref<128xi32, #tpu.memory_space<vmem>>
    %dma_start3A_509 = arith.constant 0 : i32
    %dma_start3A_510 = arith.constant 0 : i32
    %dma_start3A_511 = tpu.memref_slice %arg2[%dma_start3A_509, %dma_start3A_510] : memref<10000x48xf32, #tpu.memory_space<hbm>> -> memref<10000x48xf32, #tpu.memory_space<hbm>>
    tpu.enqueue_indirect_dma source(%dma_start3A_511 : memref<10000x48xf32, #tpu.memory_space<hbm>>) target(%dma_start3A_505 : memref<128x48xf32, #tpu.memory_space<vmem>>) offsets(%dma_start3A_508 : memref<128xi32, #tpu.memory_space<vmem>>) semaphore(%arg8 : memref<!tpu.dma_semaphore, #tpu.memory_space<semaphore_mem>>)
    %dma_wait3A_512 = arith.constant 18 : i32
    %dma_wait3A_513 = arith.constant 0 : i32
    %dma_wait3A_514 = arith.constant 0 : i32
    %dma_wait3A_515 = arith.constant 0 : i32
    %dma_wait3A_516 = tpu.memref_slice %arg6[%dma_wait3A_513, %dma_wait3A_514, %dma_wait3A_515] : memref<2x128x48xf32, #tpu.memory_space<vmem>> -> memref<1x128x48xf32, #tpu.memory_space<vmem>>
    %dma_wait3A_517 = tpu.memref_squeeze %dma_wait3A_516 : memref<1x128x48xf32, #tpu.memory_space<vmem>> -> memref<128x48xf32, #tpu.memory_space<vmem>>
    %dma_wait3A_518 = arith.constant 0 : i32
    %dma_wait3A_519 = tpu.memref_slice %arg5[%dma_wait3A_512, %dma_wait3A_518] : memref<20x128xi32, #tpu.memory_space<vmem>> -> memref<1x128xi32, #tpu.memory_space<vmem>>
    %dma_wait3A_520 = tpu.memref_squeeze %dma_wait3A_519 : memref<1x128xi32, #tpu.memory_space<vmem>> -> memref<128xi32, #tpu.memory_space<vmem>>
    %dma_wait3A_521 = arith.constant 0 : i32
    %dma_wait3A_522 = arith.constant 0 : i32
    %dma_wait3A_523 = tpu.memref_slice %arg2[%dma_wait3A_521, %dma_wait3A_522] : memref<10000x48xf32, #tpu.memory_space<hbm>> -> memref<10000x48xf32, #tpu.memory_space<hbm>>
    tpu.wait_indirect_dma semaphore(%arg7 : memref<!tpu.dma_semaphore, #tpu.memory_space<semaphore_mem>>) src(%dma_wait3A_523 : memref<10000x48xf32, #tpu.memory_space<hbm>>) dst(%dma_wait3A_517 : memref<128x48xf32, #tpu.memory_space<vmem>>)
    %add3A_524 = arith.constant 2304 : i32
    %add3A_525 = arith.addi %mul3A_2, %add3A_524 : i32
    %run_scoped3A_526 = arith.constant 0 : i32
    "tpu.region"() ({
      %run_scoped3A_542 = tpu.sem_alloc : memref<!tpu.dma_semaphore, #tpu.memory_space<semaphore_mem>>
      %dma_start3A_543 = arith.constant 0 : i32
      %dma_start3A_544 = arith.constant 0 : i32
      %dma_start3A_545 = tpu.memref_slice %arg6[%run_scoped3A_526, %dma_start3A_543, %dma_start3A_544] : memref<2x128x48xf32, #tpu.memory_space<vmem>> -> memref<1x128x48xf32, #tpu.memory_space<vmem>>
      %dma_start3A_546 = tpu.memref_squeeze %dma_start3A_545 : memref<1x128x48xf32, #tpu.memory_space<vmem>> -> memref<128x48xf32, #tpu.memory_space<vmem>>
      %dma_start3A_547 = arith.constant 0 : i32
      %dma_start3A_548 = tpu.memref_slice %arg4[%add3A_525, %dma_start3A_547] : memref<81920x48xf32, #tpu.memory_space<hbm>> -> memref<128x48xf32, #tpu.memory_space<hbm>>
      %dma_start3A_549 = arith.constant 0 : i32
      %dma_start3A_550 = tpu.memref_slice %arg4[%add3A_525, %dma_start3A_549] : memref<81920x48xf32, #tpu.memory_space<hbm>> -> memref<128x48xf32, #tpu.memory_space<hbm>>
      %dma_start3A_551 = arith.constant 0 : i32
      %dma_start3A_552 = arith.constant 0 : i32
      %dma_start3A_553 = tpu.memref_slice %arg6[%run_scoped3A_526, %dma_start3A_551, %dma_start3A_552] : memref<2x128x48xf32, #tpu.memory_space<vmem>> -> memref<1x128x48xf32, #tpu.memory_space<vmem>>
      %dma_start3A_554 = tpu.memref_squeeze %dma_start3A_553 : memref<1x128x48xf32, #tpu.memory_space<vmem>> -> memref<128x48xf32, #tpu.memory_space<vmem>>
      tpu.enqueue_dma source(%dma_start3A_554 : memref<128x48xf32, #tpu.memory_space<vmem>>) target(%dma_start3A_550 : memref<128x48xf32, #tpu.memory_space<hbm>>) target_semaphore(%run_scoped3A_542 : memref<!tpu.dma_semaphore, #tpu.memory_space<semaphore_mem>>)
      %dma_wait3A_555 = arith.constant 0 : i32
      %dma_wait3A_556 = arith.constant 0 : i32
      %dma_wait3A_557 = tpu.memref_slice %arg6[%run_scoped3A_526, %dma_wait3A_555, %dma_wait3A_556] : memref<2x128x48xf32, #tpu.memory_space<vmem>> -> memref<1x128x48xf32, #tpu.memory_space<vmem>>
      %dma_wait3A_558 = tpu.memref_squeeze %dma_wait3A_557 : memref<1x128x48xf32, #tpu.memory_space<vmem>> -> memref<128x48xf32, #tpu.memory_space<vmem>>
      %dma_wait3A_559 = arith.constant 0 : i32
      %dma_wait3A_560 = tpu.memref_slice %arg4[%add3A_525, %dma_wait3A_559] : memref<81920x48xf32, #tpu.memory_space<hbm>> -> memref<128x48xf32, #tpu.memory_space<hbm>>
      %dma_wait3A_561 = arith.constant 0 : i32
      %dma_wait3A_562 = tpu.memref_slice %arg4[%add3A_525, %dma_wait3A_561] : memref<81920x48xf32, #tpu.memory_space<hbm>> -> memref<128x48xf32, #tpu.memory_space<hbm>>
      %dma_wait3A_563 = arith.constant 0 : i32
      %dma_wait3A_564 = arith.constant 0 : i32
      %dma_wait3A_565 = tpu.memref_slice %arg6[%run_scoped3A_526, %dma_wait3A_563, %dma_wait3A_564] : memref<2x128x48xf32, #tpu.memory_space<vmem>> -> memref<1x128x48xf32, #tpu.memory_space<vmem>>
      %dma_wait3A_566 = tpu.memref_squeeze %dma_wait3A_565 : memref<1x128x48xf32, #tpu.memory_space<vmem>> -> memref<128x48xf32, #tpu.memory_space<vmem>>
      tpu.wait_dma2 semaphore(%run_scoped3A_542 : memref<!tpu.dma_semaphore, #tpu.memory_space<semaphore_mem>>) src(%dma_wait3A_566 : memref<128x48xf32, #tpu.memory_space<vmem>>) dst(%dma_wait3A_562 : memref<128x48xf32, #tpu.memory_space<hbm>>)
      tpu.yield
    }) : () -> ()
    %dma_wait3A_527 = arith.constant 19 : i32
    %dma_wait3A_528 = arith.constant 1 : i32
    %dma_wait3A_529 = arith.constant 0 : i32
    %dma_wait3A_530 = arith.constant 0 : i32
    %dma_wait3A_531 = tpu.memref_slice %arg6[%dma_wait3A_528, %dma_wait3A_529, %dma_wait3A_530] : memref<2x128x48xf32, #tpu.memory_space<vmem>> -> memref<1x128x48xf32, #tpu.memory_space<vmem>>
    %dma_wait3A_532 = tpu.memref_squeeze %dma_wait3A_531 : memref<1x128x48xf32, #tpu.memory_space<vmem>> -> memref<128x48xf32, #tpu.memory_space<vmem>>
    %dma_wait3A_533 = arith.constant 0 : i32
    %dma_wait3A_534 = tpu.memref_slice %arg5[%dma_wait3A_527, %dma_wait3A_533] : memref<20x128xi32, #tpu.memory_space<vmem>> -> memref<1x128xi32, #tpu.memory_space<vmem>>
    %dma_wait3A_535 = tpu.memref_squeeze %dma_wait3A_534 : memref<1x128xi32, #tpu.memory_space<vmem>> -> memref<128xi32, #tpu.memory_space<vmem>>
    %dma_wait3A_536 = arith.constant 0 : i32
    %dma_wait3A_537 = arith.constant 0 : i32
    %dma_wait3A_538 = tpu.memref_slice %arg2[%dma_wait3A_536, %dma_wait3A_537] : memref<10000x48xf32, #tpu.memory_space<hbm>> -> memref<10000x48xf32, #tpu.memory_space<hbm>>
    tpu.wait_indirect_dma semaphore(%arg8 : memref<!tpu.dma_semaphore, #tpu.memory_space<semaphore_mem>>) src(%dma_wait3A_538 : memref<10000x48xf32, #tpu.memory_space<hbm>>) dst(%dma_wait3A_532 : memref<128x48xf32, #tpu.memory_space<vmem>>)
    %add3A_539 = arith.constant 2432 : i32
    %add3A_540 = arith.addi %mul3A_2, %add3A_539 : i32
    %run_scoped3A_541 = arith.constant 1 : i32
    "tpu.region"() ({
      %run_scoped3A_542 = tpu.sem_alloc : memref<!tpu.dma_semaphore, #tpu.memory_space<semaphore_mem>>
      %dma_start3A_543 = arith.constant 0 : i32
      %dma_start3A_544 = arith.constant 0 : i32
      %dma_start3A_545 = tpu.memref_slice %arg6[%run_scoped3A_541, %dma_start3A_543, %dma_start3A_544] : memref<2x128x48xf32, #tpu.memory_space<vmem>> -> memref<1x128x48xf32, #tpu.memory_space<vmem>>
      %dma_start3A_546 = tpu.memref_squeeze %dma_start3A_545 : memref<1x128x48xf32, #tpu.memory_space<vmem>> -> memref<128x48xf32, #tpu.memory_space<vmem>>
      %dma_start3A_547 = arith.constant 0 : i32
      %dma_start3A_548 = tpu.memref_slice %arg4[%add3A_540, %dma_start3A_547] : memref<81920x48xf32, #tpu.memory_space<hbm>> -> memref<128x48xf32, #tpu.memory_space<hbm>>
      %dma_start3A_549 = arith.constant 0 : i32
      %dma_start3A_550 = tpu.memref_slice %arg4[%add3A_540, %dma_start3A_549] : memref<81920x48xf32, #tpu.memory_space<hbm>> -> memref<128x48xf32, #tpu.memory_space<hbm>>
      %dma_start3A_551 = arith.constant 0 : i32
      %dma_start3A_552 = arith.constant 0 : i32
      %dma_start3A_553 = tpu.memref_slice %arg6[%run_scoped3A_541, %dma_start3A_551, %dma_start3A_552] : memref<2x128x48xf32, #tpu.memory_space<vmem>> -> memref<1x128x48xf32, #tpu.memory_space<vmem>>
      %dma_start3A_554 = tpu.memref_squeeze %dma_start3A_553 : memref<1x128x48xf32, #tpu.memory_space<vmem>> -> memref<128x48xf32, #tpu.memory_space<vmem>>
      tpu.enqueue_dma source(%dma_start3A_554 : memref<128x48xf32, #tpu.memory_space<vmem>>) target(%dma_start3A_550 : memref<128x48xf32, #tpu.memory_space<hbm>>) target_semaphore(%run_scoped3A_542 : memref<!tpu.dma_semaphore, #tpu.memory_space<semaphore_mem>>)
      %dma_wait3A_555 = arith.constant 0 : i32
      %dma_wait3A_556 = arith.constant 0 : i32
      %dma_wait3A_557 = tpu.memref_slice %arg6[%run_scoped3A_541, %dma_wait3A_555, %dma_wait3A_556] : memref<2x128x48xf32, #tpu.memory_space<vmem>> -> memref<1x128x48xf32, #tpu.memory_space<vmem>>
      %dma_wait3A_558 = tpu.memref_squeeze %dma_wait3A_557 : memref<1x128x48xf32, #tpu.memory_space<vmem>> -> memref<128x48xf32, #tpu.memory_space<vmem>>
      %dma_wait3A_559 = arith.constant 0 : i32
      %dma_wait3A_560 = tpu.memref_slice %arg4[%add3A_540, %dma_wait3A_559] : memref<81920x48xf32, #tpu.memory_space<hbm>> -> memref<128x48xf32, #tpu.memory_space<hbm>>
      %dma_wait3A_561 = arith.constant 0 : i32
      %dma_wait3A_562 = tpu.memref_slice %arg4[%add3A_540, %dma_wait3A_561] : memref<81920x48xf32, #tpu.memory_space<hbm>> -> memref<128x48xf32, #tpu.memory_space<hbm>>
      %dma_wait3A_563 = arith.constant 0 : i32
      %dma_wait3A_564 = arith.constant 0 : i32
      %dma_wait3A_565 = tpu.memref_slice %arg6[%run_scoped3A_541, %dma_wait3A_563, %dma_wait3A_564] : memref<2x128x48xf32, #tpu.memory_space<vmem>> -> memref<1x128x48xf32, #tpu.memory_space<vmem>>
      %dma_wait3A_566 = tpu.memref_squeeze %dma_wait3A_565 : memref<1x128x48xf32, #tpu.memory_space<vmem>> -> memref<128x48xf32, #tpu.memory_space<vmem>>
      tpu.wait_dma2 semaphore(%run_scoped3A_542 : memref<!tpu.dma_semaphore, #tpu.memory_space<semaphore_mem>>) src(%dma_wait3A_566 : memref<128x48xf32, #tpu.memory_space<vmem>>) dst(%dma_wait3A_562 : memref<128x48xf32, #tpu.memory_space<hbm>>)
      tpu.yield
    }) : () -> ()
    return
  }
}

module attributes {stable_mosaic.version = 14 : i64} {
  func.func @_k1_body(%arg0: i32, %arg1: memref<1000x4x128xf32, #tpu.memory_space<vmem>>, %arg2: memref<1000x4xf32, #tpu.memory_space<vmem>>, %arg3: memref<1x128xf32, #tpu.memory_space<vmem>>, %arg4: memref<1x128xf32, #tpu.memory_space<vmem>>, %arg5: memref<128x8xf32, #tpu.memory_space<vmem>>, %arg6: memref<128x8xf32, #tpu.memory_space<vmem>>, %arg7: memref<1000x4x12xf32, #tpu.memory_space<vmem>>, %arg8: memref<1000x4x12xf32, #tpu.memory_space<vmem>>) attributes {dimension_semantics = [#tpu.dimension_semantics<arbitrary>], iteration_bounds = array<i64: 10>, scalar_prefetch = 0 : i64, scratch_operands = 0 : i64, tpu.core_type = #tpu.core_type<tc>, window_params = [{transform_indices = @transform_0, window_bounds = array<i64: 1000, 4, 128>}, {transform_indices = @transform_1, window_bounds = array<i64: 1000, 4>}, {pipeline_mode = #tpu.pipeline_mode<synchronous>, transform_indices = @transform_2, window_bounds = array<i64: 1, 128>}, {pipeline_mode = #tpu.pipeline_mode<synchronous>, transform_indices = @transform_3, window_bounds = array<i64: 1, 128>}, {pipeline_mode = #tpu.pipeline_mode<synchronous>, transform_indices = @transform_4, window_bounds = array<i64: 128, 8>}, {pipeline_mode = #tpu.pipeline_mode<synchronous>, transform_indices = @transform_5, window_bounds = array<i64: 128, 8>}, {transform_indices = @transform_6, window_bounds = array<i64: 1000, 4, 12>}, {transform_indices = @transform_7, window_bounds = array<i64: 1000, 4, 12>}]} {
    %get3A = arith.constant 0 : index
    %get3A_0 = arith.constant 0 : index
    %get3A_1 = arith.constant 0 : index
    %get3A_2 = vector.load %arg1[%get3A, %get3A_0, %get3A_1] : memref<1000x4x128xf32, #tpu.memory_space<vmem>>, vector<1000x4x128xf32>
    %get3A_3 = arith.constant 0 : index
    %get3A_4 = arith.constant 0 : index
    %get3A_5 = vector.load %arg2[%get3A_3, %get3A_4] : memref<1000x4xf32, #tpu.memory_space<vmem>>, vector<1000x4xf32>
    %mul3A = arith.mulf %get3A_2, %get3A_2 : vector<1000x4x128xf32>
    %slice3A = vector.extract_strided_slice %mul3A {offsets = [0, 0, 0], sizes = [1000, 1, 128], strides = [1, 1, 1]} : vector<1000x4x128xf32> to vector<1000x1x128xf32>
    %reduce_sum3A = arith.constant dense<0.000000e+00> : vector<1000xf32>
    %reduce_sum3A_6 = vector.multi_reduction <add>, %slice3A, %reduce_sum3A [1, 2] : vector<1000x1x128xf32> to vector<1000xf32>
    %broadcast_in_dim3A = vector.shape_cast %reduce_sum3A_6 : vector<1000xf32> to vector<1000x1x1xf32>
    %div3A = arith.constant 1.280000e+02 : f32
    %div3A_7 = vector.broadcast %div3A : f32 to vector<1000x1x1xf32>
    %div3A_8 = arith.divf %broadcast_in_dim3A, %div3A_7 : vector<1000x1x1xf32>
    %add3A = arith.constant 9.99999974E-6 : f32
    %add3A_9 = vector.broadcast %add3A : f32 to vector<1000x1x1xf32>
    %add3A_10 = arith.addf %div3A_8, %add3A_9 : vector<1000x1x1xf32>
    %sqrt3A = math.sqrt %add3A_10 : vector<1000x1x1xf32>
    %slice3A_11 = vector.extract_strided_slice %mul3A {offsets = [0, 1, 0], sizes = [1000, 3, 128], strides = [1, 1, 1]} : vector<1000x4x128xf32> to vector<1000x3x128xf32>
    %reduce_sum3A_12 = arith.constant dense<0.000000e+00> : vector<1000xf32>
    %reduce_sum3A_13 = vector.multi_reduction <add>, %slice3A_11, %reduce_sum3A_12 [1, 2] : vector<1000x3x128xf32> to vector<1000xf32>
    %broadcast_in_dim3A_14 = vector.shape_cast %reduce_sum3A_13 : vector<1000xf32> to vector<1000x1x1xf32>
    %div3A_15 = arith.constant 3.840000e+02 : f32
    %div3A_16 = vector.broadcast %div3A_15 : f32 to vector<1000x1x1xf32>
    %div3A_17 = arith.divf %broadcast_in_dim3A_14, %div3A_16 : vector<1000x1x1xf32>
    %add3A_18 = arith.constant 9.99999974E-6 : f32
    %add3A_19 = vector.broadcast %add3A_18 : f32 to vector<1000x1x1xf32>
    %add3A_20 = arith.addf %div3A_17, %add3A_19 : vector<1000x1x1xf32>
    %sqrt3A_21 = math.sqrt %add3A_20 : vector<1000x1x1xf32>
    %get3A_22 = arith.constant 0 : index
    %get3A_23 = arith.constant 0 : index
    %get3A_24 = vector.load %arg3[%get3A_22, %get3A_23] : memref<1x128xf32, #tpu.memory_space<vmem>>, vector<1x128xf32>
    %broadcast_in_dim3A_25 = vector.shape_cast %get3A_24 : vector<1x128xf32> to vector<1x1x128xf32>
    %get3A_26 = arith.constant 0 : index
    %get3A_27 = arith.constant 0 : index
    %get3A_28 = vector.load %arg4[%get3A_26, %get3A_27] : memref<1x128xf32, #tpu.memory_space<vmem>>, vector<1x128xf32>
    %broadcast_in_dim3A_29 = vector.shape_cast %get3A_28 : vector<1x128xf32> to vector<1x1x128xf32>
    %slice3A_30 = vector.extract_strided_slice %get3A_2 {offsets = [0, 0, 0], sizes = [1000, 1, 128], strides = [1, 1, 1]} : vector<1000x4x128xf32> to vector<1000x1x128xf32>
    %div3A_31 = vector.broadcast %sqrt3A : vector<1000x1x1xf32> to vector<1000x1x128xf32>
    %div3A_32 = arith.divf %slice3A_30, %div3A_31 : vector<1000x1x128xf32>
    %mul3A_33 = vector.broadcast %broadcast_in_dim3A_25 : vector<1x1x128xf32> to vector<1000x1x128xf32>
    %mul3A_34 = arith.mulf %div3A_32, %mul3A_33 : vector<1000x1x128xf32>
    %slice3A_35 = vector.extract_strided_slice %get3A_2 {offsets = [0, 1, 0], sizes = [1000, 3, 128], strides = [1, 1, 1]} : vector<1000x4x128xf32> to vector<1000x3x128xf32>
    %div3A_36 = vector.broadcast %sqrt3A_21 : vector<1000x1x1xf32> to vector<1000x3x128xf32>
    %div3A_37 = arith.divf %slice3A_35, %div3A_36 : vector<1000x3x128xf32>
    %mul3A_38 = vector.broadcast %broadcast_in_dim3A_29 : vector<1x1x128xf32> to vector<1000x3x128xf32>
    %mul3A_39 = arith.mulf %div3A_37, %mul3A_38 : vector<1000x3x128xf32>
    %concatenate3A = tpu.concatenate %mul3A_34, %mul3A_39 in 1 : vector<1000x1x128xf32>, vector<1000x3x128xf32> -> vector<1000x4x128xf32>
    %reshape3A = vector.shape_cast %concatenate3A : vector<1000x4x128xf32> to vector<4000x128xf32>
    %get3A_40 = arith.constant 0 : index
    %get3A_41 = arith.constant 0 : index
    %get3A_42 = vector.load %arg5[%get3A_40, %get3A_41] : memref<128x8xf32, #tpu.memory_space<vmem>>, vector<128x8xf32>
    %dot_general3A = arith.constant dense<0.000000e+00> : vector<4000x8xf32>
    %dot_general3A_43 = tpu.matmul %reshape3A, %get3A_42, %dot_general3A {dimension_numbers = #tpu.dot_dimension_numbers<[1], [0], [0], [1], [0, 0, 1, 1], [], []>, transpose_lhs_hint = false} : vector<4000x128xf32>, vector<128x8xf32>, vector<4000x8xf32> -> vector<4000x8xf32>
    %reshape3A_44 = vector.shape_cast %dot_general3A_43 : vector<4000x8xf32> to vector<1000x4x8xf32>
    %get3A_45 = arith.constant 0 : index
    %get3A_46 = arith.constant 0 : index
    %get3A_47 = vector.load %arg6[%get3A_45, %get3A_46] : memref<128x8xf32, #tpu.memory_space<vmem>>, vector<128x8xf32>
    %dot_general3A_48 = arith.constant dense<0.000000e+00> : vector<4000x8xf32>
    %dot_general3A_49 = tpu.matmul %reshape3A, %get3A_47, %dot_general3A_48 {dimension_numbers = #tpu.dot_dimension_numbers<[1], [0], [0], [1], [0, 0, 1, 1], [], []>, transpose_lhs_hint = false} : vector<4000x128xf32>, vector<128x8xf32>, vector<4000x8xf32> -> vector<4000x8xf32>
    %reshape3A_50 = vector.shape_cast %dot_general3A_49 : vector<4000x8xf32> to vector<1000x4x8xf32>
    %broadcast_in_dim3A_51 = vector.shape_cast %get3A_5 : vector<1000x4xf32> to vector<1000x1x4xf32>
    %broadcast_in_dim3A_52 = vector.shape_cast %broadcast_in_dim3A_51 : vector<1000x1x4xf32> to vector<1000x1x4xf32>
    %broadcast_in_dim3A_53 = vector.broadcast %broadcast_in_dim3A_52 : vector<1000x1x4xf32> to vector<1000x4x4xf32>
    %swap3A = arith.constant 0 : index
    %swap3A_54 = arith.constant 0 : index
    %swap3A_55 = arith.constant 0 : index
    %swap3A_56 = vector.load %arg7[%swap3A, %swap3A_54, %swap3A_55] : memref<1000x4x12xf32, #tpu.memory_space<vmem>>, vector<1000x4x8xf32>
    tpu.vector_store %arg7[%swap3A, %swap3A_54, %swap3A_55], %reshape3A_44 {strides = array<i32>} : memref<1000x4x12xf32, #tpu.memory_space<vmem>>, vector<1000x4x8xf32>,
    %swap3A_57 = arith.constant 0 : index
    %swap3A_58 = arith.constant 0 : index
    %swap3A_59 = arith.constant 8 : index
    %swap3A_60 = vector.load %arg7[%swap3A_57, %swap3A_58, %swap3A_59] : memref<1000x4x12xf32, #tpu.memory_space<vmem>>, vector<1000x4x4xf32>
    tpu.vector_store %arg7[%swap3A_57, %swap3A_58, %swap3A_59], %broadcast_in_dim3A_53 {strides = array<i32>} : memref<1000x4x12xf32, #tpu.memory_space<vmem>>, vector<1000x4x4xf32>,
    %swap3A_61 = arith.constant 0 : index
    %swap3A_62 = arith.constant 0 : index
    %swap3A_63 = arith.constant 0 : index
    %swap3A_64 = vector.load %arg8[%swap3A_61, %swap3A_62, %swap3A_63] : memref<1000x4x12xf32, #tpu.memory_space<vmem>>, vector<1000x4x8xf32>
    tpu.vector_store %arg8[%swap3A_61, %swap3A_62, %swap3A_63], %reshape3A_50 {strides = array<i32>} : memref<1000x4x12xf32, #tpu.memory_space<vmem>>, vector<1000x4x8xf32>,
    %swap3A_65 = arith.constant 0 : index
    %swap3A_66 = arith.constant 0 : index
    %swap3A_67 = arith.constant 8 : index
    %swap3A_68 = vector.load %arg8[%swap3A_65, %swap3A_66, %swap3A_67] : memref<1000x4x12xf32, #tpu.memory_space<vmem>>, vector<1000x4x4xf32>
    tpu.vector_store %arg8[%swap3A_65, %swap3A_66, %swap3A_67], %broadcast_in_dim3A_53 {strides = array<i32>} : memref<1000x4x12xf32, #tpu.memory_space<vmem>>, vector<1000x4x4xf32>,
    return
  }
  func.func @transform_0(%arg0: i32) -> (i32, i32, i32) {
    %c0_i32 = arith.constant 0 : i32
    %c0_i32_0 = arith.constant 0 : i32
    %c0_i32_1 = arith.constant 0 : i32
    return %arg0, %c0_i32, %c0_i32_0 : i32, i32, i32
  }
  func.func @transform_1(%arg0: i32) -> (i32, i32) {
    %c0_i32 = arith.constant 0 : i32
    %c0_i32_0 = arith.constant 0 : i32
    return %arg0, %c0_i32 : i32, i32
  }
  func.func @transform_2(%arg0: i32) -> (i32, i32) {
    %c0_i32 = arith.constant 0 : i32
    %c0_i32_0 = arith.constant 0 : i32
    %c0_i32_1 = arith.constant 0 : i32
    return %c0_i32, %c0_i32_0 : i32, i32
  }
  func.func @transform_3(%arg0: i32) -> (i32, i32) {
    %c0_i32 = arith.constant 0 : i32
    %c0_i32_0 = arith.constant 0 : i32
    %c0_i32_1 = arith.constant 0 : i32
    return %c0_i32, %c0_i32_0 : i32, i32
  }
  func.func @transform_4(%arg0: i32) -> (i32, i32) {
    %c0_i32 = arith.constant 0 : i32
    %c0_i32_0 = arith.constant 0 : i32
    %c0_i32_1 = arith.constant 0 : i32
    return %c0_i32, %c0_i32_0 : i32, i32
  }
  func.func @transform_5(%arg0: i32) -> (i32, i32) {
    %c0_i32 = arith.constant 0 : i32
    %c0_i32_0 = arith.constant 0 : i32
    %c0_i32_1 = arith.constant 0 : i32
    return %c0_i32, %c0_i32_0 : i32, i32
  }
  func.func @transform_6(%arg0: i32) -> (i32, i32, i32) {
    %c0_i32 = arith.constant 0 : i32
    %c0_i32_0 = arith.constant 0 : i32
    %c0_i32_1 = arith.constant 0 : i32
    return %arg0, %c0_i32, %c0_i32_0 : i32, i32, i32
  }
  func.func @transform_7(%arg0: i32) -> (i32, i32, i32) {
    %c0_i32 = arith.constant 0 : i32
    %c0_i32_0 = arith.constant 0 : i32
    %c0_i32_1 = arith.constant 0 : i32
    return %arg0, %c0_i32, %c0_i32_0 : i32, i32, i32
  }
}

module attributes {stable_mosaic.version = 14 : i64} {
  func.func @_k3_body(%arg0: i32, %arg1: memref<400x8x48xf32, #tpu.memory_space<vmem>>, %arg2: memref<400x48xf32, #tpu.memory_space<vmem>>, %arg3: memref<1x8xf32, #tpu.memory_space<vmem>>, %arg4: memref<1x8xf32, #tpu.memory_space<vmem>>, %arg5: memref<1x8xf32, #tpu.memory_space<vmem>>, %arg6: memref<1x8xf32, #tpu.memory_space<vmem>>, %arg7: memref<8x128xf32, #tpu.memory_space<vmem>>, %arg8: memref<400x4x128xf32, #tpu.memory_space<vmem>>) attributes {dimension_semantics = [#tpu.dimension_semantics<arbitrary>], iteration_bounds = array<i64: 25>, scalar_prefetch = 0 : i64, scratch_operands = 0 : i64, tpu.core_type = #tpu.core_type<tc>, window_params = [{transform_indices = @transform_0, window_bounds = array<i64: 400, 8, 48>}, {transform_indices = @transform_1, window_bounds = array<i64: 400, 48>}, {pipeline_mode = #tpu.pipeline_mode<synchronous>, transform_indices = @transform_2, window_bounds = array<i64: 1, 8>}, {pipeline_mode = #tpu.pipeline_mode<synchronous>, transform_indices = @transform_3, window_bounds = array<i64: 1, 8>}, {pipeline_mode = #tpu.pipeline_mode<synchronous>, transform_indices = @transform_4, window_bounds = array<i64: 1, 8>}, {pipeline_mode = #tpu.pipeline_mode<synchronous>, transform_indices = @transform_5, window_bounds = array<i64: 1, 8>}, {pipeline_mode = #tpu.pipeline_mode<synchronous>, transform_indices = @transform_6, window_bounds = array<i64: 8, 128>}, {transform_indices = @transform_7, window_bounds = array<i64: 400, 4, 128>}]} {
    %get3A = arith.constant 0 : index
    %get3A_0 = arith.constant 0 : index
    %get3A_1 = arith.constant 0 : index
    %get3A_2 = vector.load %arg1[%get3A, %get3A_0, %get3A_1] : memref<400x8x48xf32, #tpu.memory_space<vmem>>, vector<400x8x48xf32>
    %get3A_3 = arith.constant 0 : index
    %get3A_4 = arith.constant 0 : index
    %get3A_5 = vector.load %arg2[%get3A_3, %get3A_4] : memref<400x48xf32, #tpu.memory_space<vmem>>, vector<400x48xf32>
    %get3A_6 = arith.constant 0 : index
    %get3A_7 = arith.constant 0 : index
    %get3A_8 = vector.load %arg3[%get3A_6, %get3A_7] : memref<1x8xf32, #tpu.memory_space<vmem>>, vector<1x8xf32>
    %get3A_9 = arith.constant 0 : index
    %get3A_10 = arith.constant 0 : index
    %get3A_11 = vector.load %arg5[%get3A_9, %get3A_10] : memref<1x8xf32, #tpu.memory_space<vmem>>, vector<1x8xf32>
    %broadcast_in_dim3A = vector.shape_cast %get3A_11 : vector<1x8xf32> to vector<1x1x8xf32>
    %get3A_12 = arith.constant 0 : index
    %get3A_13 = arith.constant 0 : index
    %get3A_14 = vector.load %arg6[%get3A_12, %get3A_13] : memref<1x8xf32, #tpu.memory_space<vmem>>, vector<1x8xf32>
    %broadcast_in_dim3A_15 = vector.shape_cast %get3A_14 : vector<1x8xf32> to vector<1x1x8xf32>
    %get3A_16 = arith.constant 0 : index
    %get3A_17 = arith.constant 0 : index
    %get3A_18 = vector.load %arg4[%get3A_16, %get3A_17] : memref<1x8xf32, #tpu.memory_space<vmem>>, vector<1x8xf32>
    %broadcast_in_dim3A_19 = vector.shape_cast %get3A_18 : vector<1x8xf32> to vector<1x1x8xf32>
    %slice3A = vector.extract_strided_slice %get3A_2 {offsets = [0, 0, 0], sizes = [400, 8, 8], strides = [1, 1, 1]} : vector<400x8x48xf32> to vector<400x8x8xf32>
    %slice3A_20 = vector.extract_strided_slice %get3A_5 {offsets = [0, 0], sizes = [400, 8], strides = [1, 1]} : vector<400x48xf32> to vector<400x8xf32>
    %broadcast_in_dim3A_21 = vector.shape_cast %slice3A_20 : vector<400x8xf32> to vector<400x1x8xf32>
    %add3A = vector.broadcast %broadcast_in_dim3A_21 : vector<400x1x8xf32> to vector<400x8x8xf32>
    %add3A_22 = arith.addf %slice3A, %add3A : vector<400x8x8xf32>
    %slice3A_23 = vector.extract_strided_slice %get3A_2 {offsets = [0, 0, 12], sizes = [400, 8, 8], strides = [1, 1, 1]} : vector<400x8x48xf32> to vector<400x8x8xf32>
    %slice3A_24 = vector.extract_strided_slice %get3A_5 {offsets = [0, 12], sizes = [400, 8], strides = [1, 1]} : vector<400x48xf32> to vector<400x8xf32>
    %broadcast_in_dim3A_25 = vector.shape_cast %slice3A_24 : vector<400x8xf32> to vector<400x1x8xf32>
    %add3A_26 = vector.broadcast %broadcast_in_dim3A_25 : vector<400x1x8xf32> to vector<400x8x8xf32>
    %add3A_27 = arith.addf %slice3A_23, %add3A_26 : vector<400x8x8xf32>
    %slice3A_28 = vector.extract_strided_slice %get3A_2 {offsets = [0, 0, 24], sizes = [400, 8, 8], strides = [1, 1, 1]} : vector<400x8x48xf32> to vector<400x8x8xf32>
    %slice3A_29 = vector.extract_strided_slice %get3A_5 {offsets = [0, 24], sizes = [400, 8], strides = [1, 1]} : vector<400x48xf32> to vector<400x8xf32>
    %broadcast_in_dim3A_30 = vector.shape_cast %slice3A_29 : vector<400x8xf32> to vector<400x1x8xf32>
    %add3A_31 = vector.broadcast %broadcast_in_dim3A_30 : vector<400x1x8xf32> to vector<400x8x8xf32>
    %add3A_32 = arith.addf %slice3A_28, %add3A_31 : vector<400x8x8xf32>
    %slice3A_33 = vector.extract_strided_slice %get3A_2 {offsets = [0, 0, 36], sizes = [400, 8, 8], strides = [1, 1, 1]} : vector<400x8x48xf32> to vector<400x8x8xf32>
    %slice3A_34 = vector.extract_strided_slice %get3A_5 {offsets = [0, 36], sizes = [400, 8], strides = [1, 1]} : vector<400x48xf32> to vector<400x8xf32>
    %broadcast_in_dim3A_35 = vector.shape_cast %slice3A_34 : vector<400x8xf32> to vector<400x1x8xf32>
    %add3A_36 = vector.broadcast %broadcast_in_dim3A_35 : vector<400x1x8xf32> to vector<400x8x8xf32>
    %add3A_37 = arith.addf %slice3A_33, %add3A_36 : vector<400x8x8xf32>
    %slice3A_38 = vector.extract_strided_slice %get3A_2 {offsets = [0, 0, 8], sizes = [400, 8, 1], strides = [1, 1, 1]} : vector<400x8x48xf32> to vector<400x8x1xf32>
    %slice3A_39 = vector.extract_strided_slice %get3A_5 {offsets = [0, 8], sizes = [400, 1], strides = [1, 1]} : vector<400x48xf32> to vector<400x1xf32>
    %broadcast_in_dim3A_40 = vector.shape_cast %slice3A_39 : vector<400x1xf32> to vector<400x1x1xf32>
    %sub3A = vector.broadcast %broadcast_in_dim3A_40 : vector<400x1x1xf32> to vector<400x8x1xf32>
    %sub3A_41 = arith.subf %slice3A_38, %sub3A : vector<400x8x1xf32>
    %slice3A_42 = vector.extract_strided_slice %get3A_2 {offsets = [0, 0, 9], sizes = [400, 8, 1], strides = [1, 1, 1]} : vector<400x8x48xf32> to vector<400x8x1xf32>
    %slice3A_43 = vector.extract_strided_slice %get3A_5 {offsets = [0, 9], sizes = [400, 1], strides = [1, 1]} : vector<400x48xf32> to vector<400x1xf32>
    %broadcast_in_dim3A_44 = vector.shape_cast %slice3A_43 : vector<400x1xf32> to vector<400x1x1xf32>
    %sub3A_45 = vector.broadcast %broadcast_in_dim3A_44 : vector<400x1x1xf32> to vector<400x8x1xf32>
    %sub3A_46 = arith.subf %slice3A_42, %sub3A_45 : vector<400x8x1xf32>
    %slice3A_47 = vector.extract_strided_slice %get3A_2 {offsets = [0, 0, 10], sizes = [400, 8, 1], strides = [1, 1, 1]} : vector<400x8x48xf32> to vector<400x8x1xf32>
    %slice3A_48 = vector.extract_strided_slice %get3A_5 {offsets = [0, 10], sizes = [400, 1], strides = [1, 1]} : vector<400x48xf32> to vector<400x1xf32>
    %broadcast_in_dim3A_49 = vector.shape_cast %slice3A_48 : vector<400x1xf32> to vector<400x1x1xf32>
    %sub3A_50 = vector.broadcast %broadcast_in_dim3A_49 : vector<400x1x1xf32> to vector<400x8x1xf32>
    %sub3A_51 = arith.subf %slice3A_47, %sub3A_50 : vector<400x8x1xf32>
    %mul3A = arith.mulf %sub3A_41, %sub3A_41 : vector<400x8x1xf32>
    %mul3A_52 = arith.mulf %sub3A_46, %sub3A_46 : vector<400x8x1xf32>
    %add3A_53 = arith.addf %mul3A, %mul3A_52 : vector<400x8x1xf32>
    %mul3A_54 = arith.mulf %sub3A_51, %sub3A_51 : vector<400x8x1xf32>
    %add3A_55 = arith.addf %add3A_53, %mul3A_54 : vector<400x8x1xf32>
    %sqrt3A = math.sqrt %add3A_55 : vector<400x8x1xf32>
    %add3A_56 = arith.constant 9.99999993E-9 : f32
    %add3A_57 = vector.broadcast %add3A_56 : f32 to vector<400x8x1xf32>
    %add3A_58 = arith.addf %sqrt3A, %add3A_57 : vector<400x8x1xf32>
    %div3A = arith.constant 1.000000e+00 : f32
    %div3A_59 = vector.broadcast %div3A : f32 to vector<400x8x1xf32>
    %div3A_60 = arith.divf %div3A_59, %add3A_58 : vector<400x8x1xf32>
    %mul3A_61 = arith.mulf %sub3A_41, %div3A_60 : vector<400x8x1xf32>
    %mul3A_62 = arith.mulf %sub3A_46, %div3A_60 : vector<400x8x1xf32>
    %mul3A_63 = arith.mulf %sub3A_51, %div3A_60 : vector<400x8x1xf32>
    %add3A_64 = arith.constant 1.000000e+00 : f32
    %add3A_65 = vector.broadcast %add3A_64 : f32 to vector<400x8x1xf32>
    %add3A_66 = arith.addf %add3A_65, %mul3A_63 : vector<400x8x1xf32>
    %add3A_67 = arith.constant 9.99999993E-9 : f32
    %add3A_68 = vector.broadcast %add3A_67 : f32 to vector<400x8x1xf32>
    %add3A_69 = arith.addf %add3A_66, %add3A_68 : vector<400x8x1xf32>
    %div3A_70 = arith.constant 1.000000e+00 : f32
    %div3A_71 = vector.broadcast %div3A_70 : f32 to vector<400x8x1xf32>
    %div3A_72 = arith.divf %div3A_71, %add3A_69 : vector<400x8x1xf32>
    %mul3A_73 = arith.mulf %div3A_72, %mul3A_61 : vector<400x8x1xf32>
    %mul3A_74 = arith.mulf %mul3A_73, %mul3A_61 : vector<400x8x1xf32>
    %sub3A_75 = arith.constant 1.000000e+00 : f32
    %sub3A_76 = vector.broadcast %sub3A_75 : f32 to vector<400x8x1xf32>
    %sub3A_77 = arith.subf %sub3A_76, %mul3A_74 : vector<400x8x1xf32>
    %neg3A = arith.constant 0.000000e+00 : f32
    %neg3A_78 = vector.broadcast %neg3A : f32 to vector<400x8x1xf32>
    %neg3A_79 = arith.subf %neg3A_78, %div3A_72 : vector<400x8x1xf32>
    %mul3A_80 = arith.mulf %neg3A_79, %mul3A_61 : vector<400x8x1xf32>
    %mul3A_81 = arith.mulf %mul3A_80, %mul3A_62 : vector<400x8x1xf32>
    %neg3A_82 = arith.constant 0.000000e+00 : f32
    %neg3A_83 = vector.broadcast %neg3A_82 : f32 to vector<400x8x1xf32>
    %neg3A_84 = arith.subf %neg3A_83, %mul3A_61 : vector<400x8x1xf32>
    %mul3A_85 = arith.mulf %div3A_72, %mul3A_62 : vector<400x8x1xf32>
    %mul3A_86 = arith.mulf %mul3A_85, %mul3A_62 : vector<400x8x1xf32>
    %sub3A_87 = arith.constant 1.000000e+00 : f32
    %sub3A_88 = vector.broadcast %sub3A_87 : f32 to vector<400x8x1xf32>
    %sub3A_89 = arith.subf %sub3A_88, %mul3A_86 : vector<400x8x1xf32>
    %mul3A_90 = arith.mulf %mul3A_61, %mul3A_61 : vector<400x8x1xf32>
    %mul3A_91 = arith.mulf %mul3A_62, %mul3A_62 : vector<400x8x1xf32>
    %add3A_92 = arith.addf %mul3A_90, %mul3A_91 : vector<400x8x1xf32>
    %mul3A_93 = arith.mulf %div3A_72, %add3A_92 : vector<400x8x1xf32>
    %sub3A_94 = arith.constant 1.000000e+00 : f32
    %sub3A_95 = vector.broadcast %sub3A_94 : f32 to vector<400x8x1xf32>
    %sub3A_96 = arith.subf %sub3A_95, %mul3A_93 : vector<400x8x1xf32>
    %mul3A_97 = vector.broadcast %sub3A_77 : vector<400x8x1xf32> to vector<400x8x8xf32>
    %mul3A_98 = arith.mulf %mul3A_97, %add3A_27 : vector<400x8x8xf32>
    %mul3A_99 = vector.broadcast %mul3A_81 : vector<400x8x1xf32> to vector<400x8x8xf32>
    %mul3A_100 = arith.mulf %mul3A_99, %add3A_32 : vector<400x8x8xf32>
    %add3A_101 = arith.addf %mul3A_98, %mul3A_100 : vector<400x8x8xf32>
    %mul3A_102 = vector.broadcast %neg3A_84 : vector<400x8x1xf32> to vector<400x8x8xf32>
    %mul3A_103 = arith.mulf %mul3A_102, %add3A_37 : vector<400x8x8xf32>
    %add3A_104 = arith.addf %add3A_101, %mul3A_103 : vector<400x8x8xf32>
    %mul3A_105 = vector.broadcast %mul3A_81 : vector<400x8x1xf32> to vector<400x8x8xf32>
    %mul3A_106 = arith.mulf %mul3A_105, %add3A_27 : vector<400x8x8xf32>
    %mul3A_107 = vector.broadcast %sub3A_89 : vector<400x8x1xf32> to vector<400x8x8xf32>
    %mul3A_108 = arith.mulf %mul3A_107, %add3A_32 : vector<400x8x8xf32>
    %add3A_109 = arith.addf %mul3A_106, %mul3A_108 : vector<400x8x8xf32>
    %mul3A_110 = vector.broadcast %mul3A_62 : vector<400x8x1xf32> to vector<400x8x8xf32>
    %mul3A_111 = arith.mulf %mul3A_110, %add3A_37 : vector<400x8x8xf32>
    %sub3A_112 = arith.subf %add3A_109, %mul3A_111 : vector<400x8x8xf32>
    %mul3A_113 = vector.broadcast %mul3A_61 : vector<400x8x1xf32> to vector<400x8x8xf32>
    %mul3A_114 = arith.mulf %mul3A_113, %add3A_27 : vector<400x8x8xf32>
    %mul3A_115 = vector.broadcast %mul3A_62 : vector<400x8x1xf32> to vector<400x8x8xf32>
    %mul3A_116 = arith.mulf %mul3A_115, %add3A_32 : vector<400x8x8xf32>
    %add3A_117 = arith.addf %mul3A_114, %mul3A_116 : vector<400x8x8xf32>
    %mul3A_118 = vector.broadcast %sub3A_96 : vector<400x8x1xf32> to vector<400x8x8xf32>
    %mul3A_119 = arith.mulf %mul3A_118, %add3A_37 : vector<400x8x8xf32>
    %add3A_120 = arith.addf %add3A_117, %mul3A_119 : vector<400x8x8xf32>
    %mul3A_121 = vector.broadcast %broadcast_in_dim3A : vector<1x1x8xf32> to vector<400x8x8xf32>
    %mul3A_122 = arith.mulf %mul3A_121, %add3A_104 : vector<400x8x8xf32>
    %mul3A_123 = vector.broadcast %broadcast_in_dim3A_15 : vector<1x1x8xf32> to vector<400x8x8xf32>
    %mul3A_124 = arith.mulf %mul3A_123, %sub3A_112 : vector<400x8x8xf32>
    %sub3A_125 = arith.subf %mul3A_122, %mul3A_124 : vector<400x8x8xf32>
    %mul3A_126 = vector.broadcast %broadcast_in_dim3A_15 : vector<1x1x8xf32> to vector<400x8x8xf32>
    %mul3A_127 = arith.mulf %mul3A_126, %add3A_104 : vector<400x8x8xf32>
    %mul3A_128 = vector.broadcast %broadcast_in_dim3A : vector<1x1x8xf32> to vector<400x8x8xf32>
    %mul3A_129 = arith.mulf %mul3A_128, %sub3A_112 : vector<400x8x8xf32>
    %add3A_130 = arith.addf %mul3A_127, %mul3A_129 : vector<400x8x8xf32>
    %mul3A_131 = vector.broadcast %broadcast_in_dim3A_19 : vector<1x1x8xf32> to vector<400x8x8xf32>
    %mul3A_132 = arith.mulf %mul3A_131, %add3A_120 : vector<400x8x8xf32>
    %mul3A_133 = vector.broadcast %sub3A_77 : vector<400x8x1xf32> to vector<400x8x8xf32>
    %mul3A_134 = arith.mulf %mul3A_133, %sub3A_125 : vector<400x8x8xf32>
    %mul3A_135 = vector.broadcast %mul3A_81 : vector<400x8x1xf32> to vector<400x8x8xf32>
    %mul3A_136 = arith.mulf %mul3A_135, %add3A_130 : vector<400x8x8xf32>
    %add3A_137 = arith.addf %mul3A_134, %mul3A_136 : vector<400x8x8xf32>
    %mul3A_138 = vector.broadcast %mul3A_61 : vector<400x8x1xf32> to vector<400x8x8xf32>
    %mul3A_139 = arith.mulf %mul3A_138, %mul3A_132 : vector<400x8x8xf32>
    %add3A_140 = arith.addf %add3A_137, %mul3A_139 : vector<400x8x8xf32>
    %mul3A_141 = vector.broadcast %mul3A_81 : vector<400x8x1xf32> to vector<400x8x8xf32>
    %mul3A_142 = arith.mulf %mul3A_141, %sub3A_125 : vector<400x8x8xf32>
    %mul3A_143 = vector.broadcast %sub3A_89 : vector<400x8x1xf32> to vector<400x8x8xf32>
    %mul3A_144 = arith.mulf %mul3A_143, %add3A_130 : vector<400x8x8xf32>
    %add3A_145 = arith.addf %mul3A_142, %mul3A_144 : vector<400x8x8xf32>
    %mul3A_146 = vector.broadcast %mul3A_62 : vector<400x8x1xf32> to vector<400x8x8xf32>
    %mul3A_147 = arith.mulf %mul3A_146, %mul3A_132 : vector<400x8x8xf32>
    %add3A_148 = arith.addf %add3A_145, %mul3A_147 : vector<400x8x8xf32>
    %mul3A_149 = vector.broadcast %neg3A_84 : vector<400x8x1xf32> to vector<400x8x8xf32>
    %mul3A_150 = arith.mulf %mul3A_149, %sub3A_125 : vector<400x8x8xf32>
    %mul3A_151 = vector.broadcast %mul3A_62 : vector<400x8x1xf32> to vector<400x8x8xf32>
    %mul3A_152 = arith.mulf %mul3A_151, %add3A_130 : vector<400x8x8xf32>
    %sub3A_153 = arith.subf %mul3A_150, %mul3A_152 : vector<400x8x8xf32>
    %mul3A_154 = vector.broadcast %sub3A_96 : vector<400x8x1xf32> to vector<400x8x8xf32>
    %mul3A_155 = arith.mulf %mul3A_154, %mul3A_132 : vector<400x8x8xf32>
    %add3A_156 = arith.addf %sub3A_153, %mul3A_155 : vector<400x8x8xf32>
    %reduce_sum3A = arith.constant dense<0.000000e+00> : vector<400x8xf32>
    %reduce_sum3A_157 = vector.multi_reduction <add>, %add3A_22, %reduce_sum3A [1] : vector<400x8x8xf32> to vector<400x8xf32>
    %mul3A_158 = vector.broadcast %get3A_8 : vector<1x8xf32> to vector<400x8xf32>
    %mul3A_159 = arith.mulf %reduce_sum3A_157, %mul3A_158 : vector<400x8xf32>
    %reduce_sum3A_160 = arith.constant dense<0.000000e+00> : vector<400x8xf32>
    %reduce_sum3A_161 = vector.multi_reduction <add>, %add3A_140, %reduce_sum3A_160 [1] : vector<400x8x8xf32> to vector<400x8xf32>
    %reduce_sum3A_162 = arith.constant dense<0.000000e+00> : vector<400x8xf32>
    %reduce_sum3A_163 = vector.multi_reduction <add>, %add3A_148, %reduce_sum3A_162 [1] : vector<400x8x8xf32> to vector<400x8xf32>
    %reduce_sum3A_164 = arith.constant dense<0.000000e+00> : vector<400x8xf32>
    %reduce_sum3A_165 = vector.multi_reduction <add>, %add3A_156, %reduce_sum3A_164 [1] : vector<400x8x8xf32> to vector<400x8xf32>
    %get3A_166 = arith.constant 0 : index
    %get3A_167 = arith.constant 0 : index
    %get3A_168 = vector.load %arg7[%get3A_166, %get3A_167] : memref<8x128xf32, #tpu.memory_space<vmem>>, vector<8x128xf32>
    %dot_general3A = arith.constant dense<0.000000e+00> : vector<400x128xf32>
    %dot_general3A_169 = tpu.matmul %mul3A_159, %get3A_168, %dot_general3A {dimension_numbers = #tpu.dot_dimension_numbers<[1], [0], [0], [1], [0, 0, 1, 1], [], []>, transpose_lhs_hint = false} : vector<400x8xf32>, vector<8x128xf32>, vector<400x128xf32> -> vector<400x128xf32>
    %swap3A = arith.constant 0 : index
    %swap3A_170 = arith.constant 0 : index
    %swap3A_171 = arith.constant 0 : index
    %swap3A_172 = vector.load %arg8[%swap3A, %swap3A_170, %swap3A_171] : memref<400x4x128xf32, #tpu.memory_space<vmem>>, vector<400x1x128xf32>
    %swap3A_173 = vector.shape_cast %swap3A_172 : vector<400x1x128xf32> to vector<400x128xf32>
    %swap3A_174 = vector.shape_cast %dot_general3A_169 : vector<400x128xf32> to vector<400x1x128xf32>
    tpu.vector_store %arg8[%swap3A, %swap3A_170, %swap3A_171], %swap3A_174 {strides = array<i32>} : memref<400x4x128xf32, #tpu.memory_space<vmem>>, vector<400x1x128xf32>,
    %dot_general3A_175 = arith.constant dense<0.000000e+00> : vector<400x128xf32>
    %dot_general3A_176 = tpu.matmul %reduce_sum3A_161, %get3A_168, %dot_general3A_175 {dimension_numbers = #tpu.dot_dimension_numbers<[1], [0], [0], [1], [0, 0, 1, 1], [], []>, transpose_lhs_hint = false} : vector<400x8xf32>, vector<8x128xf32>, vector<400x128xf32> -> vector<400x128xf32>
    %swap3A_177 = arith.constant 0 : index
    %swap3A_178 = arith.constant 1 : index
    %swap3A_179 = arith.constant 0 : index
    %swap3A_180 = vector.load %arg8[%swap3A_177, %swap3A_178, %swap3A_179] : memref<400x4x128xf32, #tpu.memory_space<vmem>>, vector<400x1x128xf32>
    %swap3A_181 = vector.shape_cast %swap3A_180 : vector<400x1x128xf32> to vector<400x128xf32>
    %swap3A_182 = vector.shape_cast %dot_general3A_176 : vector<400x128xf32> to vector<400x1x128xf32>
    tpu.vector_store %arg8[%swap3A_177, %swap3A_178, %swap3A_179], %swap3A_182 {strides = array<i32>} : memref<400x4x128xf32, #tpu.memory_space<vmem>>, vector<400x1x128xf32>,
    %dot_general3A_183 = arith.constant dense<0.000000e+00> : vector<400x128xf32>
    %dot_general3A_184 = tpu.matmul %reduce_sum3A_163, %get3A_168, %dot_general3A_183 {dimension_numbers = #tpu.dot_dimension_numbers<[1], [0], [0], [1], [0, 0, 1, 1], [], []>, transpose_lhs_hint = false} : vector<400x8xf32>, vector<8x128xf32>, vector<400x128xf32> -> vector<400x128xf32>
    %swap3A_185 = arith.constant 0 : index
    %swap3A_186 = arith.constant 2 : index
    %swap3A_187 = arith.constant 0 : index
    %swap3A_188 = vector.load %arg8[%swap3A_185, %swap3A_186, %swap3A_187] : memref<400x4x128xf32, #tpu.memory_space<vmem>>, vector<400x1x128xf32>
    %swap3A_189 = vector.shape_cast %swap3A_188 : vector<400x1x128xf32> to vector<400x128xf32>
    %swap3A_190 = vector.shape_cast %dot_general3A_184 : vector<400x128xf32> to vector<400x1x128xf32>
    tpu.vector_store %arg8[%swap3A_185, %swap3A_186, %swap3A_187], %swap3A_190 {strides = array<i32>} : memref<400x4x128xf32, #tpu.memory_space<vmem>>, vector<400x1x128xf32>,
    %dot_general3A_191 = arith.constant dense<0.000000e+00> : vector<400x128xf32>
    %dot_general3A_192 = tpu.matmul %reduce_sum3A_165, %get3A_168, %dot_general3A_191 {dimension_numbers = #tpu.dot_dimension_numbers<[1], [0], [0], [1], [0, 0, 1, 1], [], []>, transpose_lhs_hint = false} : vector<400x8xf32>, vector<8x128xf32>, vector<400x128xf32> -> vector<400x128xf32>
    %swap3A_193 = arith.constant 0 : index
    %swap3A_194 = arith.constant 3 : index
    %swap3A_195 = arith.constant 0 : index
    %swap3A_196 = vector.load %arg8[%swap3A_193, %swap3A_194, %swap3A_195] : memref<400x4x128xf32, #tpu.memory_space<vmem>>, vector<400x1x128xf32>
    %swap3A_197 = vector.shape_cast %swap3A_196 : vector<400x1x128xf32> to vector<400x128xf32>
    %swap3A_198 = vector.shape_cast %dot_general3A_192 : vector<400x128xf32> to vector<400x1x128xf32>
    tpu.vector_store %arg8[%swap3A_193, %swap3A_194, %swap3A_195], %swap3A_198 {strides = array<i32>} : memref<400x4x128xf32, #tpu.memory_space<vmem>>, vector<400x1x128xf32>,
    return
  }
  func.func @transform_0(%arg0: i32) -> (i32, i32, i32) {
    %c0_i32 = arith.constant 0 : i32
    %c0_i32_0 = arith.constant 0 : i32
    %c0_i32_1 = arith.constant 0 : i32
    return %arg0, %c0_i32, %c0_i32_0 : i32, i32, i32
  }
  func.func @transform_1(%arg0: i32) -> (i32, i32) {
    %c0_i32 = arith.constant 0 : i32
    %c0_i32_0 = arith.constant 0 : i32
    return %arg0, %c0_i32 : i32, i32
  }
  func.func @transform_2(%arg0: i32) -> (i32, i32) {
    %c0_i32 = arith.constant 0 : i32
    %c0_i32_0 = arith.constant 0 : i32
    %c0_i32_1 = arith.constant 0 : i32
    return %c0_i32, %c0_i32_0 : i32, i32
  }
  func.func @transform_3(%arg0: i32) -> (i32, i32) {
    %c0_i32 = arith.constant 0 : i32
    %c0_i32_0 = arith.constant 0 : i32
    %c0_i32_1 = arith.constant 0 : i32
    return %c0_i32, %c0_i32_0 : i32, i32
  }
  func.func @transform_4(%arg0: i32) -> (i32, i32) {
    %c0_i32 = arith.constant 0 : i32
    %c0_i32_0 = arith.constant 0 : i32
    %c0_i32_1 = arith.constant 0 : i32
    return %c0_i32, %c0_i32_0 : i32, i32
  }
  func.func @transform_5(%arg0: i32) -> (i32, i32) {
    %c0_i32 = arith.constant 0 : i32
    %c0_i32_0 = arith.constant 0 : i32
    %c0_i32_1 = arith.constant 0 : i32
    return %c0_i32, %c0_i32_0 : i32, i32
  }
  func.func @transform_6(%arg0: i32) -> (i32, i32) {
    %c0_i32 = arith.constant 0 : i32
    %c0_i32_0 = arith.constant 0 : i32
    %c0_i32_1 = arith.constant 0 : i32
    return %c0_i32, %c0_i32_0 : i32, i32
  }
  func.func @transform_7(%arg0: i32) -> (i32, i32, i32) {
    %c0_i32 = arith.constant 0 : i32
    %c0_i32_0 = arith.constant 0 : i32
    %c0_i32_1 = arith.constant 0 : i32
    return %arg0, %c0_i32, %c0_i32_0 : i32, i32, i32
  }
}

</mosaic_0001>

<sc_bundles>
// kernel: kernel.5.cloned.1.call-start
scs
__scs_entry_jumppad:
0x0: {  	(pc) =	sbr.rel $0x88, $3  }
0x1: {  	(tag) =	ssettag $0x0;
	lr =	simm.s32 $0x1  }
0x2: {  	[smem:$0x3F96] =	sst lr;
	_ =	strace $0xD0000000  }
0x3: {  	_ = 	snop  }
0x4: {  	_ = 	snop  }
0x5: {  	_ = 	snop  }
0x6: {  	_ = 	snop  }
0x7: {  	_ = 	snop  }
__scs_overlays_trampoline_lowered:
0x8: {  	[smem:$0x3FA5] =	sst s0  }
0x9: {  	[smem:$0x3FA6] =	sst s1  }
0xa: {  	[smem:$0x3FA7] =	sst s2  }
0xb: {  	[smem:$0x3FA8] =	sst s3  }
0xc: {  	[smem:$0x3FA9] =	sst s4  }
0xd: {  	[smem:$0x3FAA] =	sst s5  }
0xe: {  	[smem:$0x3FAB] =	sst s6  }
0xf: {  	[smem:$0x3FAC] =	sst s7  }
0x10: {  	[smem:$0x3FAD] =	sst s8  }
0x11: {  	[smem:$0x3FAE] =	sst s9;
	s0 =	simm.s32 @!p0 $0x0  }
0x12: {  	s1 =	sld [smem:$0x3F94];
	s0 =	simm.s32 @p0 $0x1  }
0x13: {  	[smem:$0x3FAF] =	sst s0;
	s0 =	simm.s32 @!p1 $0x0  }
0x14: {  	s2 =	sld [smem:$0x3F93];
	s0 =	simm.s32 @p1 $0x1  }
0x15: {  	[smem:$0x3FB0] =	sst s0;
	s0 =	simm.s32 @!p2 $0x0  }
0x16: {  	s3 =	sld [smem:$0x3FDB];
	s0 =	simm.s32 @p2 $0x1  }
0x17: {  	s4 =	simm.s32 $0x1BF5;
	[smem:$0x3FB2] =	sst s0  }
0x18: {  	s0 =	sld [smem:$0x3F95];
	_ =	swait.ge [sflag:s4], $0x0  }
0x19: {  	s7 =	sld [smem:$0x3F96]  }
0x1a: {  	s8 =	sadd.s32 $0xFFFFE003, lr  }
0x1b: {  	s9 =	sadd.s32 $0xFFFFFEF7, lr;
	s5 =	simm.s32 $0xFFFFFFFF;
	p2 =	slt.u32 s8, $0xFFFFF086  }
0x1c: {  	p1 =	slt.u32 s9, $0xF7A;
	s5 =	simm.s32 @!p2 $0x0  }
0x1d: {  	s5 =	simm.s32 @p1 $0x1;
	p0 =	seq.s32 s7, s2  }
0x1e: {  	s7 =	smul.u32 @!p0 $0xF7A, s2;
	p2 =	seq.s32 @!p0 s5, $0x0  }
0x1f: {  	s9 =	smul.u32 $0xF7A, s1;
	s8 =	simm.s32 @!p0 $0x1BF5;
	p2 =	por !p2, p0  }
0x20: {  	[sflag:s8] =	ssyncset.s32 @!p0 $0xFFFFF086;
	s6 =	sadd.s32 @!p0 s3, s7;
	s7 =	simm.s32 @!p0 $0x108  }
0x21: {  	s3 =	sadd.s32 s3, s9;
	s6 =	sadd.s32 @!p0 $0x88, s6;
	s7 =	simm.s32 @p2 $0x1082  }
0x22: {  	[simem:s7], [sflag:s8] =	dma.local @!p0 [hbm:s6], $0xF7A  }
0x23: {  	s9 =	sor.u32 $0xD0000000, s2;
	s6 =	simm.s32 $0x108;
	_ =	swait.ge @!p0 [sflag:s8], $0x0  }
0x24: {  	s3 =	sadd.s32 $0x88, s3;
	s6 =	simm.s32 @!p1 $0x1082;
	[sflag:s4] =	ssyncset.s32 $0xFFFFF086  }
0x25: {  	[simem:s6], [sflag:s4] =	dma.local [hbm:s3], $0xF7A  }
0x26: {  	[smem:$0x3F96] =	sst s1;
	(tag) =	ssettag s2;
	_ =	strace s9  }
0x27: {  	s1 =	sld [smem:$0x3FA6]  }
0x28: {  	s2 =	sld [smem:$0x3FA7]  }
0x29: {  	s4 =	sld [smem:$0x3FA9]  }
0x2a: {  	p0 =	seq.s32 s5, $0x0;
	s5 =	sld [smem:$0x3FAA]  }
0x2b: {  	s6 =	sld [smem:$0x3FAB]  }
0x2c: {  	s7 =	sld [smem:$0x3FAC]  }
0x2d: {  	s3 =	simm.s32 $0x108;
	s8 =	sld [smem:$0x3FAD]  }
0x2e: {  	s3 =	simm.s32 @!p0 $0x1082;
	s9 =	sld [smem:$0x3FAE]  }
0x2f: {  	lr =	sadd.s32 s0, s3;
	s0 =	sld [smem:$0x3FA5]  }
0x30: {  	s3 =	sld [smem:$0x3FA8]  }
0x31: {  	[smem:$0x3FB1] =	sst s10  }
0x32: {  	s10 =	sld [smem:$0x3FAF];
	_ =	sdelay $0x3  }
0x33: {  	p0 =	seq.s32 s10, $0x1;
	s10 =	sld [smem:$0x3FB1];
	_ =	sdelay $0x3  }
0x34: {  	[smem:$0x3FB1] =	sst s10  }
0x35: {  	s10 =	sld [smem:$0x3FB0];
	_ =	sdelay $0x3  }
0x36: {  	p1 =	seq.s32 s10, $0x1;
	s10 =	sld [smem:$0x3FB1];
	_ =	sdelay $0x3  }
0x37: {  	[smem:$0x3FB1] =	sst s10  }
0x38: {  	s10 =	sld [smem:$0x3FB2]  }
0x39: {  	_ = 	snop;
	(pc) =	sbr.ind lr, $3  }
0x3a: {  	_ = 	snop  }
0x3b: {  	_ = 	snop  }
0x3c: {  	p2 =	seq.s32 s10, $0x1;
	s10 =	sld [smem:$0x3FB1]  }
0x3d: {  	_ =	shalt  }
0x3e: {  	_ =	shalt  }
0x3f: {  	_ =	shalt  }
0x40: {  	_ =	shalt  }
0x41: {  	_ =	shalt  }
0x42: {  	_ =	shalt  }
0x43: {  	_ =	shalt  }
0x44: {  	_ =	shalt  }
0x45: {  	_ =	shalt  }
0x46: {  	_ =	shalt  }
0x47: {  	_ =	shalt  }
0x48: {  	_ =	shalt  }
0x49: {  	_ =	shalt  }
0x4a: {  	_ =	shalt  }
0x4b: {  	_ =	shalt  }
0x4c: {  	_ =	shalt  }
0x4d: {  	_ =	shalt  }
0x4e: {  	_ =	shalt  }
0x4f: {  	_ =	shalt  }
0x50: {  	_ =	shalt  }
0x51: {  	_ =	shalt  }
0x52: {  	_ =	shalt  }
0x53: {  	_ =	shalt  }
0x54: {  	_ =	shalt  }
0x55: {  	_ =	shalt  }
0x56: {  	_ =	shalt  }
0x57: {  	_ =	shalt  }
0x58: {  	_ =	shalt  }
0x59: {  	_ =	shalt  }
0x5a: {  	_ =	shalt  }
0x5b: {  	_ =	shalt  }
0x5c: {  	_ =	shalt  }
0x5d: {  	_ =	shalt  }
0x5e: {  	_ =	shalt  }
0x5f: {  	_ =	shalt  }
0x60: {  	_ =	shalt  }
0x61: {  	_ =	shalt  }
0x62: {  	_ =	shalt  }
0x63: {  	_ =	shalt  }
0x64: {  	_ =	shalt  }
0x65: {  	_ =	shalt  }
0x66: {  	_ =	shalt  }
0x67: {  	_ =	shalt  }
0x68: {  	_ =	shalt  }
0x69: {  	_ =	shalt  }
0x6a: {  	_ =	shalt  }
0x6b: {  	_ =	shalt  }
0x6c: {  	_ =	shalt  }
0x6d: {  	_ =	shalt  }
0x6e: {  	_ =	shalt  }
0x6f: {  	_ =	shalt  }
0x70: {  	_ =	shalt  }
0x71: {  	_ =	shalt  }
0x72: {  	_ =	shalt  }
0x73: {  	_ =	shalt  }
0x74: {  	_ =	shalt  }
0x75: {  	_ =	shalt  }
0x76: {  	_ =	shalt  }
0x77: {  	_ =	shalt  }
0x78: {  	_ =	shalt  }
0x79: {  	_ =	shalt  }
0x7a: {  	_ =	shalt  }
0x7b: {  	_ =	shalt  }
0x7c: {  	_ =	shalt  }
0x7d: {  	_ =	shalt  }
0x7e: {  	_ =	shalt  }
0x7f: {  	_ =	shalt  }
0x80: {  	_ =	shalt  }
0x81: {  	_ =	shalt  }
0x82: {  	_ =	shalt  }
0x83: {  	_ =	shalt  }
0x84: {  	_ =	shalt  }
0x85: {  	_ =	shalt  }
0x86: {  	_ =	shalt  }
0x87: {  	_ =	shalt  }
.Lfunc_end0:
.L_simem_size_0:
called_computation_lowered:
.L_overlay_start_0:
0x88: {  	s2 =	sld [smem:$0x3FD9]  }
0x89: {  	s3 =	sld [smem:$0x3FFE];
	_ =	sdelay $0x1  }
0x8a: {  	s1 =	srdreg.scid  }
0x8b: {  	s0 =	sand.u32 $0x1, s1  }
0x8c: {  	s17 =	sshll.u32 s0, $0xA;
	s2 =	sadd.s32 s3, s2  }
0x8d: {  	s2 =	sadd.s32 s2, s17  }
0x8e: {  	[smem:$0x3FBD] =	sst s2  }
0x8f: {  	_ = 	snop  }
0x90: {  	s2 =	sld [smem:$0x3FD0];
	(tm) =	ssettm $0x1  }
0x91: {  	s18 =	sld [smem:$0x3FFB];
	_ =	sdelay $0x3  }
0x92: {  	_ =	strace s18  }
0x93: {  	s3 =	sld [smem:$0x3FFC];
	_ =	sdelay $0x3  }
0x94: {  	_ =	strace s3  }
0x95: {  	s3 =	sld [smem:$0x3FFD];
	_ =	sdelay $0x3  }
0x96: {  	_ =	strace s3  }
0x97: {  	_ =	strace $0x8FFFFFFF  }
0x98: {  	s19 =	sld [smem:$0x3FDB];
	_ =	sdelay $0x1  }
0x99: {  	s4 =	simm.s32 $_scs_section_size  }
0x9a: {  	s5 =	simm.s32 $_size__tile_overlayer_lowered;
	s6 =	simm.s32 $_tile_overlayer_lowered  }
0x9b: {  	s22 =	simm.s32 $0x1BFF;
	s21 =	sshll.u32 s6, $0x1;
	s3 =	sadd.s32 s4, s19  }
0x9c: {  	s7 =	simm.s32 $0x0;
	s20 =	sshll.u32 s5, $0x1;
	s5 =	sadd.s32 s21, s3  }
0x9d: {  	[timem:s7], [sflag:s22] =	dma.local [hbm:s5], s20  }
0x9e: {  	_ =	swait.ge [sflag:s22], s20  }
0x9f: {  	s4 =	ssub.s32 $0x0, s20;
	[sflag:s22] =	ssyncset.done $0x0  }
0xa0: {  	[sflag:s22] =	ssyncadd.s32 s4;
	_ =	sdelay $0x1  }
0xa1: {  	s23 =	simm.s32 $0x1B8B  }
0xa2: {  	_ =	swait.ge [sflag:s23], $0x1  }
0xa3: {  	[sflag:s23] =	ssyncset.done $0x0  }
0xa4: {  	s25 =	simm.s32 $0x1B8E;
	s24 =	sld [smem:$0x3FFE];
	[sflag:s23] =	ssyncadd.s32 $0xFFFFFFFF  }
0xa5: {  	s26 =	simm.s32 $execute0_lowered;
	[smem:$0x3FD2] =	sst s25  }
0xa6: {  	s5 =	sshll.u32 s26, $0x1;
	_ =	strace $0x80000046;
	[dreg:$0x1] =	wrdreg $0xFFFFFFFF  }
0xa7: {  	s28 =	simm.s32 $_size_execute0_lowered;
	s3 =	sadd.s32 s3, s5;
	[dreg:$0x0] =	wrdreg $0x0  }
0xa8: {  	s5 =	sshll.u32 s28, $0x1;
	[dreg:$0x2] =	wrdreg s3  }
0xa9: {  	[dreg:$0x3] =	wrdreg s5  }
0xaa: {  	[dreg:$0x4] =	wrdreg $0xC0  }
0xab: {  	_ =	task [dreg:s7], $0x5FFFF  }
0xac: {  	[dreg:$0x1] =	wrdreg $0xFFFFFFFF  }
0xad: {  	[dreg:$0x0] =	wrdreg $0x60  }
0xae: {  	[dreg:$0x2] =	wrdreg s24  }
0xaf: {  	[dreg:$0x3] =	wrdreg s2  }
0xb0: {  	[dreg:$0x4] =	wrdreg $0x9  }
0xb1: {  	_ =	task.clear_ibuf [dreg:s7], $0x5FFFF;
	_ =	strace $0x90000046  }
0xb2: {  	s29 =	simm.s32 $0x9;
	_ =	strace $0x80000048  }
0xb3: {  	_ =	swait.ge [sflag:s29], $0x1  }
0xb4: {  	[sflag:s29] =	ssyncadd.s32 $0xFFFFFFFF  }
0xb5: {  	_ =	strace $0x90000048  }
0xb6: {  	_ =	sfence  }
0xb7: {  	s30 =	sld [smem:$0x0];
	_ =	sdelay $0x2  }
0xb8: {  	s31 =	sshll.u32 s1, $0xD;
	s1 =	sshrl.u32 s1, $0x2  }
0xb9: {  	s3 =	sand.u32 $0x4000, s31;
	s1 =	sadd.s32 s1, s30  }
0xba: {  	s0 =	sor.u32 s3, s0;
	s1 =	sshll.u32 s1, $0x11  }
0xbb: {  	s0 =	sor.u32 s1, s0  }
0xbc: {  	s0 =	sadd.s32 $0x8F2B, s0  }
0xbd: {  	[sflag:s0] =	ssyncadd.remote.s32 $0x1  }
0xbe: {  	_ =	sfence.sel $0xFFFF  }
0xbf: {  	[dreg:$0x0] =	wrdreg $0xFFFFFFFF;
	(pc) =	sbr.abs _section_cstart, $3  }
0xc0: {  	[dreg:$0x1] =	wrdreg $0xFFFFFFFF  }
0xc1: {  	_ =	task.clear_ibuf [dreg:s7], $0x2FFFF;
	_ =	strace $0x9FFFFFFF  }
0xc2: {  	(tm) =	ssettm $0x7FFFFFFF  }
0xc3: {  	_ =	shalt  }
tec
execute0_lowered:
.L_overlay_start_1:
0x0: {  	(tag) =	ssettag $0x1  }
0x1: {  	s0 =	srdreg.scid;
	s1 =	stileid.u32  }
0x2: {  	s0 =	sand.u32 $0x1, s0;
	s1 =	sshll.u32 s1, $0x1  }
0x3: {  	s1 =	sor.u32 s0, s1  }
0x4: {  	s5 =	smul.u32 $0x140, s1  }
0x5: {  	s3 =	rddreg [dreg:$0x0];
	s2 =	simm.s32 $0x0;
	s6 =	smul.u32 $0x3C00, s1  }
0x6: {  	[smem:$0x7FF] =	sst s2;
	s1 =	smul.u32 $0x1E000, s1  }
0x7: {  	s4 =	rddreg [dreg:$0x1];
	_ =	strace $0x80000047;
	s5 =	sadd.s32 s5, s3  }
0x8: {  	s24 =	sadd.s32 s4, s6;
	s1 =	sshrl.u32 s1, $0x3;
	s5 =	sadd.s32 $0xADA00, s5  }
0x9: {  	s9 =	sadd.s32 $0x300, s24;
	s1 =	sadd.s32 s4, s1;
	[dreg:$0x3] =	wrdreg s5  }
0xa: {  	s31 =	simm.s32 $0x100;
	[dreg:$0x4] =	wrdreg s9;
	s4 =	sadd.s32 $0x600, s1  }
0xb: {  	s8 =	simm.s32 $0x2;
	s10 =	sadd.s32 $0x900, s1;
	[dreg:$0x5] =	wrdreg s4  }
0xc: {  	s30 =	simm.s32 $0x180;
	s11 =	sadd.s32 $0xC00, s1;
	[dreg:$0x6] =	wrdreg s10  }
0xd: {  	s29 =	simm.s32 $0x200;
	s12 =	sadd.s32 $0xF00, s1;
	[dreg:$0x7] =	wrdreg s11  }
0xe: {  	s28 =	simm.s32 $0x280;
	s13 =	sadd.s32 $0x1200, s1;
	[dreg:$0x8] =	wrdreg s12  }
0xf: {  	p0 =	por $0x0, $0x0;
	s14 =	sadd.s32 $0x1500, s1;
	[dreg:$0x9] =	wrdreg s13  }
0x10: {  	s0 =	ssub.s32 $0x2, s0;
	s15 =	sadd.s32 $0x1800, s1;
	[dreg:$0xa] =	wrdreg s14  }
0x11: {  	s25 =	sshrl.u32 s0, $0x1;
	s16 =	sadd.s32 $0x1B00, s1;
	[dreg:$0xb] =	wrdreg s15  }
0x12: {  	s0 =	ssub.s32 s0, s25;
	s17 =	sadd.s32 $0x1E00, s1;
	[dreg:$0xc] =	wrdreg s16  }
0x13: {  	s25 =	simm.s32 $0x380;
	s18 =	sadd.s32 $0x2100, s1;
	[dreg:$0xd] =	wrdreg s17  }
0x14: {  	s3 =	sadd.s32 $0x9EE00, s3;
	s19 =	sadd.s32 $0x2400, s1;
	[dreg:$0xe] =	wrdreg s18  }
0x15: {  	s0 =	smax.u32 s0, $0x1;
	s20 =	sadd.s32 $0x2700, s1;
	[dreg:$0xf] =	wrdreg s19  }
0x16: {  	s6 =	simm.s32 $0x2200;
	s21 =	sadd.s32 $0x2A00, s1;
	[dreg:$0x10] =	wrdreg s20  }
0x17: {  	p1 =	sne.s32 s0, $0x1;
	s22 =	sadd.s32 $0x2D00, s1;
	[dreg:$0x11] =	wrdreg s21  }
0x18: {  	s23 =	sadd.s32 $0x3000, s1;
	s26 =	sadd.s32 $0x3300, s1;
	[dreg:$0x12] =	wrdreg s22  }
0x19: {  	s7 =	sadd.s32 $0x3600, s1;
	s5 =	sadd.s32 $0x3900, s1;
	[dreg:$0x13] =	wrdreg s23  }
0x1a: {  	s9 =	simm.s32 $0xA00;
	s1 =	sadd.s32 $0xFFFFFFFF, s0;
	[dreg:$0x14] =	wrdreg s26  }
0x1b: {  	s4 =	simm.s32 $0x3;
	s10 =	simm.s32 $0x80;
	s11 =	simm.s32 $0x1  }
.Ltmp0:
0x1c: {  	s26 =	simm.s32 $0x300;
	s23 =	simm.s32 $0x400;
	(pc) =	sbr.rel @!p1 .LBB2_3-.Ltmp0, $4  }
0x1d: {  	s22 =	simm.s32 $0x480;
	s21 =	simm.s32 $0x500;
	s20 =	simm.s32 $0x580  }
0x1e: {  	s19 =	simm.s32 $0x600;
	s18 =	simm.s32 $0x680;
	s17 =	simm.s32 $0x700  }
0x1f: {  	s16 =	simm.s32 $0x780;
	s15 =	simm.s32 $0x800;
	s14 =	simm.s32 $0x880  }
0x20: {  	s13 =	simm.s32 $0x900;
	s12 =	simm.s32 $0x980;
	s0 =	rddreg [dreg:$0x3]  }
0x21: {  	[tilespmem:s2], [sflag:$0x3] =	stream.linear.gather [hbm4b:s0+s2], $0xA00, $0x38;
	[tilespmem:$0x3A00] =	vst v63  }
0x22: {  	_ =	swait.ge [sflag:s4], $0xA00  }
0x23: {  	[sflag:s4] =	ssyncset.done $0x0  }
0x24: {  	[sflag:s4] =	ssyncadd.s32 $0xFFFFF600  }
0x25: {  	[tilespmem:s9], [sflag:$0x1] =	stream.indirect.gather [hbm4b:s3+s10], $0x30, s2, s10, $0xb8;
	[tilespmem:$0x3A00] =	vst v63  }
0x26: {  	_ = 	snop  }
0x27: {  	[tilespmem:s6], [sflag:$0x2] =	stream.indirect.gather [hbm4b:s3+s10], $0x30, s10, s10, $0xb8;
	[tilespmem:$0x3A00] =	vst v63  }
0x28: {  	_ =	swait.ge [sflag:s11], $0x1800  }
0x29: {  	[sflag:s11] =	ssyncset.done $0x0  }
0x2a: {  	[sflag:s11] =	ssyncadd.s32 $0xFFFFE800  }
0x2b: {  	[hbm4b:s24+s2] =	stream.linear.scatter [tilespmem:s9], [sflag:$0x3], $0x1800, $0x38;
	[tilespmem:$0x3A00] =	vst v63  }
0x2c: {  	_ =	swait.ge [sflag:s4], $0x1800  }
0x2d: {  	[sflag:s4] =	ssyncset.done $0x0  }
0x2e: {  	[sflag:s4] =	ssyncadd.s32 $0xFFFFE800  }
0x2f: {  	[tilespmem:s9], [sflag:$0x1] =	stream.indirect.gather [hbm4b:s3+s10], $0x30, s31, s10, $0xb8;
	[tilespmem:$0x3A00] =	vst v63  }
0x30: {  	_ =	swait.ge [sflag:s8], $0x1800  }
0x31: {  	[sflag:s8] =	ssyncset.done $0x0  }
0x32: {  	s0 =	rddreg [dreg:$0x4];
	[sflag:s8] =	ssyncadd.s32 $0xFFFFE800  }
0x33: {  	[hbm4b:s0+s2] =	stream.linear.scatter [tilespmem:s6], [sflag:$0x3], $0x1800, $0x38;
	[tilespmem:$0x3A00] =	vst v63  }
0x34: {  	_ =	swait.ge [sflag:s4], $0x1800  }
0x35: {  	[sflag:s4] =	ssyncset.done $0x0  }
0x36: {  	[sflag:s4] =	ssyncadd.s32 $0xFFFFE800  }
0x37: {  	[tilespmem:s6], [sflag:$0x2] =	stream.indirect.gather [hbm4b:s3+s10], $0x30, s30, s10, $0xb8;
	[tilespmem:$0x3A00] =	vst v63  }
0x38: {  	_ =	swait.ge [sflag:s11], $0x1800  }
0x39: {  	[sflag:s11] =	ssyncset.done $0x0  }
0x3a: {  	s0 =	rddreg [dreg:$0x5];
	[sflag:s11] =	ssyncadd.s32 $0xFFFFE800  }
0x3b: {  	[hbm4b:s0+s2] =	stream.linear.scatter [tilespmem:s9], [sflag:$0x3], $0x1800, $0x38;
	[tilespmem:$0x3A00] =	vst v63  }
0x3c: {  	_ =	swait.ge [sflag:s4], $0x1800  }
0x3d: {  	[sflag:s4] =	ssyncset.done $0x0  }
0x3e: {  	[sflag:s4] =	ssyncadd.s32 $0xFFFFE800  }
0x3f: {  	[tilespmem:s9], [sflag:$0x1] =	stream.indirect.gather [hbm4b:s3+s10], $0x30, s29, s10, $0xb8;
	[tilespmem:$0x3A00] =	vst v63  }
0x40: {  	_ =	swait.ge [sflag:s8], $0x1800  }
0x41: {  	[sflag:s8] =	ssyncset.done $0x0  }
0x42: {  	s0 =	rddreg [dreg:$0x6];
	[sflag:s8] =	ssyncadd.s32 $0xFFFFE800  }
0x43: {  	[hbm4b:s0+s2] =	stream.linear.scatter [tilespmem:s6], [sflag:$0x3], $0x1800, $0x38;
	[tilespmem:$0x3A00] =	vst v63  }
0x44: {  	_ =	swait.ge [sflag:s4], $0x1800  }
0x45: {  	[sflag:s4] =	ssyncset.done $0x0  }
0x46: {  	[sflag:s4] =	ssyncadd.s32 $0xFFFFE800  }
0x47: {  	[tilespmem:s6], [sflag:$0x2] =	stream.indirect.gather [hbm4b:s3+s10], $0x30, s28, s10, $0xb8;
	[tilespmem:$0x3A00] =	vst v63  }
0x48: {  	_ =	swait.ge [sflag:s11], $0x1800  }
0x49: {  	[sflag:s11] =	ssyncset.done $0x0  }
0x4a: {  	s0 =	rddreg [dreg:$0x7];
	[sflag:s11] =	ssyncadd.s32 $0xFFFFE800  }
0x4b: {  	[hbm4b:s0+s2] =	stream.linear.scatter [tilespmem:s9], [sflag:$0x3], $0x1800, $0x38;
	[tilespmem:$0x3A00] =	vst v63  }
0x4c: {  	_ =	swait.ge [sflag:s4], $0x1800  }
0x4d: {  	[sflag:s4] =	ssyncset.done $0x0  }
0x4e: {  	[sflag:s4] =	ssyncadd.s32 $0xFFFFE800  }
0x4f: {  	[tilespmem:s9], [sflag:$0x1] =	stream.indirect.gather [hbm4b:s3+s10], $0x30, s26, s10, $0xb8;
	[tilespmem:$0x3A00] =	vst v63  }
0x50: {  	_ =	swait.ge [sflag:s8], $0x1800  }
0x51: {  	[sflag:s8] =	ssyncset.done $0x0  }
0x52: {  	s0 =	rddreg [dreg:$0x8];
	[sflag:s8] =	ssyncadd.s32 $0xFFFFE800  }
0x53: {  	[hbm4b:s0+s2] =	stream.linear.scatter [tilespmem:s6], [sflag:$0x3], $0x1800, $0x38;
	[tilespmem:$0x3A00] =	vst v63  }
0x54: {  	_ =	swait.ge [sflag:s4], $0x1800  }
0x55: {  	[sflag:s4] =	ssyncset.done $0x0  }
0x56: {  	[sflag:s4] =	ssyncadd.s32 $0xFFFFE800  }
0x57: {  	[tilespmem:s6], [sflag:$0x2] =	stream.indirect.gather [hbm4b:s3+s10], $0x30, s25, s10, $0xb8;
	[tilespmem:$0x3A00] =	vst v63  }
0x58: {  	_ =	swait.ge [sflag:s11], $0x1800  }
0x59: {  	[sflag:s11] =	ssyncset.done $0x0  }
0x5a: {  	s0 =	rddreg [dreg:$0x9];
	[sflag:s11] =	ssyncadd.s32 $0xFFFFE800  }
0x5b: {  	[hbm4b:s0+s2] =	stream.linear.scatter [tilespmem:s9], [sflag:$0x3], $0x1800, $0x38;
	[tilespmem:$0x3A00] =	vst v63  }
0x5c: {  	_ =	swait.ge [sflag:s4], $0x1800  }
0x5d: {  	[sflag:s4] =	ssyncset.done $0x0  }
0x5e: {  	[sflag:s4] =	ssyncadd.s32 $0xFFFFE800  }
0x5f: {  	[tilespmem:s9], [sflag:$0x1] =	stream.indirect.gather [hbm4b:s3+s10], $0x30, s23, s10, $0xb8;
	[tilespmem:$0x3A00] =	vst v63  }
0x60: {  	_ =	swait.ge [sflag:s8], $0x1800  }
0x61: {  	[sflag:s8] =	ssyncset.done $0x0  }
0x62: {  	s0 =	rddreg [dreg:$0xa];
	[sflag:s8] =	ssyncadd.s32 $0xFFFFE800  }
0x63: {  	[hbm4b:s0+s2] =	stream.linear.scatter [tilespmem:s6], [sflag:$0x3], $0x1800, $0x38;
	[tilespmem:$0x3A00] =	vst v63  }
0x64: {  	_ =	swait.ge [sflag:s4], $0x1800  }
0x65: {  	[sflag:s4] =	ssyncset.done $0x0  }
0x66: {  	[sflag:s4] =	ssyncadd.s32 $0xFFFFE800  }
0x67: {  	[tilespmem:s6], [sflag:$0x2] =	stream.indirect.gather [hbm4b:s3+s10], $0x30, s22, s10, $0xb8;
	[tilespmem:$0x3A00] =	vst v63  }
0x68: {  	_ =	swait.ge [sflag:s11], $0x1800  }
0x69: {  	[sflag:s11] =	ssyncset.done $0x0  }
0x6a: {  	s0 =	rddreg [dreg:$0xb];
	[sflag:s11] =	ssyncadd.s32 $0xFFFFE800  }
0x6b: {  	[hbm4b:s0+s2] =	stream.linear.scatter [tilespmem:s9], [sflag:$0x3], $0x1800, $0x38;
	[tilespmem:$0x3A00] =	vst v63  }
0x6c: {  	_ =	swait.ge [sflag:s4], $0x1800  }
0x6d: {  	[sflag:s4] =	ssyncset.done $0x0  }
0x6e: {  	[sflag:s4] =	ssyncadd.s32 $0xFFFFE800  }
0x6f: {  	[tilespmem:s9], [sflag:$0x1] =	stream.indirect.gather [hbm4b:s3+s10], $0x30, s21, s10, $0xb8;
	[tilespmem:$0x3A00] =	vst v63  }
0x70: {  	_ =	swait.ge [sflag:s8], $0x1800  }
0x71: {  	[sflag:s8] =	ssyncset.done $0x0  }
0x72: {  	s0 =	rddreg [dreg:$0xc];
	[sflag:s8] =	ssyncadd.s32 $0xFFFFE800  }
0x73: {  	[hbm4b:s0+s2] =	stream.linear.scatter [tilespmem:s6], [sflag:$0x3], $0x1800, $0x38;
	[tilespmem:$0x3A00] =	vst v63  }
0x74: {  	_ =	swait.ge [sflag:s4], $0x1800  }
0x75: {  	[sflag:s4] =	ssyncset.done $0x0  }
0x76: {  	[sflag:s4] =	ssyncadd.s32 $0xFFFFE800  }
0x77: {  	[tilespmem:s6], [sflag:$0x2] =	stream.indirect.gather [hbm4b:s3+s10], $0x30, s20, s10, $0xb8;
	[tilespmem:$0x3A00] =	vst v63  }
0x78: {  	_ =	swait.ge [sflag:s11], $0x1800  }
0x79: {  	[sflag:s11] =	ssyncset.done $0x0  }
0x7a: {  	s0 =	rddreg [dreg:$0xd];
	[sflag:s11] =	ssyncadd.s32 $0xFFFFE800  }
0x7b: {  	[hbm4b:s0+s2] =	stream.linear.scatter [tilespmem:s9], [sflag:$0x3], $0x1800, $0x38;
	[tilespmem:$0x3A00] =	vst v63  }
0x7c: {  	_ =	swait.ge [sflag:s4], $0x1800  }
0x7d: {  	[sflag:s4] =	ssyncset.done $0x0  }
0x7e: {  	[sflag:s4] =	ssyncadd.s32 $0xFFFFE800  }
0x7f: {  	[tilespmem:s9], [sflag:$0x1] =	stream.indirect.gather [hbm4b:s3+s10], $0x30, s19, s10, $0xb8;
	[tilespmem:$0x3A00] =	vst v63  }
0x80: {  	_ =	swait.ge [sflag:s8], $0x1800  }
0x81: {  	[sflag:s8] =	ssyncset.done $0x0  }
0x82: {  	s0 =	rddreg [dreg:$0xe];
	[sflag:s8] =	ssyncadd.s32 $0xFFFFE800  }
0x83: {  	[hbm4b:s0+s2] =	stream.linear.scatter [tilespmem:s6], [sflag:$0x3], $0x1800, $0x38;
	[tilespmem:$0x3A00] =	vst v63  }
0x84: {  	_ =	swait.ge [sflag:s4], $0x1800  }
0x85: {  	[sflag:s4] =	ssyncset.done $0x0  }
0x86: {  	[sflag:s4] =	ssyncadd.s32 $0xFFFFE800  }
0x87: {  	[tilespmem:s6], [sflag:$0x2] =	stream.indirect.gather [hbm4b:s3+s10], $0x30, s18, s10, $0xb8;
	[tilespmem:$0x3A00] =	vst v63  }
0x88: {  	_ =	swait.ge [sflag:s11], $0x1800  }
0x89: {  	[sflag:s11] =	ssyncset.done $0x0  }
0x8a: {  	s0 =	rddreg [dreg:$0xf];
	[sflag:s11] =	ssyncadd.s32 $0xFFFFE800  }
0x8b: {  	[hbm4b:s0+s2] =	stream.linear.scatter [tilespmem:s9], [sflag:$0x3], $0x1800, $0x38;
	[tilespmem:$0x3A00] =	vst v63  }
0x8c: {  	_ =	swait.ge [sflag:s4], $0x1800  }
0x8d: {  	[sflag:s4] =	ssyncset.done $0x0  }
0x8e: {  	[sflag:s4] =	ssyncadd.s32 $0xFFFFE800  }
0x8f: {  	[tilespmem:s9], [sflag:$0x1] =	stream.indirect.gather [hbm4b:s3+s10], $0x30, s17, s10, $0xb8;
	[tilespmem:$0x3A00] =	vst v63  }
0x90: {  	_ =	swait.ge [sflag:s8], $0x1800  }
0x91: {  	[sflag:s8] =	ssyncset.done $0x0  }
0x92: {  	s0 =	rddreg [dreg:$0x10];
	[sflag:s8] =	ssyncadd.s32 $0xFFFFE800  }
0x93: {  	[hbm4b:s0+s2] =	stream.linear.scatter [tilespmem:s6], [sflag:$0x3], $0x1800, $0x38;
	[tilespmem:$0x3A00] =	vst v63  }
0x94: {  	_ =	swait.ge [sflag:s4], $0x1800  }
0x95: {  	[sflag:s4] =	ssyncset.done $0x0  }
0x96: {  	[sflag:s4] =	ssyncadd.s32 $0xFFFFE800  }
0x97: {  	[tilespmem:s6], [sflag:$0x2] =	stream.indirect.gather [hbm4b:s3+s10], $0x30, s16, s10, $0xb8;
	[tilespmem:$0x3A00] =	vst v63  }
0x98: {  	_ =	swait.ge [sflag:s11], $0x1800  }
0x99: {  	[sflag:s11] =	ssyncset.done $0x0  }
0x9a: {  	s0 =	rddreg [dreg:$0x11];
	[sflag:s11] =	ssyncadd.s32 $0xFFFFE800  }
0x9b: {  	[hbm4b:s0+s2] =	stream.linear.scatter [tilespmem:s9], [sflag:$0x3], $0x1800, $0x38;
	[tilespmem:$0x3A00] =	vst v63  }
0x9c: {  	_ =	swait.ge [sflag:s4], $0x1800  }
0x9d: {  	[sflag:s4] =	ssyncset.done $0x0  }
0x9e: {  	[sflag:s4] =	ssyncadd.s32 $0xFFFFE800  }
0x9f: {  	[tilespmem:s9], [sflag:$0x1] =	stream.indirect.gather [hbm4b:s3+s10], $0x30, s15, s10, $0xb8;
	[tilespmem:$0x3A00] =	vst v63  }
0xa0: {  	_ =	swait.ge [sflag:s8], $0x1800  }
0xa1: {  	[sflag:s8] =	ssyncset.done $0x0  }
0xa2: {  	s0 =	rddreg [dreg:$0x12];
	[sflag:s8] =	ssyncadd.s32 $0xFFFFE800  }
0xa3: {  	[hbm4b:s0+s2] =	stream.linear.scatter [tilespmem:s6], [sflag:$0x3], $0x1800, $0x38;
	[tilespmem:$0x3A00] =	vst v63  }
0xa4: {  	_ =	swait.ge [sflag:s4], $0x1800  }
0xa5: {  	[sflag:s4] =	ssyncset.done $0x0  }
0xa6: {  	[sflag:s4] =	ssyncadd.s32 $0xFFFFE800  }
0xa7: {  	[tilespmem:s6], [sflag:$0x2] =	stream.indirect.gather [hbm4b:s3+s10], $0x30, s14, s10, $0xb8;
	[tilespmem:$0x3A00] =	vst v63  }
0xa8: {  	_ =	swait.ge [sflag:s11], $0x1800  }
0xa9: {  	[sflag:s11] =	ssyncset.done $0x0  }
0xaa: {  	s0 =	rddreg [dreg:$0x13];
	[sflag:s11] =	ssyncadd.s32 $0xFFFFE800  }
0xab: {  	[hbm4b:s0+s2] =	stream.linear.scatter [tilespmem:s9], [sflag:$0x3], $0x1800, $0x38;
	[tilespmem:$0x3A00] =	vst v63  }
0xac: {  	_ =	swait.ge [sflag:s4], $0x1800  }
0xad: {  	[sflag:s4] =	ssyncset.done $0x0  }
0xae: {  	[sflag:s4] =	ssyncadd.s32 $0xFFFFE800  }
0xaf: {  	[tilespmem:s9], [sflag:$0x1] =	stream.indirect.gather [hbm4b:s3+s10], $0x30, s13, s10, $0xb8;
	[tilespmem:$0x3A00] =	vst v63  }
0xb0: {  	_ =	swait.ge [sflag:s8], $0x1800  }
0xb1: {  	[sflag:s8] =	ssyncset.done $0x0  }
0xb2: {  	s0 =	rddreg [dreg:$0x14];
	[sflag:s8] =	ssyncadd.s32 $0xFFFFE800  }
0xb3: {  	[hbm4b:s0+s2] =	stream.linear.scatter [tilespmem:s6], [sflag:$0x3], $0x1800, $0x38;
	[tilespmem:$0x3A00] =	vst v63  }
0xb4: {  	_ =	swait.ge [sflag:s4], $0x1800  }
0xb5: {  	[sflag:s4] =	ssyncset.done $0x0  }
0xb6: {  	[sflag:s4] =	ssyncadd.s32 $0xFFFFE800  }
0xb7: {  	[tilespmem:s6], [sflag:$0x2] =	stream.indirect.gather [hbm4b:s3+s10], $0x30, s12, s10, $0xb8;
	[tilespmem:$0x3A00] =	vst v63  }
0xb8: {  	_ =	swait.ge [sflag:s11], $0x1800  }
0xb9: {  	[sflag:s11] =	ssyncset.done $0x0  }
0xba: {  	[sflag:s11] =	ssyncadd.s32 $0xFFFFE800  }
0xbb: {  	[hbm4b:s7+s2] =	stream.linear.scatter [tilespmem:s9], [sflag:$0x3], $0x1800, $0x38;
	[tilespmem:$0x3A00] =	vst v63  }
0xbc: {  	_ =	swait.ge [sflag:s4], $0x1800  }
0xbd: {  	[sflag:s4] =	ssyncset.done $0x0  }
0xbe: {  	[sflag:s4] =	ssyncadd.s32 $0xFFFFE800  }
0xbf: {  	p1 =	sne.s32 s1, $0x1;
	_ =	swait.ge [sflag:s8], $0x1800  }
.Ltmp1:
0xc0: {  	[sflag:s8] =	ssyncset.done $0x0;
	(pc) =	sbr.rel @!p1 .LBB2_3-.Ltmp1, $4  }
0xc1: {  	[sflag:s8] =	ssyncadd.s32 $0xFFFFE800  }
0xc2: {  	[hbm4b:s5+s2] =	stream.linear.scatter [tilespmem:s6], [sflag:$0x3], $0x1800, $0x38;
	[tilespmem:$0x3A00] =	vst v63  }
0xc3: {  	s1 =	sadd.s32 $0xFFFFFFFF, s1;
	_ =	swait.ge [sflag:s4], $0x1800  }
0xc4: {  	p0 =	por $0x1, $0x1;
	s0 =	rddreg [dreg:$0x3];
	[sflag:s4] =	ssyncset.done $0x0  }
.LBB2_2:
0xc5: {  	[sflag:s4] =	ssyncadd.s32 $0xFFFFE800  }
0xc6: {  	[tilespmem:s2], [sflag:$0x3] =	stream.linear.gather [hbm4b:s0+s2], $0xA00, $0x38;
	[tilespmem:$0x3A00] =	vst v63  }
0xc7: {  	_ =	swait.ge [sflag:s4], $0xA00  }
0xc8: {  	[sflag:s4] =	ssyncset.done $0x0  }
0xc9: {  	[sflag:s4] =	ssyncadd.s32 $0xFFFFF600  }
0xca: {  	[tilespmem:s9], [sflag:$0x1] =	stream.indirect.gather [hbm4b:s3+s10], $0x30, s2, s10, $0xb8;
	[tilespmem:$0x3A00] =	vst v63  }
0xcb: {  	_ = 	snop  }
0xcc: {  	[tilespmem:s6], [sflag:$0x2] =	stream.indirect.gather [hbm4b:s3+s10], $0x30, s10, s10, $0xb8;
	[tilespmem:$0x3A00] =	vst v63  }
0xcd: {  	_ =	swait.ge [sflag:s11], $0x1800  }
0xce: {  	[sflag:s11] =	ssyncset.done $0x0  }
0xcf: {  	[sflag:s11] =	ssyncadd.s32 $0xFFFFE800  }
0xd0: {  	[hbm4b:s24+s2] =	stream.linear.scatter [tilespmem:s9], [sflag:$0x3], $0x1800, $0x38;
	[tilespmem:$0x3A00] =	vst v63  }
0xd1: {  	_ =	swait.ge [sflag:s4], $0x1800  }
0xd2: {  	[sflag:s4] =	ssyncset.done $0x0  }
0xd3: {  	[sflag:s4] =	ssyncadd.s32 $0xFFFFE800  }
0xd4: {  	[tilespmem:s9], [sflag:$0x1] =	stream.indirect.gather [hbm4b:s3+s10], $0x30, s31, s10, $0xb8;
	[tilespmem:$0x3A00] =	vst v63  }
0xd5: {  	_ =	swait.ge [sflag:s8], $0x1800  }
0xd6: {  	[sflag:s8] =	ssyncset.done $0x0  }
0xd7: {  	s0 =	rddreg [dreg:$0x4];
	[sflag:s8] =	ssyncadd.s32 $0xFFFFE800  }
0xd8: {  	[hbm4b:s0+s2] =	stream.linear.scatter [tilespmem:s6], [sflag:$0x3], $0x1800, $0x38;
	[tilespmem:$0x3A00] =	vst v63  }
0xd9: {  	_ =	swait.ge [sflag:s4], $0x1800  }
0xda: {  	[sflag:s4] =	ssyncset.done $0x0  }
0xdb: {  	[sflag:s4] =	ssyncadd.s32 $0xFFFFE800  }
0xdc: {  	[tilespmem:s6], [sflag:$0x2] =	stream.indirect.gather [hbm4b:s3+s10], $0x30, s30, s10, $0xb8;
	[tilespmem:$0x3A00] =	vst v63  }
0xdd: {  	_ =	swait.ge [sflag:s11], $0x1800  }
0xde: {  	[sflag:s11] =	ssyncset.done $0x0  }
0xdf: {  	s0 =	rddreg [dreg:$0x5];
	[sflag:s11] =	ssyncadd.s32 $0xFFFFE800  }
0xe0: {  	[hbm4b:s0+s2] =	stream.linear.scatter [tilespmem:s9], [sflag:$0x3], $0x1800, $0x38;
	[tilespmem:$0x3A00] =	vst v63  }
0xe1: {  	_ =	swait.ge [sflag:s4], $0x1800  }
0xe2: {  	[sflag:s4] =	ssyncset.done $0x0  }
0xe3: {  	[sflag:s4] =	ssyncadd.s32 $0xFFFFE800  }
0xe4: {  	[tilespmem:s9], [sflag:$0x1] =	stream.indirect.gather [hbm4b:s3+s10], $0x30, s29, s10, $0xb8;
	[tilespmem:$0x3A00] =	vst v63  }
0xe5: {  	_ =	swait.ge [sflag:s8], $0x1800  }
0xe6: {  	[sflag:s8] =	ssyncset.done $0x0  }
0xe7: {  	s0 =	rddreg [dreg:$0x6];
	[sflag:s8] =	ssyncadd.s32 $0xFFFFE800  }
0xe8: {  	[hbm4b:s0+s2] =	stream.linear.scatter [tilespmem:s6], [sflag:$0x3], $0x1800, $0x38;
	[tilespmem:$0x3A00] =	vst v63  }
0xe9: {  	_ =	swait.ge [sflag:s4], $0x1800  }
0xea: {  	[sflag:s4] =	ssyncset.done $0x0  }
0xeb: {  	[sflag:s4] =	ssyncadd.s32 $0xFFFFE800  }
0xec: {  	[tilespmem:s6], [sflag:$0x2] =	stream.indirect.gather [hbm4b:s3+s10], $0x30, s28, s10, $0xb8;
	[tilespmem:$0x3A00] =	vst v63  }
0xed: {  	_ =	swait.ge [sflag:s11], $0x1800  }
0xee: {  	[sflag:s11] =	ssyncset.done $0x0  }
0xef: {  	s0 =	rddreg [dreg:$0x7];
	[sflag:s11] =	ssyncadd.s32 $0xFFFFE800  }
0xf0: {  	[hbm4b:s0+s2] =	stream.linear.scatter [tilespmem:s9], [sflag:$0x3], $0x1800, $0x38;
	[tilespmem:$0x3A00] =	vst v63  }
0xf1: {  	_ =	swait.ge [sflag:s4], $0x1800  }
0xf2: {  	[sflag:s4] =	ssyncset.done $0x0  }
0xf3: {  	[sflag:s4] =	ssyncadd.s32 $0xFFFFE800  }
0xf4: {  	[tilespmem:s9], [sflag:$0x1] =	stream.indirect.gather [hbm4b:s3+s10], $0x30, s26, s10, $0xb8;
	[tilespmem:$0x3A00] =	vst v63  }
0xf5: {  	_ =	swait.ge [sflag:s8], $0x1800  }
0xf6: {  	[sflag:s8] =	ssyncset.done $0x0  }
0xf7: {  	s0 =	rddreg [dreg:$0x8];
	[sflag:s8] =	ssyncadd.s32 $0xFFFFE800  }
0xf8: {  	[hbm4b:s0+s2] =	stream.linear.scatter [tilespmem:s6], [sflag:$0x3], $0x1800, $0x38;
	[tilespmem:$0x3A00] =	vst v63  }
0xf9: {  	_ =	swait.ge [sflag:s4], $0x1800  }
0xfa: {  	[sflag:s4] =	ssyncset.done $0x0  }
0xfb: {  	[sflag:s4] =	ssyncadd.s32 $0xFFFFE800  }
0xfc: {  	[tilespmem:s6], [sflag:$0x2] =	stream.indirect.gather [hbm4b:s3+s10], $0x30, s25, s10, $0xb8;
	[tilespmem:$0x3A00] =	vst v63  }
0xfd: {  	_ =	swait.ge [sflag:s11], $0x1800  }
0xfe: {  	[sflag:s11] =	ssyncset.done $0x0  }
0xff: {  	s0 =	rddreg [dreg:$0x9];
	[sflag:s11] =	ssyncadd.s32 $0xFFFFE800  }
0x100: {  	[hbm4b:s0+s2] =	stream.linear.scatter [tilespmem:s9], [sflag:$0x3], $0x1800, $0x38;
	[tilespmem:$0x3A00] =	vst v63  }
0x101: {  	_ =	swait.ge [sflag:s4], $0x1800  }
0x102: {  	[sflag:s4] =	ssyncset.done $0x0  }
0x103: {  	[sflag:s4] =	ssyncadd.s32 $0xFFFFE800  }
0x104: {  	[tilespmem:s9], [sflag:$0x1] =	stream.indirect.gather [hbm4b:s3+s10], $0x30, s23, s10, $0xb8;
	[tilespmem:$0x3A00] =	vst v63  }
0x105: {  	_ =	swait.ge [sflag:s8], $0x1800  }
0x106: {  	[sflag:s8] =	ssyncset.done $0x0  }
0x107: {  	s0 =	rddreg [dreg:$0xa];
	[sflag:s8] =	ssyncadd.s32 $0xFFFFE800  }
0x108: {  	[hbm4b:s0+s2] =	stream.linear.scatter [tilespmem:s6], [sflag:$0x3], $0x1800, $0x38;
	[tilespmem:$0x3A00] =	vst v63  }
0x109: {  	_ =	swait.ge [sflag:s4], $0x1800  }
0x10a: {  	[sflag:s4] =	ssyncset.done $0x0  }
0x10b: {  	[sflag:s4] =	ssyncadd.s32 $0xFFFFE800  }
0x10c: {  	[tilespmem:s6], [sflag:$0x2] =	stream.indirect.gather [hbm4b:s3+s10], $0x30, s22, s10, $0xb8;
	[tilespmem:$0x3A00] =	vst v63  }
0x10d: {  	_ =	swait.ge [sflag:s11], $0x1800  }
0x10e: {  	[sflag:s11] =	ssyncset.done $0x0  }
0x10f: {  	s0 =	rddreg [dreg:$0xb];
	[sflag:s11] =	ssyncadd.s32 $0xFFFFE800  }
0x110: {  	[hbm4b:s0+s2] =	stream.linear.scatter [tilespmem:s9], [sflag:$0x3], $0x1800, $0x38;
	[tilespmem:$0x3A00] =	vst v63  }
0x111: {  	_ =	swait.ge [sflag:s4], $0x1800  }
0x112: {  	[sflag:s4] =	ssyncset.done $0x0  }
0x113: {  	[sflag:s4] =	ssyncadd.s32 $0xFFFFE800  }
0x114: {  	[tilespmem:s9], [sflag:$0x1] =	stream.indirect.gather [hbm4b:s3+s10], $0x30, s21, s10, $0xb8;
	[tilespmem:$0x3A00] =	vst v63  }
0x115: {  	_ =	swait.ge [sflag:s8], $0x1800  }
0x116: {  	[sflag:s8] =	ssyncset.done $0x0  }
0x117: {  	s0 =	rddreg [dreg:$0xc];
	[sflag:s8] =	ssyncadd.s32 $0xFFFFE800  }
0x118: {  	[hbm4b:s0+s2] =	stream.linear.scatter [tilespmem:s6], [sflag:$0x3], $0x1800, $0x38;
	[tilespmem:$0x3A00] =	vst v63  }
0x119: {  	_ =	swait.ge [sflag:s4], $0x1800  }
0x11a: {  	[sflag:s4] =	ssyncset.done $0x0  }
0x11b: {  	[sflag:s4] =	ssyncadd.s32 $0xFFFFE800  }
0x11c: {  	[tilespmem:s6], [sflag:$0x2] =	stream.indirect.gather [hbm4b:s3+s10], $0x30, s20, s10, $0xb8;
	[tilespmem:$0x3A00] =	vst v63  }
0x11d: {  	_ =	swait.ge [sflag:s11], $0x1800  }
0x11e: {  	[sflag:s11] =	ssyncset.done $0x0  }
0x11f: {  	s0 =	rddreg [dreg:$0xd];
	[sflag:s11] =	ssyncadd.s32 $0xFFFFE800  }
0x120: {  	[hbm4b:s0+s2] =	stream.linear.scatter [tilespmem:s9], [sflag:$0x3], $0x1800, $0x38;
	[tilespmem:$0x3A00] =	vst v63  }
0x121: {  	_ =	swait.ge [sflag:s4], $0x1800  }
0x122: {  	[sflag:s4] =	ssyncset.done $0x0  }
0x123: {  	[sflag:s4] =	ssyncadd.s32 $0xFFFFE800  }
0x124: {  	[tilespmem:s9], [sflag:$0x1] =	stream.indirect.gather [hbm4b:s3+s10], $0x30, s19, s10, $0xb8;
	[tilespmem:$0x3A00] =	vst v63  }
0x125: {  	_ =	swait.ge [sflag:s8], $0x1800  }
0x126: {  	[sflag:s8] =	ssyncset.done $0x0  }
0x127: {  	s0 =	rddreg [dreg:$0xe];
	[sflag:s8] =	ssyncadd.s32 $0xFFFFE800  }
0x128: {  	[hbm4b:s0+s2] =	stream.linear.scatter [tilespmem:s6], [sflag:$0x3], $0x1800, $0x38;
	[tilespmem:$0x3A00] =	vst v63  }
0x129: {  	_ =	swait.ge [sflag:s4], $0x1800  }
0x12a: {  	[sflag:s4] =	ssyncset.done $0x0  }
0x12b: {  	[sflag:s4] =	ssyncadd.s32 $0xFFFFE800  }
0x12c: {  	[tilespmem:s6], [sflag:$0x2] =	stream.indirect.gather [hbm4b:s3+s10], $0x30, s18, s10, $0xb8;
	[tilespmem:$0x3A00] =	vst v63  }
0x12d: {  	_ =	swait.ge [sflag:s11], $0x1800  }
0x12e: {  	[sflag:s11] =	ssyncset.done $0x0  }
0x12f: {  	s0 =	rddreg [dreg:$0xf];
	[sflag:s11] =	ssyncadd.s32 $0xFFFFE800  }
0x130: {  	[hbm4b:s0+s2] =	stream.linear.scatter [tilespmem:s9], [sflag:$0x3], $0x1800, $0x38;
	[tilespmem:$0x3A00] =	vst v63  }
0x131: {  	_ =	swait.ge [sflag:s4], $0x1800  }
0x132: {  	[sflag:s4] =	ssyncset.done $0x0  }
0x133: {  	[sflag:s4] =	ssyncadd.s32 $0xFFFFE800  }
0x134: {  	[tilespmem:s9], [sflag:$0x1] =	stream.indirect.gather [hbm4b:s3+s10], $0x30, s17, s10, $0xb8;
	[tilespmem:$0x3A00] =	vst v63  }
0x135: {  	_ =	swait.ge [sflag:s8], $0x1800  }
0x136: {  	[sflag:s8] =	ssyncset.done $0x0  }
0x137: {  	s0 =	rddreg [dreg:$0x10];
	[sflag:s8] =	ssyncadd.s32 $0xFFFFE800  }
0x138: {  	[hbm4b:s0+s2] =	stream.linear.scatter [tilespmem:s6], [sflag:$0x3], $0x1800, $0x38;
	[tilespmem:$0x3A00] =	vst v63  }
0x139: {  	_ =	swait.ge [sflag:s4], $0x1800  }
0x13a: {  	[sflag:s4] =	ssyncset.done $0x0  }
0x13b: {  	[sflag:s4] =	ssyncadd.s32 $0xFFFFE800  }
0x13c: {  	[tilespmem:s6], [sflag:$0x2] =	stream.indirect.gather [hbm4b:s3+s10], $0x30, s16, s10, $0xb8;
	[tilespmem:$0x3A00] =	vst v63  }
0x13d: {  	_ =	swait.ge [sflag:s11], $0x1800  }
0x13e: {  	[sflag:s11] =	ssyncset.done $0x0  }
0x13f: {  	s0 =	rddreg [dreg:$0x11];
	[sflag:s11] =	ssyncadd.s32 $0xFFFFE800  }
0x140: {  	[hbm4b:s0+s2] =	stream.linear.scatter [tilespmem:s9], [sflag:$0x3], $0x1800, $0x38;
	[tilespmem:$0x3A00] =	vst v63  }
0x141: {  	_ =	swait.ge [sflag:s4], $0x1800  }
0x142: {  	[sflag:s4] =	ssyncset.done $0x0  }
0x143: {  	[sflag:s4] =	ssyncadd.s32 $0xFFFFE800  }
0x144: {  	[tilespmem:s9], [sflag:$0x1] =	stream.indirect.gather [hbm4b:s3+s10], $0x30, s15, s10, $0xb8;
	[tilespmem:$0x3A00] =	vst v63  }
0x145: {  	_ =	swait.ge [sflag:s8], $0x1800  }
0x146: {  	[sflag:s8] =	ssyncset.done $0x0  }
0x147: {  	s0 =	rddreg [dreg:$0x12];
	[sflag:s8] =	ssyncadd.s32 $0xFFFFE800  }
0x148: {  	[hbm4b:s0+s2] =	stream.linear.scatter [tilespmem:s6], [sflag:$0x3], $0x1800, $0x38;
	[tilespmem:$0x3A00] =	vst v63  }
0x149: {  	_ =	swait.ge [sflag:s4], $0x1800  }
0x14a: {  	[sflag:s4] =	ssyncset.done $0x0  }
0x14b: {  	[sflag:s4] =	ssyncadd.s32 $0xFFFFE800  }
0x14c: {  	[tilespmem:s6], [sflag:$0x2] =	stream.indirect.gather [hbm4b:s3+s10], $0x30, s14, s10, $0xb8;
	[tilespmem:$0x3A00] =	vst v63  }
0x14d: {  	_ =	swait.ge [sflag:s11], $0x1800  }
0x14e: {  	[sflag:s11] =	ssyncset.done $0x0  }
0x14f: {  	s0 =	rddreg [dreg:$0x13];
	[sflag:s11] =	ssyncadd.s32 $0xFFFFE800  }
0x150: {  	[hbm4b:s0+s2] =	stream.linear.scatter [tilespmem:s9], [sflag:$0x3], $0x1800, $0x38;
	[tilespmem:$0x3A00] =	vst v63  }
0x151: {  	_ =	swait.ge [sflag:s4], $0x1800  }
0x152: {  	[sflag:s4] =	ssyncset.done $0x0  }
0x153: {  	[sflag:s4] =	ssyncadd.s32 $0xFFFFE800  }
0x154: {  	[tilespmem:s9], [sflag:$0x1] =	stream.indirect.gather [hbm4b:s3+s10], $0x30, s13, s10, $0xb8;
	[tilespmem:$0x3A00] =	vst v63  }
0x155: {  	_ =	swait.ge [sflag:s8], $0x1800  }
0x156: {  	[sflag:s8] =	ssyncset.done $0x0  }
0x157: {  	s0 =	rddreg [dreg:$0x14];
	[sflag:s8] =	ssyncadd.s32 $0xFFFFE800  }
0x158: {  	[hbm4b:s0+s2] =	stream.linear.scatter [tilespmem:s6], [sflag:$0x3], $0x1800, $0x38;
	[tilespmem:$0x3A00] =	vst v63  }
0x159: {  	_ =	swait.ge [sflag:s4], $0x1800  }
0x15a: {  	[sflag:s4] =	ssyncset.done $0x0  }
0x15b: {  	[sflag:s4] =	ssyncadd.s32 $0xFFFFE800  }
0x15c: {  	[tilespmem:s6], [sflag:$0x2] =	stream.indirect.gather [hbm4b:s3+s10], $0x30, s12, s10, $0xb8;
	[tilespmem:$0x3A00] =	vst v63  }
0x15d: {  	_ =	swait.ge [sflag:s11], $0x1800  }
0x15e: {  	[sflag:s11] =	ssyncset.done $0x0  }
0x15f: {  	[sflag:s11] =	ssyncadd.s32 $0xFFFFE800  }
0x160: {  	[hbm4b:s7+s2] =	stream.linear.scatter [tilespmem:s9], [sflag:$0x3], $0x1800, $0x38;
	[tilespmem:$0x3A00] =	vst v63  }
0x161: {  	_ =	swait.ge [sflag:s4], $0x1800  }
0x162: {  	[sflag:s4] =	ssyncset.done $0x0  }
0x163: {  	[sflag:s4] =	ssyncadd.s32 $0xFFFFE800  }
0x164: {  	p1 =	sne.s32 s1, $0x1;
	_ =	swait.ge [sflag:s8], $0x1800  }
.Ltmp2:
0x165: {  	[sflag:s8] =	ssyncset.done $0x0;
	(pc) =	sbr.rel @p1 .LBB2_2-.Ltmp2, $4  }
0x166: {  	[sflag:s8] =	ssyncadd.s32 $0xFFFFE800  }
0x167: {  	[hbm4b:s5+s2] =	stream.linear.scatter [tilespmem:s6], [sflag:$0x3], $0x1800, $0x38;
	[tilespmem:$0x3A00] =	vst v63  }
0x168: {  	_ =	swait.ge [sflag:s4], $0x1800  }
0x169: {  	s1 =	sadd.s32 $0xFFFFFFFF, s1;
	s0 =	rddreg [dreg:$0x3];
	[sflag:s4] =	ssyncset.done $0x0  }
.LBB2_3:
0x16a: {  	[sflag:s4] =	ssyncadd.s32 @p0 $0xFFFFE800  }
0x16b: {  	[tilespmem:s2], [sflag:$0x3] =	stream.linear.gather [hbm4b:s0+s2], $0xA00, $0x38;
	[tilespmem:$0x3A00] =	vst v63  }
0x16c: {  	_ =	swait.ge [sflag:s4], $0xA00  }
0x16d: {  	[sflag:s4] =	ssyncset.done $0x0  }
0x16e: {  	[sflag:s4] =	ssyncadd.s32 $0xFFFFF600  }
0x16f: {  	[tilespmem:s9], [sflag:$0x1] =	stream.indirect.gather [hbm4b:s3+s10], $0x30, s2, s10, $0xb8;
	[tilespmem:$0x3A00] =	vst v63  }
0x170: {  	_ = 	snop  }
0x171: {  	[tilespmem:s6], [sflag:$0x2] =	stream.indirect.gather [hbm4b:s3+s10], $0x30, s10, s10, $0xb8;
	[tilespmem:$0x3A00] =	vst v63  }
0x172: {  	_ =	swait.ge [sflag:s11], $0x1800  }
0x173: {  	[sflag:s11] =	ssyncset.done $0x0  }
0x174: {  	[sflag:s11] =	ssyncadd.s32 $0xFFFFE800  }
0x175: {  	[hbm4b:s24+s2] =	stream.linear.scatter [tilespmem:s9], [sflag:$0x3], $0x1800, $0x38;
	[tilespmem:$0x3A00] =	vst v63  }
0x176: {  	_ =	swait.ge [sflag:s4], $0x1800  }
0x177: {  	[sflag:s4] =	ssyncset.done $0x0  }
0x178: {  	[sflag:s4] =	ssyncadd.s32 $0xFFFFE800  }
0x179: {  	[tilespmem:s9], [sflag:$0x1] =	stream.indirect.gather [hbm4b:s3+s10], $0x30, s31, s10, $0xb8;
	[tilespmem:$0x3A00] =	vst v63  }
0x17a: {  	_ =	swait.ge [sflag:s8], $0x1800  }
0x17b: {  	[sflag:s8] =	ssyncset.done $0x0  }
0x17c: {  	s31 =	rddreg [dreg:$0x4];
	[sflag:s8] =	ssyncadd.s32 $0xFFFFE800  }
0x17d: {  	[hbm4b:s31+s2] =	stream.linear.scatter [tilespmem:s6], [sflag:$0x3], $0x1800, $0x38;
	[tilespmem:$0x3A00] =	vst v63  }
0x17e: {  	_ =	swait.ge [sflag:s4], $0x1800  }
0x17f: {  	[sflag:s4] =	ssyncset.done $0x0  }
0x180: {  	[sflag:s4] =	ssyncadd.s32 $0xFFFFE800  }
0x181: {  	[tilespmem:s6], [sflag:$0x2] =	stream.indirect.gather [hbm4b:s3+s10], $0x30, s30, s10, $0xb8;
	[tilespmem:$0x3A00] =	vst v63  }
0x182: {  	_ =	swait.ge [sflag:s11], $0x1800  }
0x183: {  	[sflag:s11] =	ssyncset.done $0x0  }
0x184: {  	s1 =	rddreg [dreg:$0x5];
	[sflag:s11] =	ssyncadd.s32 $0xFFFFE800  }
0x185: {  	[hbm4b:s1+s2] =	stream.linear.scatter [tilespmem:s9], [sflag:$0x3], $0x1800, $0x38;
	[tilespmem:$0x3A00] =	vst v63  }
0x186: {  	_ =	swait.ge [sflag:s4], $0x1800  }
0x187: {  	[sflag:s4] =	ssyncset.done $0x0  }
0x188: {  	[sflag:s4] =	ssyncadd.s32 $0xFFFFE800  }
0x189: {  	[tilespmem:s9], [sflag:$0x1] =	stream.indirect.gather [hbm4b:s3+s10], $0x30, s29, s10, $0xb8;
	[tilespmem:$0x3A00] =	vst v63  }
0x18a: {  	_ =	swait.ge [sflag:s8], $0x1800  }
0x18b: {  	[sflag:s8] =	ssyncset.done $0x0  }
0x18c: {  	s24 =	rddreg [dreg:$0x6];
	[sflag:s8] =	ssyncadd.s32 $0xFFFFE800  }
0x18d: {  	[hbm4b:s24+s2] =	stream.linear.scatter [tilespmem:s6], [sflag:$0x3], $0x1800, $0x38;
	[tilespmem:$0x3A00] =	vst v63  }
0x18e: {  	_ =	swait.ge [sflag:s4], $0x1800  }
0x18f: {  	[sflag:s4] =	ssyncset.done $0x0  }
0x190: {  	[sflag:s4] =	ssyncadd.s32 $0xFFFFE800  }
0x191: {  	[tilespmem:s6], [sflag:$0x2] =	stream.indirect.gather [hbm4b:s3+s10], $0x30, s28, s10, $0xb8;
	[tilespmem:$0x3A00] =	vst v63  }
0x192: {  	_ =	swait.ge [sflag:s11], $0x1800  }
0x193: {  	[sflag:s11] =	ssyncset.done $0x0  }
0x194: {  	s28 =	rddreg [dreg:$0x7];
	[sflag:s11] =	ssyncadd.s32 $0xFFFFE800  }
0x195: {  	[hbm4b:s28+s2] =	stream.linear.scatter [tilespmem:s9], [sflag:$0x3], $0x1800, $0x38;
	[tilespmem:$0x3A00] =	vst v63  }
0x196: {  	_ =	swait.ge [sflag:s4], $0x1800  }
0x197: {  	[sflag:s4] =	ssyncset.done $0x0  }
0x198: {  	[sflag:s4] =	ssyncadd.s32 $0xFFFFE800  }
0x199: {  	[tilespmem:s9], [sflag:$0x1] =	stream.indirect.gather [hbm4b:s3+s10], $0x30, s26, s10, $0xb8;
	[tilespmem:$0x3A00] =	vst v63  }
0x19a: {  	_ =	swait.ge [sflag:s8], $0x1800  }
0x19b: {  	[sflag:s8] =	ssyncset.done $0x0  }
0x19c: {  	s29 =	rddreg [dreg:$0x8];
	[sflag:s8] =	ssyncadd.s32 $0xFFFFE800  }
0x19d: {  	[hbm4b:s29+s2] =	stream.linear.scatter [tilespmem:s6], [sflag:$0x3], $0x1800, $0x38;
	[tilespmem:$0x3A00] =	vst v63  }
0x19e: {  	_ =	swait.ge [sflag:s4], $0x1800  }
0x19f: {  	[sflag:s4] =	ssyncset.done $0x0  }
0x1a0: {  	[sflag:s4] =	ssyncadd.s32 $0xFFFFE800  }
0x1a1: {  	[tilespmem:s6], [sflag:$0x2] =	stream.indirect.gather [hbm4b:s3+s10], $0x30, s25, s10, $0xb8;
	[tilespmem:$0x3A00] =	vst v63  }
0x1a2: {  	_ =	swait.ge [sflag:s11], $0x1800  }
0x1a3: {  	[sflag:s11] =	ssyncset.done $0x0  }
0x1a4: {  	s30 =	rddreg [dreg:$0x9];
	[sflag:s11] =	ssyncadd.s32 $0xFFFFE800  }
0x1a5: {  	[hbm4b:s30+s2] =	stream.linear.scatter [tilespmem:s9], [sflag:$0x3], $0x1800, $0x38;
	[tilespmem:$0x3A00] =	vst v63  }
0x1a6: {  	_ =	swait.ge [sflag:s4], $0x1800  }
0x1a7: {  	[sflag:s4] =	ssyncset.done $0x0  }
0x1a8: {  	[sflag:s4] =	ssyncadd.s32 $0xFFFFE800  }
0x1a9: {  	[tilespmem:s9], [sflag:$0x1] =	stream.indirect.gather [hbm4b:s3+s10], $0x30, s23, s10, $0xb8;
	[tilespmem:$0x3A00] =	vst v63  }
0x1aa: {  	_ =	swait.ge [sflag:s8], $0x1800  }
0x1ab: {  	[sflag:s8] =	ssyncset.done $0x0  }
0x1ac: {  	s31 =	rddreg [dreg:$0xa];
	[sflag:s8] =	ssyncadd.s32 $0xFFFFE800  }
0x1ad: {  	[hbm4b:s31+s2] =	stream.linear.scatter [tilespmem:s6], [sflag:$0x3], $0x1800, $0x38;
	[tilespmem:$0x3A00] =	vst v63  }
0x1ae: {  	_ =	swait.ge [sflag:s4], $0x1800  }
0x1af: {  	[sflag:s4] =	ssyncset.done $0x0  }
0x1b0: {  	[sflag:s4] =	ssyncadd.s32 $0xFFFFE800  }
0x1b1: {  	[tilespmem:s6], [sflag:$0x2] =	stream.indirect.gather [hbm4b:s3+s10], $0x30, s22, s10, $0xb8;
	[tilespmem:$0x3A00] =	vst v63  }
0x1b2: {  	_ =	swait.ge [sflag:s11], $0x1800  }
0x1b3: {  	[sflag:s11] =	ssyncset.done $0x0  }
0x1b4: {  	s1 =	rddreg [dreg:$0xb];
	[sflag:s11] =	ssyncadd.s32 $0xFFFFE800  }
0x1b5: {  	[hbm4b:s1+s2] =	stream.linear.scatter [tilespmem:s9], [sflag:$0x3], $0x1800, $0x38;
	[tilespmem:$0x3A00] =	vst v63  }
0x1b6: {  	_ =	swait.ge [sflag:s4], $0x1800  }
0x1b7: {  	[sflag:s4] =	ssyncset.done $0x0  }
0x1b8: {  	[sflag:s4] =	ssyncadd.s32 $0xFFFFE800  }
0x1b9: {  	[tilespmem:s9], [sflag:$0x1] =	stream.indirect.gather [hbm4b:s3+s10], $0x30, s21, s10, $0xb8;
	[tilespmem:$0x3A00] =	vst v63  }
0x1ba: {  	_ =	swait.ge [sflag:s8], $0x1800  }
0x1bb: {  	[sflag:s8] =	ssyncset.done $0x0  }
0x1bc: {  	s21 =	rddreg [dreg:$0xc];
	[sflag:s8] =	ssyncadd.s32 $0xFFFFE800  }
0x1bd: {  	[hbm4b:s21+s2] =	stream.linear.scatter [tilespmem:s6], [sflag:$0x3], $0x1800, $0x38;
	[tilespmem:$0x3A00] =	vst v63  }
0x1be: {  	_ =	swait.ge [sflag:s4], $0x1800  }
0x1bf: {  	[sflag:s4] =	ssyncset.done $0x0  }
0x1c0: {  	[sflag:s4] =	ssyncadd.s32 $0xFFFFE800  }
0x1c1: {  	[tilespmem:s6], [sflag:$0x2] =	stream.indirect.gather [hbm4b:s3+s10], $0x30, s20, s10, $0xb8;
	[tilespmem:$0x3A00] =	vst v63  }
0x1c2: {  	_ =	swait.ge [sflag:s11], $0x1800  }
0x1c3: {  	[sflag:s11] =	ssyncset.done $0x0  }
0x1c4: {  	s22 =	rddreg [dreg:$0xd];
	[sflag:s11] =	ssyncadd.s32 $0xFFFFE800  }
0x1c5: {  	[hbm4b:s22+s2] =	stream.linear.scatter [tilespmem:s9], [sflag:$0x3], $0x1800, $0x38;
	[tilespmem:$0x3A00] =	vst v63  }
0x1c6: {  	_ =	swait.ge [sflag:s4], $0x1800  }
0x1c7: {  	[sflag:s4] =	ssyncset.done $0x0  }
0x1c8: {  	[sflag:s4] =	ssyncadd.s32 $0xFFFFE800  }
0x1c9: {  	[tilespmem:s9], [sflag:$0x1] =	stream.indirect.gather [hbm4b:s3+s10], $0x30, s19, s10, $0xb8;
	[tilespmem:$0x3A00] =	vst v63  }
0x1ca: {  	_ =	swait.ge [sflag:s8], $0x1800  }
0x1cb: {  	[sflag:s8] =	ssyncset.done $0x0  }
0x1cc: {  	s23 =	rddreg [dreg:$0xe];
	[sflag:s8] =	ssyncadd.s32 $0xFFFFE800  }
0x1cd: {  	[hbm4b:s23+s2] =	stream.linear.scatter [tilespmem:s6], [sflag:$0x3], $0x1800, $0x38;
	[tilespmem:$0x3A00] =	vst v63  }
0x1ce: {  	_ =	swait.ge [sflag:s4], $0x1800  }
0x1cf: {  	[sflag:s4] =	ssyncset.done $0x0  }
0x1d0: {  	[sflag:s4] =	ssyncadd.s32 $0xFFFFE800  }
0x1d1: {  	[tilespmem:s6], [sflag:$0x2] =	stream.indirect.gather [hbm4b:s3+s10], $0x30, s18, s10, $0xb8;
	[tilespmem:$0x3A00] =	vst v63  }
0x1d2: {  	_ =	swait.ge [sflag:s11], $0x1800  }
0x1d3: {  	[sflag:s11] =	ssyncset.done $0x0  }
0x1d4: {  	s24 =	rddreg [dreg:$0xf];
	[sflag:s11] =	ssyncadd.s32 $0xFFFFE800  }
0x1d5: {  	[hbm4b:s24+s2] =	stream.linear.scatter [tilespmem:s9], [sflag:$0x3], $0x1800, $0x38;
	[tilespmem:$0x3A00] =	vst v63  }
0x1d6: {  	_ =	swait.ge [sflag:s4], $0x1800  }
0x1d7: {  	[sflag:s4] =	ssyncset.done $0x0  }
0x1d8: {  	[sflag:s4] =	ssyncadd.s32 $0xFFFFE800  }
0x1d9: {  	[tilespmem:s9], [sflag:$0x1] =	stream.indirect.gather [hbm4b:s3+s10], $0x30, s17, s10, $0xb8;
	[tilespmem:$0x3A00] =	vst v63  }
0x1da: {  	_ =	swait.ge [sflag:s8], $0x1800  }
0x1db: {  	[sflag:s8] =	ssyncset.done $0x0  }
0x1dc: {  	s25 =	rddreg [dreg:$0x10];
	[sflag:s8] =	ssyncadd.s32 $0xFFFFE800  }
0x1dd: {  	[hbm4b:s25+s2] =	stream.linear.scatter [tilespmem:s6], [sflag:$0x3], $0x1800, $0x38;
	[tilespmem:$0x3A00] =	vst v63  }
0x1de: {  	_ =	swait.ge [sflag:s4], $0x1800  }
0x1df: {  	[sflag:s4] =	ssyncset.done $0x0  }
0x1e0: {  	[sflag:s4] =	ssyncadd.s32 $0xFFFFE800  }
0x1e1: {  	[tilespmem:s6], [sflag:$0x2] =	stream.indirect.gather [hbm4b:s3+s10], $0x30, s16, s10, $0xb8;
	[tilespmem:$0x3A00] =	vst v63  }
0x1e2: {  	_ =	swait.ge [sflag:s11], $0x1800  }
0x1e3: {  	[sflag:s11] =	ssyncset.done $0x0  }
0x1e4: {  	s26 =	rddreg [dreg:$0x11];
	[sflag:s11] =	ssyncadd.s32 $0xFFFFE800  }
0x1e5: {  	[hbm4b:s26+s2] =	stream.linear.scatter [tilespmem:s9], [sflag:$0x3], $0x1800, $0x38;
	[tilespmem:$0x3A00] =	vst v63  }
0x1e6: {  	_ =	swait.ge [sflag:s4], $0x1800  }
0x1e7: {  	[sflag:s4] =	ssyncset.done $0x0  }
0x1e8: {  	[sflag:s4] =	ssyncadd.s32 $0xFFFFE800  }
0x1e9: {  	[tilespmem:s9], [sflag:$0x1] =	stream.indirect.gather [hbm4b:s3+s10], $0x30, s15, s10, $0xb8;
	[tilespmem:$0x3A00] =	vst v63  }
0x1ea: {  	_ =	swait.ge [sflag:s8], $0x1800  }
0x1eb: {  	[sflag:s8] =	ssyncset.done $0x0  }
0x1ec: {  	s28 =	rddreg [dreg:$0x12];
	[sflag:s8] =	ssyncadd.s32 $0xFFFFE800  }
0x1ed: {  	[hbm4b:s28+s2] =	stream.linear.scatter [tilespmem:s6], [sflag:$0x3], $0x1800, $0x38;
	[tilespmem:$0x3A00] =	vst v63  }
0x1ee: {  	_ =	swait.ge [sflag:s4], $0x1800  }
0x1ef: {  	[sflag:s4] =	ssyncset.done $0x0  }
0x1f0: {  	[sflag:s4] =	ssyncadd.s32 $0xFFFFE800  }
0x1f1: {  	[tilespmem:s6], [sflag:$0x2] =	stream.indirect.gather [hbm4b:s3+s10], $0x30, s14, s10, $0xb8;
	[tilespmem:$0x3A00] =	vst v63  }
0x1f2: {  	_ =	swait.ge [sflag:s11], $0x1800  }
0x1f3: {  	[sflag:s11] =	ssyncset.done $0x0  }
0x1f4: {  	s29 =	rddreg [dreg:$0x13];
	[sflag:s11] =	ssyncadd.s32 $0xFFFFE800  }
0x1f5: {  	[hbm4b:s29+s2] =	stream.linear.scatter [tilespmem:s9], [sflag:$0x3], $0x1800, $0x38;
	[tilespmem:$0x3A00] =	vst v63  }
0x1f6: {  	_ =	swait.ge [sflag:s4], $0x1800  }
0x1f7: {  	[sflag:s4] =	ssyncset.done $0x0  }
0x1f8: {  	[sflag:s4] =	ssyncadd.s32 $0xFFFFE800  }
0x1f9: {  	[tilespmem:s9], [sflag:$0x1] =	stream.indirect.gather [hbm4b:s3+s10], $0x30, s13, s10, $0xb8;
	[tilespmem:$0x3A00] =	vst v63  }
0x1fa: {  	_ =	swait.ge [sflag:s8], $0x1800  }
0x1fb: {  	[sflag:s8] =	ssyncset.done $0x0  }
0x1fc: {  	s30 =	rddreg [dreg:$0x14];
	[sflag:s8] =	ssyncadd.s32 $0xFFFFE800  }
0x1fd: {  	[hbm4b:s30+s2] =	stream.linear.scatter [tilespmem:s6], [sflag:$0x3], $0x1800, $0x38;
	[tilespmem:$0x3A00] =	vst v63  }
0x1fe: {  	_ =	swait.ge [sflag:s4], $0x1800  }
0x1ff: {  	[sflag:s4] =	ssyncset.done $0x0  }
0x200: {  	[sflag:s4] =	ssyncadd.s32 $0xFFFFE800  }
0x201: {  	[tilespmem:s6], [sflag:$0x2] =	stream.indirect.gather [hbm4b:s3+s10], $0x30, s12, s10, $0xb8;
	[tilespmem:$0x3A00] =	vst v63  }
0x202: {  	_ =	swait.ge [sflag:s11], $0x1800  }
0x203: {  	[sflag:s11] =	ssyncset.done $0x0  }
0x204: {  	[sflag:s11] =	ssyncadd.s32 $0xFFFFE800  }
0x205: {  	[hbm4b:s7+s2] =	stream.linear.scatter [tilespmem:s9], [sflag:$0x3], $0x1800, $0x38;
	[tilespmem:$0x3A00] =	vst v63  }
0x206: {  	_ =	swait.ge [sflag:s4], $0x1800  }
0x207: {  	[sflag:s4] =	ssyncset.done $0x0  }
0x208: {  	[sflag:s4] =	ssyncadd.s32 $0xFFFFE800  }
0x209: {  	_ =	swait.ge [sflag:s8], $0x1800  }
0x20a: {  	[sflag:s8] =	ssyncset.done $0x0  }
0x20b: {  	[sflag:s8] =	ssyncadd.s32 $0xFFFFE800  }
0x20c: {  	[hbm4b:s5+s2] =	stream.linear.scatter [tilespmem:s6], [sflag:$0x3], $0x1800, $0x38;
	[tilespmem:$0x3A00] =	vst v63  }
0x20d: {  	_ =	swait.ge [sflag:s4], $0x1800  }
0x20e: {  	[sflag:s4] =	ssyncset.done $0x0  }
0x20f: {  	[sflag:s4] =	ssyncadd.s32 $0xFFFFE800  }
0x210: {  	_ =	sfence.sel $0x180000  }
0x211: {  	[bflag:$0x0] =	sbarrier.arrive $0xFFFF  }
0x212: {  	_ =	strace $0x90000047  }
0x213: {  	s31 =	stileid.u32;
	[bflag:$0x2] =	sbarrier.arrive $0xFFFF  }
0x214: {  	p0 =	sne.s32 s31, $0x0;
	s0 =	rddreg [dreg:$0x2]  }
0x215: {  	s0 =	sadd.s32 @!p0 $0x100000, s0  }
0x216: {  	[sflag:s0] =	ssyncadd.tile.s32 @!p0 $0x1;
	_ =	shalt  }
.Lfunc_end2:
_tile_overlayer_lowered:
.L_overlay_start_2:
0x217: {  	(tag) =	ssettag $0x2  }
0x218: {  	s0 =	rddreg [dreg:$0x0];
	s2 =	stileid.u32  }
0x219: {  	s1 =	rddreg [dreg:$0x1];
	p0 =	sne.s32 s2, $0x0  }
0x21a: {  	s3 =	rddreg [dreg:$0x2];
	[bflag:$0x3] =	sbarrier.arrive $0xFFFF;
	s2 =	simm.s32 @!p0 $0x1C03  }
0x21b: {  	[timem:s3], [sflag:s2] =	dma.local @!p0 [hbm:s0], s1  }
0x21c: {  	s0 =	simm.s32 @!p0 $0x3  }
0x21d: {  	_ =	swait.ge @!p0 [sflag:s0], s1  }
0x21e: {  	s1 =	ssub.s32 @!p0 $0x0, s1;
	[sflag:s0] =	ssyncset.done @!p0 $0x0  }
0x21f: {  	[sflag:s0] =	ssyncadd.s32 @!p0 s1  }
0x220: {  	[bflag:$0x3] =	sbarrier.arrive $0xFFFF  }
0x221: {  	_ =	shalt  }

</sc_bundles>
